<compile_context>
chip_gen: v7x
topology: tpu7x:2x2x1
jax: 0.10.2.dev20260603
libtpu: 0.0.44.dev20260713+nightly
codegen_flags: <defaults>
</compile_context>

<pallas_src>
import functools
import jax
import jax.numpy as jnp
from jax import lax
from jax.experimental import pallas as pl
from jax.experimental.pallas import tpu as pltpu
from jax.experimental.pallas import tpu_sc as plsc

N = 100000
E = 1600000
C = 32
G = 64

ZCH = N // 16

W_A = 1000
NWIN_A = 50
CKW_A = 10
NCH_A = NWIN_A // CKW_A
W_B = 800
NWIN_B = 125


def _sc_mesh():
    return plsc.VectorSubcoreMesh(core_axis_name="c", subcore_axis_name="s")


def _sedeg_body(ea8_hbm, ei_hbm, z8_hbm, out_hbm,
                acc8, ea_v, idx_v, lsem, ssem, isem):
    dst_hbm = ei_hbm.at[1]
    c = lax.axis_index("c")
    s = lax.axis_index("s")
    pltpu.sync_copy(z8_hbm, acc8.at[pl.ds(s * ZCH, ZCH)])
    t = c * 16 + s
    base_edge = t * (NWIN_A * W_A)
    plsc.subcore_barrier()

    def load_chunk(k):
        pltpu.async_copy(
            dst_hbm.at[pl.ds(base_edge + k * (CKW_A * W_A), CKW_A * W_A)],
            idx_v.at[lax.rem(k, 2)], isem)

    pltpu.sync_copy(dst_hbm.at[pl.ds(base_edge, CKW_A * W_A)], idx_v.at[0])
    load_chunk(1)

    def load(w, b):
        pltpu.async_copy(ea8_hbm.at[pl.ds(base_edge + w * W_A, W_A)],
                         ea_v.at[b], lsem)

    load(0, 0)
    dummy_idx = idx_v.at[0].at[pl.ds(0, W_A)]

    def body(w, _):
        b = lax.rem(w, 2)
        nb = 1 - b
        j = lax.rem(w, CKW_A)
        k = lax.div(w, CKW_A)
        idx_w = idx_v.at[lax.rem(k, 2)].at[pl.ds(j * W_A, W_A)]

        @pl.when(w >= 1)
        def _():
            pltpu.make_async_copy(ea_v.at[nb], acc8.at[dummy_idx],
                                  ssem).wait()

        @pl.when((j == 0) & (k >= 1))
        def _():
            pltpu.make_async_copy(dst_hbm.at[pl.ds(0, CKW_A * W_A)],
                                  idx_v.at[lax.rem(k, 2)], isem).wait()

        @pl.when((j == 0) & (k >= 1) & (k + 1 < NCH_A))
        def _():
            load_chunk(k + 1)

        @pl.when(w + 1 < NWIN_A)
        def _():
            load(w + 1, nb)

        pltpu.make_async_copy(ea8_hbm.at[pl.ds(0, W_A)], ea_v.at[b], lsem).wait()
        pltpu.async_copy(ea_v.at[b], acc8.at[idx_w], ssem, add=True)
        return 0

    lax.fori_loop(0, NWIN_A, body, 0)
    lb = (NWIN_A - 1) % 2
    pltpu.make_async_copy(ea_v.at[lb], acc8.at[dummy_idx], ssem).wait()
    plsc.subcore_barrier()
    pltpu.sync_copy(acc8.at[pl.ds(s * ZCH, ZCH)],
                    out_hbm.at[c, pl.ds(s * ZCH, ZCH)])


def _make_sedeg_kernel():
    return pl.kernel(
        _sedeg_body,
        out_type=jax.ShapeDtypeStruct((2, N, 8), jnp.float32),
        mesh=_sc_mesh(),
        compiler_params=pltpu.CompilerParams(use_tc_tiling_on_sc=False),
        scratch_types=[
            pltpu.VMEM_SHARED((N, 8), jnp.float32),
            pltpu.VMEM((2, W_A, 8), jnp.float32),
            pltpu.VMEM((2, CKW_A * W_A), jnp.int32),
            pltpu.SemaphoreType.DMA,
            pltpu.SemaphoreType.DMA,
            pltpu.SemaphoreType.DMA,
        ],
    )


def _spmm_body(hl_hbm, hr_hbm, ei_hbm, z16_hbm, sed_hbm, out_hbm,
               acc, rows_v, sidx_v, didx_v, gsem, ssem, isem):
    del sed_hbm
    src_hbm = ei_hbm.at[0]
    dst_hbm = ei_hbm.at[1]
    c = lax.axis_index("c")
    s = lax.axis_index("s")
    pltpu.sync_copy(z16_hbm, acc.at[pl.ds(s * ZCH, ZCH)])
    plsc.subcore_barrier()
    base_edge = s * (NWIN_B * W_B)

    def load_idx(w):
        e0 = base_edge + w * W_B
        pltpu.async_copy(src_hbm.at[pl.ds(e0, W_B)],
                         sidx_v.at[lax.rem(w, 2)], isem)
        pltpu.async_copy(dst_hbm.at[pl.ds(e0, W_B)],
                         didx_v.at[lax.rem(w, 3)], isem)

    def gather(w, b):
        sl = sidx_v.at[lax.rem(w, 2)]

        @pl.when(c == 0)
        def _():
            pltpu.async_copy(hl_hbm.at[sl], rows_v.at[b], gsem)

        @pl.when(c == 1)
        def _():
            pltpu.async_copy(hr_hbm.at[sl], rows_v.at[b], gsem)

    pltpu.sync_copy(src_hbm.at[pl.ds(base_edge, W_B)], sidx_v.at[0])
    pltpu.sync_copy(dst_hbm.at[pl.ds(base_edge, W_B)], didx_v.at[0])
    gather(0, 0)
    load_idx(1)

    def body(w, _):
        b = lax.rem(w, 2)
        nb = 1 - b

        @pl.when(w >= 1)
        def _():
            pltpu.make_async_copy(
                rows_v.at[nb],
                acc.at[didx_v.at[lax.rem(w - 1, 3)]],
                ssem).wait()

        @pl.when(w + 1 < NWIN_B)
        def _():
            pltpu.make_async_copy(src_hbm.at[pl.ds(0, W_B)], sidx_v.at[nb],
                                  isem).wait()
            pltpu.make_async_copy(dst_hbm.at[pl.ds(0, W_B)], didx_v.at[0],
                                  isem).wait()
            gather(w + 1, nb)

        pltpu.make_async_copy(hl_hbm.at[pl.ds(0, W_B)], rows_v.at[b],
                              gsem).wait()

        @pl.when(w + 2 < NWIN_B)
        def _():
            load_idx(w + 2)

        pltpu.async_copy(rows_v.at[b],
                         acc.at[didx_v.at[lax.rem(w, 3)]],
                         ssem, add=True)
        return 0

    lax.fori_loop(0, NWIN_B, body, 0)
    lb = (NWIN_B - 1) % 2
    pltpu.make_async_copy(
        rows_v.at[lb],
        acc.at[didx_v.at[lax.rem(NWIN_B - 1, 3)]],
        ssem).wait()
    plsc.subcore_barrier()
    pltpu.sync_copy(acc.at[pl.ds(s * ZCH, ZCH)], out_hbm.at[c, pl.ds(s * ZCH, ZCH)])


def _make_spmm_kernel():
    return pl.kernel(
        _spmm_body,
        out_type=jax.ShapeDtypeStruct((2, N, 16), jnp.float32),
        mesh=_sc_mesh(),
        compiler_params=pltpu.CompilerParams(use_tc_tiling_on_sc=False),
        scratch_types=[
            pltpu.VMEM_SHARED((N, 16), jnp.float32),
            pltpu.VMEM((2, W_B, 16), jnp.float32),
            pltpu.VMEM((2, W_B), jnp.int32),
            pltpu.VMEM((3, W_B), jnp.int32),
            pltpu.SemaphoreType.DMA,
            pltpu.SemaphoreType.DMA,
            pltpu.SemaphoreType.DMA,
        ],
    )


BLK = 800
NBLK = N // BLK


def _readin_body(state_ref, action_ref, wins_ref, wina_ref, b_ref, hl_ref, hr_ref):
    h = state_ref[...] @ wins_ref[...] + action_ref[...] @ wina_ref[...] + b_ref[...]
    h = jnp.where(h > 0, h, 0.01 * h)
    hl_ref[...] = h[:, :16]
    hr_ref[...] = h[:, 16:]


def _readin(state, action, w_s, w_a, b):
    return pl.pallas_call(
        _readin_body,
        grid=(NBLK,),
        in_specs=[
            pl.BlockSpec((BLK, 96), lambda i: (i, 0)),
            pl.BlockSpec((BLK, 32), lambda i: (i, 0)),
            pl.BlockSpec((96, 32), lambda i: (0, 0)),
            pl.BlockSpec((32, 32), lambda i: (0, 0)),
            pl.BlockSpec((1, 32), lambda i: (0, 0)),
        ],
        out_specs=[
            pl.BlockSpec((BLK, 16), lambda i: (i, 0)),
            pl.BlockSpec((BLK, 16), lambda i: (i, 0)),
        ],
        out_shape=[
            jax.ShapeDtypeStruct((N, 16), jnp.float32),
            jax.ShapeDtypeStruct((N, 16), jnp.float32),
        ],
    )(state, action, w_s, w_a, b)


def _layer_body(hl_ref, hr_ref, t0_ref, t1_ref, s0_ref, s1_ref,
                wself_ref, b_ref, a_ref, b4_ref, ol_ref, or_ref):
    h = jnp.concatenate([hl_ref[...], hr_ref[...]], axis=1)
    t = jnp.concatenate([t0_ref[0], t1_ref[0]], axis=1)
    se = s0_ref[0, :, :4] + s1_ref[0, :, :4]
    deg = jnp.clip(s0_ref[0, :, 4:5] + s1_ref[0, :, 4:5], 1.0, None)
    agg = (t @ a_ref[...] + se @ b4_ref[...]) / deg
    hn = h @ wself_ref[...] + b_ref[...] + agg
    hn = jnp.where(hn > 0, hn, 0.01 * hn)
    ol_ref[...] = hn[:, :16]
    or_ref[...] = hn[:, 16:]


def _layer(hl, hr, t, sed, wself, b, a, b4):
    return pl.pallas_call(
        _layer_body,
        grid=(NBLK,),
        in_specs=[
            pl.BlockSpec((BLK, 16), lambda i: (i, 0)),
            pl.BlockSpec((BLK, 16), lambda i: (i, 0)),
            pl.BlockSpec((1, BLK, 16), lambda i: (0, i, 0)),
            pl.BlockSpec((1, BLK, 16), lambda i: (1, i, 0)),
            pl.BlockSpec((1, BLK, 8), lambda i: (0, i, 0)),
            pl.BlockSpec((1, BLK, 8), lambda i: (1, i, 0)),
            pl.BlockSpec((32, 32), lambda i: (0, 0)),
            pl.BlockSpec((1, 32), lambda i: (0, 0)),
            pl.BlockSpec((32, 32), lambda i: (0, 0)),
            pl.BlockSpec((4, 32), lambda i: (0, 0)),
        ],
        out_specs=[
            pl.BlockSpec((BLK, 16), lambda i: (i, 0)),
            pl.BlockSpec((BLK, 16), lambda i: (i, 0)),
        ],
        out_shape=[
            jax.ShapeDtypeStruct((N, 16), jnp.float32),
            jax.ShapeDtypeStruct((N, 16), jnp.float32),
        ],
    )(hl, hr, t, t, sed, sed, wself, b, a, b4)


def _layer_ro_body(hl_ref, hr_ref, t0_ref, t1_ref, s0_ref, s1_ref,
                   wself_ref, b_ref, a_ref, b4_ref, batch_ref,
                   wout_ref, bout_ref, out_ref, sums_ref, cnt_ref):
    i = pl.program_id(0)

    @pl.when(i == 0)
    def _():
        sums_ref[...] = jnp.zeros_like(sums_ref)
        cnt_ref[...] = jnp.zeros_like(cnt_ref)

    h = jnp.concatenate([hl_ref[...], hr_ref[...]], axis=1)
    t = jnp.concatenate([t0_ref[0], t1_ref[0]], axis=1)
    se = s0_ref[0, :, :4] + s1_ref[0, :, :4]
    deg = jnp.clip(s0_ref[0, :, 4:5] + s1_ref[0, :, 4:5], 1.0, None)
    agg = (t @ a_ref[...] + se @ b4_ref[...]) / deg
    hn = h @ wself_ref[...] + b_ref[...] + agg
    hn = jnp.where(hn > 0, hn, 0.01 * hn)
    y = hn @ wout_ref[...] + bout_ref[...]
    gids = jax.lax.broadcasted_iota(jnp.int32, (1, G), 1)
    onehot = (batch_ref[...] == gids).astype(jnp.float32)
    sums_ref[...] += jnp.sum(onehot * y, axis=0, keepdims=True)
    cnt_ref[...] += jnp.sum(onehot, axis=0, keepdims=True)

    @pl.when(i == NBLK - 1)
    def _():
        out_ref[...] = sums_ref[...] / jnp.clip(cnt_ref[...], 1.0, None)


def _layer_readout(hl, hr, t, sed, wself, b, a, b4, batch_col, wout, bout):
    return pl.pallas_call(
        _layer_ro_body,
        grid=(NBLK,),
        in_specs=[
            pl.BlockSpec((BLK, 16), lambda i: (i, 0)),
            pl.BlockSpec((BLK, 16), lambda i: (i, 0)),
            pl.BlockSpec((1, BLK, 16), lambda i: (0, i, 0)),
            pl.BlockSpec((1, BLK, 16), lambda i: (1, i, 0)),
            pl.BlockSpec((1, BLK, 8), lambda i: (0, i, 0)),
            pl.BlockSpec((1, BLK, 8), lambda i: (1, i, 0)),
            pl.BlockSpec((32, 32), lambda i: (0, 0)),
            pl.BlockSpec((1, 32), lambda i: (0, 0)),
            pl.BlockSpec((32, 32), lambda i: (0, 0)),
            pl.BlockSpec((4, 32), lambda i: (0, 0)),
            pl.BlockSpec((BLK, 1), lambda i: (i, 0)),
            pl.BlockSpec((32, 1), lambda i: (0, 0)),
            pl.BlockSpec((1, 1), lambda i: (0, 0)),
        ],
        out_specs=pl.BlockSpec((1, G), lambda i: (0, 0)),
        out_shape=jax.ShapeDtypeStruct((1, G), jnp.float32),
        scratch_shapes=[
            pltpu.VMEM((1, G), jnp.float32),
            pltpu.VMEM((1, G), jnp.float32),
        ],
    )(hl, hr, t, t, sed, sed, wself, b, a, b4, batch_col, wout, bout)


@jax.jit
def kernel(state, action, edge_index, edge_attr, batch,
           W_in, b_in, W_msg0, W_self0, b0, W_msg1, W_self1, b1, W_out, b_out):
    ea8 = jnp.concatenate(
        [edge_attr,
         jnp.ones((E, 1), jnp.float32),
         jnp.zeros((E, 3), jnp.float32)], axis=1)
    z8 = jnp.zeros((ZCH, 8), jnp.float32)
    z16 = jnp.zeros((ZCH, 16), jnp.float32)

    sed = _make_sedeg_kernel()(ea8, edge_index, z8)

    hl, hr = _readin(state, action, W_in[:96], W_in[96:], b_in.reshape(1, C))

    spmm = _make_spmm_kernel()
    t = spmm(hl, hr, edge_index, z16, sed)
    hl, hr = _layer(hl, hr, t, sed,
                    W_self0, b0.reshape(1, C), W_msg0[:C], W_msg0[C:])

    t = spmm(hl, hr, edge_index, z16, sed)
    out = _layer_readout(hl, hr, t, sed,
                         W_self1, b1.reshape(1, C), W_msg1[:C], W_msg1[C:],
                         batch.reshape(N, 1), W_out, b_out.reshape(1, 1))
    return out.reshape(G, 1)

# --- scband reference (transcript-rebuilt; emitter-appended) ---
"""Pipeline reference for scband-gnncritic-82609400971716 (READ-ONLY COPY).

The authoritative reference and input builder live on the scoring server;
editing this copy changes nothing except your own understanding.
"""

import jax, jax.numpy as jnp
import numpy as np

N = 100000
E = 1600000
D_STATE = 96
D_ACTION = 32
D_EDGE = 4
C = 32
G = 64


def leaky_relu(x):
    return jnp.where(x > 0, x, 0.01 * x)


def setup_inputs(seed: int = 0):
    key = jax.random.key(seed)
    ks = jax.random.split(key, 12)
    inp = {}
    inp["state"] = jax.random.normal(ks[0], (N, D_STATE), jnp.float32)
    inp["action"] = jax.random.normal(ks[1], (N, D_ACTION), jnp.float32)
    inp["edge_index"] = jax.random.randint(ks[2], (2, E), 0, N, jnp.int32)
    inp["edge_attr"] = jax.random.normal(ks[3], (E, D_EDGE), jnp.float32)
    inp["batch"] = jnp.sort(jax.random.randint(ks[4], (N,), 0, G, jnp.int32))
    s = 0.1
    inp["W_in"] = s * jax.random.normal(ks[5], (D_STATE + D_ACTION, C), jnp.float32)
    inp["b_in"] = jnp.zeros((C,), jnp.float32)
    inp["W_msg0"] = s * jax.random.normal(ks[6], (C + D_EDGE, C), jnp.float32)
    inp["W_self0"] = s * jax.random.normal(ks[7], (C, C), jnp.float32)
    inp["b0"] = jnp.zeros((C,), jnp.float32)
    inp["W_msg1"] = s * jax.random.normal(ks[8], (C + D_EDGE, C), jnp.float32)
    inp["W_self1"] = s * jax.random.normal(ks[9], (C, C), jnp.float32)
    inp["b1"] = jnp.zeros((C,), jnp.float32)
    inp["W_out"] = s * jax.random.normal(ks[10], (C, 1), jnp.float32)
    inp["b_out"] = jnp.zeros((1,), jnp.float32)
    return inp


def _forward(state, action, edge_attr, W_in, b_in, W_msg0, W_self0, b0, W_msg1, W_self1, b1, W_out, b_out, edge_index, batch):
    src = edge_index[0]
    dst = edge_index[1]
    # GNNCritic.forward: concat state and action
    x = jnp.concatenate([state, action], axis=-1)
    # ComplexGCN read-in (mlp_read_layers=1)
    h = leaky_relu(x @ W_in + b_in)
    ones_e = jnp.ones((E,), jnp.float32)
    deg = jnp.clip(jax.ops.segment_sum(ones_e, dst, num_segments=N), 1.0, None)
    # n_layers=2 edge-conditioned message passing with mean aggregation
    for (W_msg, W_self, b) in ((W_msg0, W_self0, b0), (W_msg1, W_self1, b1)):
        m = jnp.concatenate([h[src], edge_attr], axis=-1) @ W_msg
        agg = jax.ops.segment_sum(m, dst, num_segments=N) / deg[:, None]
        h = leaky_relu(h @ W_self + b + agg)
    # read-out to scalar per node
    y = h @ W_out + b_out
    # scatter_mean over graph batch ids
    ones_n = jnp.ones((N,), jnp.float32)
    cnt = jnp.clip(jax.ops.segment_sum(ones_n, batch, num_segments=G), 1.0, None)
    out = jax.ops.segment_sum(y, batch, num_segments=G) / cnt[:, None]
    return out


def reference(state, action, edge_index, edge_attr, batch, W_in, b_in, W_msg0, W_self0, b0, W_msg1, W_self1, b1, W_out, b_out):
    return _forward(state, action, edge_attr, W_in, b_in, W_msg0, W_self0, b0, W_msg1, W_self1, b1, W_out, b_out, edge_index, batch)

if __name__ == "__main__":
    import jax
    _d = setup_inputs()
    print(jax.jit(kernel)(*tuple(_d.values())))

</pallas_src>

<mosaic_0001>
#map = affine_map<(d0, d1) -> (0, 0)>
#map1 = affine_map<(d0, d1) -> (0, 0, 0)>
module attributes {stable_mosaic.version = 14 : i64} {
  func.func @_sedeg_body(%arg0: i32, %arg1: i32, %arg2: memref<1600000x8xf32, #tpu.memory_space<hbm>>, %arg3: memref<2x1600000xi32, #tpu.memory_space<hbm>>, %arg4: memref<6250x8xf32, #tpu.memory_space<hbm>>, %arg5: memref<2x100000x8xf32, #tpu.memory_space<hbm>>, %arg6: memref<100000x8xf32, #tpu.memory_space<vmem_shared>>, %arg7: memref<2x1000x8xf32, #tpu.memory_space<vmem>>, %arg8: memref<2x10000xi32, #tpu.memory_space<vmem>>, %arg9: memref<!tpu.dma_semaphore, #tpu.memory_space<semaphore_mem>>, %arg10: memref<!tpu.dma_semaphore, #tpu.memory_space<semaphore_mem>>, %arg11: memref<!tpu.dma_semaphore, #tpu.memory_space<semaphore_mem>>) attributes {dimension_semantics = [#tpu.dimension_semantics<core_parallel>, #tpu.dimension_semantics<subcore_parallel>], iteration_bounds = array<i64: 2, 16>, scalar_prefetch = 0 : i64, scratch_operands = 6 : i64, tpu.core_type = #tpu.core_type<sc_vector_subcore>, window_params = [{transform_indices = #map}, {transform_indices = #map}, {transform_indices = #map}, {transform_indices = #map1}]} {
    %mul3A = arith.constant 6250 : i32
    %mul3A_0 = arith.muli %arg1, %mul3A : i32
    "tpu.region"() ({
      %run_scoped3A_65 = tpu.sem_alloc : memref<!tpu.dma_semaphore, #tpu.memory_space<semaphore_mem>>
      %dma_start3A_66 = arith.constant 0 : i32
      %dma_start3A_67 = tpu.memref_slice %arg6[%mul3A_0, %dma_start3A_66] : memref<100000x8xf32, #tpu.memory_space<vmem_shared>> -> memref<6250x8xf32, #tpu.memory_space<vmem_shared>>
      tpu.enqueue_dma source(%arg4 : memref<6250x8xf32, #tpu.memory_space<hbm>>) target(%dma_start3A_67 : memref<6250x8xf32, #tpu.memory_space<vmem_shared>>) target_semaphore(%run_scoped3A_65 : memref<!tpu.dma_semaphore, #tpu.memory_space<semaphore_mem>>)
      %dma_wait3A_68 = arith.constant 0 : i32
      %dma_wait3A_69 = tpu.memref_slice %arg6[%mul3A_0, %dma_wait3A_68] : memref<100000x8xf32, #tpu.memory_space<vmem_shared>> -> memref<6250x8xf32, #tpu.memory_space<vmem_shared>>
      tpu.wait_dma2 semaphore(%run_scoped3A_65 : memref<!tpu.dma_semaphore, #tpu.memory_space<semaphore_mem>>) src(%arg4 : memref<6250x8xf32, #tpu.memory_space<hbm>>) dst(%dma_wait3A_69 : memref<6250x8xf32, #tpu.memory_space<vmem_shared>>)
      tpu.yield
    }) : () -> ()
    %mul3A_1 = arith.constant 16 : i32
    %mul3A_2 = arith.muli %arg0, %mul3A_1 : i32
    %add3A = arith.addi %mul3A_2, %arg1 : i32
    %mul3A_3 = arith.constant 50000 : i32
    %mul3A_4 = arith.muli %add3A, %mul3A_3 : i32
    %barrier3A = arith.constant 0 : index
    tpu.barrier barrier_id(%barrier3A)
    %run_scoped3A = arith.constant 1 : i32
    %run_scoped3A_5 = arith.constant 0 : i32
    "tpu.region"() ({
      %run_scoped3A_65 = tpu.sem_alloc : memref<!tpu.dma_semaphore, #tpu.memory_space<semaphore_mem>>
      %dma_start3A_66 = arith.constant 0 : i32
      %dma_start3A_67 = tpu.memref_slice %arg8[%run_scoped3A_5, %dma_start3A_66] : memref<2x10000xi32, #tpu.memory_space<vmem>> -> memref<1x10000xi32, #tpu.memory_space<vmem>>
      %dma_start3A_68 = tpu.memref_squeeze %dma_start3A_67 : memref<1x10000xi32, #tpu.memory_space<vmem>> -> memref<10000xi32, #tpu.memory_space<vmem>>
      %dma_start3A_69 = arith.constant 0 : i32
      %dma_start3A_70 = tpu.memref_slice %arg3[%run_scoped3A, %dma_start3A_69] : memref<2x1600000xi32, #tpu.memory_space<hbm>> -> memref<1x1600000xi32, #tpu.memory_space<hbm>>
      %dma_start3A_71 = tpu.memref_squeeze %dma_start3A_70 : memref<1x1600000xi32, #tpu.memory_space<hbm>> -> memref<1600000xi32, #tpu.memory_space<hbm>>
      %dma_start3A_72 = tpu.memref_slice %dma_start3A_71[%mul3A_4] : memref<1600000xi32, #tpu.memory_space<hbm>> -> memref<10000xi32, #tpu.memory_space<hbm>>
      %dma_start3A_73 = arith.constant 0 : i32
      %dma_start3A_74 = tpu.memref_slice %arg8[%run_scoped3A_5, %dma_start3A_73] : memref<2x10000xi32, #tpu.memory_space<vmem>> -> memref<1x10000xi32, #tpu.memory_space<vmem>>
      %dma_start3A_75 = tpu.memref_squeeze %dma_start3A_74 : memref<1x10000xi32, #tpu.memory_space<vmem>> -> memref<10000xi32, #tpu.memory_space<vmem>>
      %dma_start3A_76 = arith.constant 0 : i32
      %dma_start3A_77 = tpu.memref_slice %arg3[%run_scoped3A, %dma_start3A_76] : memref<2x1600000xi32, #tpu.memory_space<hbm>> -> memref<1x1600000xi32, #tpu.memory_space<hbm>>
      %dma_start3A_78 = tpu.memref_squeeze %dma_start3A_77 : memref<1x1600000xi32, #tpu.memory_space<hbm>> -> memref<1600000xi32, #tpu.memory_space<hbm>>
      %dma_start3A_79 = tpu.memref_slice %dma_start3A_78[%mul3A_4] : memref<1600000xi32, #tpu.memory_space<hbm>> -> memref<10000xi32, #tpu.memory_space<hbm>>
      tpu.enqueue_dma source(%dma_start3A_79 : memref<10000xi32, #tpu.memory_space<hbm>>) target(%dma_start3A_75 : memref<10000xi32, #tpu.memory_space<vmem>>) target_semaphore(%run_scoped3A_65 : memref<!tpu.dma_semaphore, #tpu.memory_space<semaphore_mem>>)
      %dma_wait3A_80 = arith.constant 0 : i32
      %dma_wait3A_81 = tpu.memref_slice %arg8[%run_scoped3A_5, %dma_wait3A_80] : memref<2x10000xi32, #tpu.memory_space<vmem>> -> memref<1x10000xi32, #tpu.memory_space<vmem>>
      %dma_wait3A_82 = tpu.memref_squeeze %dma_wait3A_81 : memref<1x10000xi32, #tpu.memory_space<vmem>> -> memref<10000xi32, #tpu.memory_space<vmem>>
      %dma_wait3A_83 = arith.constant 0 : i32
      %dma_wait3A_84 = tpu.memref_slice %arg3[%run_scoped3A, %dma_wait3A_83] : memref<2x1600000xi32, #tpu.memory_space<hbm>> -> memref<1x1600000xi32, #tpu.memory_space<hbm>>
      %dma_wait3A_85 = tpu.memref_squeeze %dma_wait3A_84 : memref<1x1600000xi32, #tpu.memory_space<hbm>> -> memref<1600000xi32, #tpu.memory_space<hbm>>
      %dma_wait3A_86 = tpu.memref_slice %dma_wait3A_85[%mul3A_4] : memref<1600000xi32, #tpu.memory_space<hbm>> -> memref<10000xi32, #tpu.memory_space<hbm>>
      %dma_wait3A_87 = arith.constant 0 : i32
      %dma_wait3A_88 = tpu.memref_slice %arg8[%run_scoped3A_5, %dma_wait3A_87] : memref<2x10000xi32, #tpu.memory_space<vmem>> -> memref<1x10000xi32, #tpu.memory_space<vmem>>
      %dma_wait3A_89 = tpu.memref_squeeze %dma_wait3A_88 : memref<1x10000xi32, #tpu.memory_space<vmem>> -> memref<10000xi32, #tpu.memory_space<vmem>>
      %dma_wait3A_90 = arith.constant 0 : i32
      %dma_wait3A_91 = tpu.memref_slice %arg3[%run_scoped3A, %dma_wait3A_90] : memref<2x1600000xi32, #tpu.memory_space<hbm>> -> memref<1x1600000xi32, #tpu.memory_space<hbm>>
      %dma_wait3A_92 = tpu.memref_squeeze %dma_wait3A_91 : memref<1x1600000xi32, #tpu.memory_space<hbm>> -> memref<1600000xi32, #tpu.memory_space<hbm>>
      %dma_wait3A_93 = tpu.memref_slice %dma_wait3A_92[%mul3A_4] : memref<1600000xi32, #tpu.memory_space<hbm>> -> memref<10000xi32, #tpu.memory_space<hbm>>
      tpu.wait_dma2 semaphore(%run_scoped3A_65 : memref<!tpu.dma_semaphore, #tpu.memory_space<semaphore_mem>>) src(%dma_wait3A_93 : memref<10000xi32, #tpu.memory_space<hbm>>) dst(%dma_wait3A_89 : memref<10000xi32, #tpu.memory_space<vmem>>)
      tpu.yield
    }) : () -> ()
    %add3A_6 = arith.constant 10000 : i32
    %add3A_7 = arith.addi %mul3A_4, %add3A_6 : i32
    %rem3A = arith.constant 1 : i32
    %rem3A_8 = arith.constant 2 : i32
    %rem3A_9 = arith.remsi %rem3A, %rem3A_8 : i32
    %dma_start3A = arith.constant 1 : i32
    %dma_start3A_10 = arith.constant 0 : i32
    %dma_start3A_11 = tpu.memref_slice %arg8[%rem3A_9, %dma_start3A_10] : memref<2x10000xi32, #tpu.memory_space<vmem>> -> memref<1x10000xi32, #tpu.memory_space<vmem>>
    %dma_start3A_12 = tpu.memref_squeeze %dma_start3A_11 : memref<1x10000xi32, #tpu.memory_space<vmem>> -> memref<10000xi32, #tpu.memory_space<vmem>>
    %dma_start3A_13 = arith.constant 0 : i32
    %dma_start3A_14 = tpu.memref_slice %arg3[%dma_start3A, %dma_start3A_13] : memref<2x1600000xi32, #tpu.memory_space<hbm>> -> memref<1x1600000xi32, #tpu.memory_space<hbm>>
    %dma_start3A_15 = tpu.memref_squeeze %dma_start3A_14 : memref<1x1600000xi32, #tpu.memory_space<hbm>> -> memref<1600000xi32, #tpu.memory_space<hbm>>
    %dma_start3A_16 = tpu.memref_slice %dma_start3A_15[%add3A_7] : memref<1600000xi32, #tpu.memory_space<hbm>> -> memref<10000xi32, #tpu.memory_space<hbm>>
    %dma_start3A_17 = arith.constant 0 : i32
    %dma_start3A_18 = tpu.memref_slice %arg8[%rem3A_9, %dma_start3A_17] : memref<2x10000xi32, #tpu.memory_space<vmem>> -> memref<1x10000xi32, #tpu.memory_space<vmem>>
    %dma_start3A_19 = tpu.memref_squeeze %dma_start3A_18 : memref<1x10000xi32, #tpu.memory_space<vmem>> -> memref<10000xi32, #tpu.memory_space<vmem>>
    %dma_start3A_20 = arith.constant 0 : i32
    %dma_start3A_21 = tpu.memref_slice %arg3[%dma_start3A, %dma_start3A_20] : memref<2x1600000xi32, #tpu.memory_space<hbm>> -> memref<1x1600000xi32, #tpu.memory_space<hbm>>
    %dma_start3A_22 = tpu.memref_squeeze %dma_start3A_21 : memref<1x1600000xi32, #tpu.memory_space<hbm>> -> memref<1600000xi32, #tpu.memory_space<hbm>>
    %dma_start3A_23 = tpu.memref_slice %dma_start3A_22[%add3A_7] : memref<1600000xi32, #tpu.memory_space<hbm>> -> memref<10000xi32, #tpu.memory_space<hbm>>
    tpu.enqueue_dma source(%dma_start3A_23 : memref<10000xi32, #tpu.memory_space<hbm>>) target(%dma_start3A_19 : memref<10000xi32, #tpu.memory_space<vmem>>) target_semaphore(%arg11 : memref<!tpu.dma_semaphore, #tpu.memory_space<semaphore_mem>>)
    %add3A_24 = arith.constant 0 : i32
    %add3A_25 = arith.addi %mul3A_4, %add3A_24 : i32
    %dma_start3A_26 = arith.constant 0 : i32
    %dma_start3A_27 = arith.constant 0 : i32
    %dma_start3A_28 = arith.constant 0 : i32
    %dma_start3A_29 = tpu.memref_slice %arg7[%dma_start3A_26, %dma_start3A_27, %dma_start3A_28] : memref<2x1000x8xf32, #tpu.memory_space<vmem>> -> memref<1x1000x8xf32, #tpu.memory_space<vmem>>
    %dma_start3A_30 = tpu.memref_squeeze %dma_start3A_29 : memref<1x1000x8xf32, #tpu.memory_space<vmem>> -> memref<1000x8xf32, #tpu.memory_space<vmem>>
    %dma_start3A_31 = arith.constant 0 : i32
    %dma_start3A_32 = tpu.memref_slice %arg2[%add3A_25, %dma_start3A_31] : memref<1600000x8xf32, #tpu.memory_space<hbm>> -> memref<1000x8xf32, #tpu.memory_space<hbm>>
    %dma_start3A_33 = arith.constant 0 : i32
    %dma_start3A_34 = arith.constant 0 : i32
    %dma_start3A_35 = tpu.memref_slice %arg7[%dma_start3A_26, %dma_start3A_33, %dma_start3A_34] : memref<2x1000x8xf32, #tpu.memory_space<vmem>> -> memref<1x1000x8xf32, #tpu.memory_space<vmem>>
    %dma_start3A_36 = tpu.memref_squeeze %dma_start3A_35 : memref<1x1000x8xf32, #tpu.memory_space<vmem>> -> memref<1000x8xf32, #tpu.memory_space<vmem>>
    %dma_start3A_37 = arith.constant 0 : i32
    %dma_start3A_38 = tpu.memref_slice %arg2[%add3A_25, %dma_start3A_37] : memref<1600000x8xf32, #tpu.memory_space<hbm>> -> memref<1000x8xf32, #tpu.memory_space<hbm>>
    tpu.enqueue_dma source(%dma_start3A_38 : memref<1000x8xf32, #tpu.memory_space<hbm>>) target(%dma_start3A_36 : memref<1000x8xf32, #tpu.memory_space<vmem>>) target_semaphore(%arg9 : memref<!tpu.dma_semaphore, #tpu.memory_space<semaphore_mem>>)
    %scan3A = arith.constant 0 : i32
    %scan3A_39 = arith.constant 1 : i32
    %scan3A_40 = arith.constant 0 : i32
    %scan3A_41 = arith.constant 0 : i32
    %scan3A_42 = arith.constant 50 : i32
    %scan3A_43 = arith.addi %scan3A_41, %scan3A_42 : i32
    %scan3A_44 = arith.constant 1 : i32
    %scan3A_45 = scf.for %scan3A_65 = %scan3A_41 to %scan3A_43 step %scan3A_44 iter_args(%scan3A_66 = %scan3A_40) -> (i32)  : i32 {
      %rem3A_67 = arith.constant 2 : i32
      %rem3A_68 = arith.remsi %scan3A_65, %rem3A_67 : i32
      %sub3A = arith.constant 1 : i32
      %sub3A_69 = arith.subi %sub3A, %rem3A_68 : i32
      %rem3A_70 = arith.constant 10 : i32
      %rem3A_71 = arith.remsi %scan3A_65, %rem3A_70 : i32
      %div3A = arith.constant 10 : i32
      %div3A_72 = arith.divsi %scan3A_65, %div3A : i32
      %rem3A_73 = arith.constant 2 : i32
      %rem3A_74 = arith.remsi %div3A_72, %rem3A_73 : i32
      %mul3A_75 = arith.constant 1000 : i32
      %mul3A_76 = arith.muli %rem3A_71, %mul3A_75 : i32
      %ge3A = arith.constant 1 : i32
      %ge3A_77 = arith.cmpi sge, %scan3A_65, %ge3A : i32
      %convert_element_type3A = arith.extui %ge3A_77 : i1 to i32
      %cond3A = arith.constant 0 : i32
      %cond3A_78 = arith.cmpi ne, %convert_element_type3A, %cond3A : i32
      scf.if %cond3A_78 {
        %dma_wait3A_130 = arith.constant 0 : i32
        %dma_wait3A_131 = arith.constant 0 : i32
        %dma_wait3A_132 = tpu.memref_slice %arg7[%sub3A_69, %dma_wait3A_130, %dma_wait3A_131] : memref<2x1000x8xf32, #tpu.memory_space<vmem>> -> memref<1x1000x8xf32, #tpu.memory_space<vmem>>
        %dma_wait3A_133 = tpu.memref_squeeze %dma_wait3A_132 : memref<1x1000x8xf32, #tpu.memory_space<vmem>> -> memref<1000x8xf32, #tpu.memory_space<vmem>>
        %dma_wait3A_134 = arith.constant 0 : i32
        %dma_wait3A_135 = tpu.memref_slice %arg8[%scan3A, %dma_wait3A_134] : memref<2x10000xi32, #tpu.memory_space<vmem>> -> memref<1x10000xi32, #tpu.memory_space<vmem>>
        %dma_wait3A_136 = tpu.memref_squeeze %dma_wait3A_135 : memref<1x10000xi32, #tpu.memory_space<vmem>> -> memref<10000xi32, #tpu.memory_space<vmem>>
        %dma_wait3A_137 = arith.constant 0 : i32
        %dma_wait3A_138 = tpu.memref_slice %dma_wait3A_136[%dma_wait3A_137] : memref<10000xi32, #tpu.memory_space<vmem>> -> memref<1000xi32, #tpu.memory_space<vmem>>
        %dma_wait3A_139 = arith.constant 0 : i32
        %dma_wait3A_140 = arith.constant 0 : i32
        %dma_wait3A_141 = tpu.memref_slice %arg6[%dma_wait3A_139, %dma_wait3A_140] : memref<100000x8xf32, #tpu.memory_space<vmem_shared>> -> memref<100000x8xf32, #tpu.memory_space<vmem_shared>>
        tpu.wait_indirect_dma semaphore(%arg10 : memref<!tpu.dma_semaphore, #tpu.memory_space<semaphore_mem>>) src(%dma_wait3A_133 : memref<1000x8xf32, #tpu.memory_space<vmem>>) dst(%dma_wait3A_141 : memref<100000x8xf32, #tpu.memory_space<vmem_shared>>)
      } else {
      }
      %eq3A = arith.constant 0 : i32
      %eq3A_79 = arith.cmpi eq, %rem3A_71, %eq3A : i32
      %ge3A_80 = arith.constant 1 : i32
      %ge3A_81 = arith.cmpi sge, %div3A_72, %ge3A_80 : i32
      %and3A = arith.andi %eq3A_79, %ge3A_81 : i1
      %convert_element_type3A_82 = arith.extui %and3A : i1 to i32
      %cond3A_83 = arith.constant 0 : i32
      %cond3A_84 = arith.cmpi ne, %convert_element_type3A_82, %cond3A_83 : i32
      scf.if %cond3A_84 {
        %rem3A_130 = arith.constant 2 : i32
        %rem3A_131 = arith.remsi %div3A_72, %rem3A_130 : i32
        %dma_wait3A_132 = arith.constant 0 : i32
        %dma_wait3A_133 = tpu.memref_slice %arg8[%rem3A_131, %dma_wait3A_132] : memref<2x10000xi32, #tpu.memory_space<vmem>> -> memref<1x10000xi32, #tpu.memory_space<vmem>>
        %dma_wait3A_134 = tpu.memref_squeeze %dma_wait3A_133 : memref<1x10000xi32, #tpu.memory_space<vmem>> -> memref<10000xi32, #tpu.memory_space<vmem>>
        %dma_wait3A_135 = arith.constant 0 : i32
        %dma_wait3A_136 = tpu.memref_slice %arg3[%scan3A_39, %dma_wait3A_135] : memref<2x1600000xi32, #tpu.memory_space<hbm>> -> memref<1x1600000xi32, #tpu.memory_space<hbm>>
        %dma_wait3A_137 = tpu.memref_squeeze %dma_wait3A_136 : memref<1x1600000xi32, #tpu.memory_space<hbm>> -> memref<1600000xi32, #tpu.memory_space<hbm>>
        %dma_wait3A_138 = arith.constant 0 : i32
        %dma_wait3A_139 = tpu.memref_slice %dma_wait3A_137[%dma_wait3A_138] : memref<1600000xi32, #tpu.memory_space<hbm>> -> memref<10000xi32, #tpu.memory_space<hbm>>
        %dma_wait3A_140 = arith.constant 0 : i32
        %dma_wait3A_141 = tpu.memref_slice %arg8[%rem3A_131, %dma_wait3A_140] : memref<2x10000xi32, #tpu.memory_space<vmem>> -> memref<1x10000xi32, #tpu.memory_space<vmem>>
        %dma_wait3A_142 = tpu.memref_squeeze %dma_wait3A_141 : memref<1x10000xi32, #tpu.memory_space<vmem>> -> memref<10000xi32, #tpu.memory_space<vmem>>
        %dma_wait3A_143 = arith.constant 0 : i32
        %dma_wait3A_144 = tpu.memref_slice %arg3[%scan3A_39, %dma_wait3A_143] : memref<2x1600000xi32, #tpu.memory_space<hbm>> -> memref<1x1600000xi32, #tpu.memory_space<hbm>>
        %dma_wait3A_145 = tpu.memref_squeeze %dma_wait3A_144 : memref<1x1600000xi32, #tpu.memory_space<hbm>> -> memref<1600000xi32, #tpu.memory_space<hbm>>
        %dma_wait3A_146 = arith.constant 0 : i32
        %dma_wait3A_147 = tpu.memref_slice %dma_wait3A_145[%dma_wait3A_146] : memref<1600000xi32, #tpu.memory_space<hbm>> -> memref<10000xi32, #tpu.memory_space<hbm>>
        tpu.wait_dma2 semaphore(%arg11 : memref<!tpu.dma_semaphore, #tpu.memory_space<semaphore_mem>>) src(%dma_wait3A_147 : memref<10000xi32, #tpu.memory_space<hbm>>) dst(%dma_wait3A_142 : memref<10000xi32, #tpu.memory_space<vmem>>)
      } else {
      }
      %eq3A_85 = arith.constant 0 : i32
      %eq3A_86 = arith.cmpi eq, %rem3A_71, %eq3A_85 : i32
      %ge3A_87 = arith.constant 1 : i32
      %ge3A_88 = arith.cmpi sge, %div3A_72, %ge3A_87 : i32
      %and3A_89 = arith.andi %eq3A_86, %ge3A_88 : i1
      %add3A_90 = arith.constant 1 : i32
      %add3A_91 = arith.addi %div3A_72, %add3A_90 : i32
      %lt3A = arith.constant 5 : i32
      %lt3A_92 = arith.cmpi slt, %add3A_91, %lt3A : i32
      %and3A_93 = arith.andi %and3A_89, %lt3A_92 : i1
      %convert_element_type3A_94 = arith.extui %and3A_93 : i1 to i32
      %cond3A_95 = arith.constant 0 : i32
      %cond3A_96 = arith.cmpi ne, %convert_element_type3A_94, %cond3A_95 : i32
      scf.if %cond3A_96 {
        %add3A_130 = arith.constant 1 : i32
        %add3A_131 = arith.addi %div3A_72, %add3A_130 : i32
        %mul3A_132 = arith.constant 10000 : i32
        %mul3A_133 = arith.muli %add3A_131, %mul3A_132 : i32
        %add3A_134 = arith.addi %mul3A_4, %mul3A_133 : i32
        %rem3A_135 = arith.constant 2 : i32
        %rem3A_136 = arith.remsi %add3A_131, %rem3A_135 : i32
        %dma_start3A_137 = arith.constant 0 : i32
        %dma_start3A_138 = tpu.memref_slice %arg8[%rem3A_136, %dma_start3A_137] : memref<2x10000xi32, #tpu.memory_space<vmem>> -> memref<1x10000xi32, #tpu.memory_space<vmem>>
        %dma_start3A_139 = tpu.memref_squeeze %dma_start3A_138 : memref<1x10000xi32, #tpu.memory_space<vmem>> -> memref<10000xi32, #tpu.memory_space<vmem>>
        %dma_start3A_140 = arith.constant 0 : i32
        %dma_start3A_141 = tpu.memref_slice %arg3[%scan3A_39, %dma_start3A_140] : memref<2x1600000xi32, #tpu.memory_space<hbm>> -> memref<1x1600000xi32, #tpu.memory_space<hbm>>
        %dma_start3A_142 = tpu.memref_squeeze %dma_start3A_141 : memref<1x1600000xi32, #tpu.memory_space<hbm>> -> memref<1600000xi32, #tpu.memory_space<hbm>>
        %dma_start3A_143 = tpu.memref_slice %dma_start3A_142[%add3A_134] : memref<1600000xi32, #tpu.memory_space<hbm>> -> memref<10000xi32, #tpu.memory_space<hbm>>
        %dma_start3A_144 = arith.constant 0 : i32
        %dma_start3A_145 = tpu.memref_slice %arg8[%rem3A_136, %dma_start3A_144] : memref<2x10000xi32, #tpu.memory_space<vmem>> -> memref<1x10000xi32, #tpu.memory_space<vmem>>
        %dma_start3A_146 = tpu.memref_squeeze %dma_start3A_145 : memref<1x10000xi32, #tpu.memory_space<vmem>> -> memref<10000xi32, #tpu.memory_space<vmem>>
        %dma_start3A_147 = arith.constant 0 : i32
        %dma_start3A_148 = tpu.memref_slice %arg3[%scan3A_39, %dma_start3A_147] : memref<2x1600000xi32, #tpu.memory_space<hbm>> -> memref<1x1600000xi32, #tpu.memory_space<hbm>>
        %dma_start3A_149 = tpu.memref_squeeze %dma_start3A_148 : memref<1x1600000xi32, #tpu.memory_space<hbm>> -> memref<1600000xi32, #tpu.memory_space<hbm>>
        %dma_start3A_150 = tpu.memref_slice %dma_start3A_149[%add3A_134] : memref<1600000xi32, #tpu.memory_space<hbm>> -> memref<10000xi32, #tpu.memory_space<hbm>>
        tpu.enqueue_dma source(%dma_start3A_150 : memref<10000xi32, #tpu.memory_space<hbm>>) target(%dma_start3A_146 : memref<10000xi32, #tpu.memory_space<vmem>>) target_semaphore(%arg11 : memref<!tpu.dma_semaphore, #tpu.memory_space<semaphore_mem>>)
      } else {
      }
      %add3A_97 = arith.constant 1 : i32
      %add3A_98 = arith.addi %scan3A_65, %add3A_97 : i32
      %lt3A_99 = arith.constant 50 : i32
      %lt3A_100 = arith.cmpi slt, %add3A_98, %lt3A_99 : i32
      %convert_element_type3A_101 = arith.extui %lt3A_100 : i1 to i32
      %cond3A_102 = arith.constant 0 : i32
      %cond3A_103 = arith.cmpi ne, %convert_element_type3A_101, %cond3A_102 : i32
      scf.if %cond3A_103 {
        %add3A_130 = arith.constant 1 : i32
        %add3A_131 = arith.addi %scan3A_65, %add3A_130 : i32
        %mul3A_132 = arith.constant 1000 : i32
        %mul3A_133 = arith.muli %add3A_131, %mul3A_132 : i32
        %add3A_134 = arith.addi %mul3A_4, %mul3A_133 : i32
        %dma_start3A_135 = arith.constant 0 : i32
        %dma_start3A_136 = arith.constant 0 : i32
        %dma_start3A_137 = tpu.memref_slice %arg7[%sub3A_69, %dma_start3A_135, %dma_start3A_136] : memref<2x1000x8xf32, #tpu.memory_space<vmem>> -> memref<1x1000x8xf32, #tpu.memory_space<vmem>>
        %dma_start3A_138 = tpu.memref_squeeze %dma_start3A_137 : memref<1x1000x8xf32, #tpu.memory_space<vmem>> -> memref<1000x8xf32, #tpu.memory_space<vmem>>
        %dma_start3A_139 = arith.constant 0 : i32
        %dma_start3A_140 = tpu.memref_slice %arg2[%add3A_134, %dma_start3A_139] : memref<1600000x8xf32, #tpu.memory_space<hbm>> -> memref<1000x8xf32, #tpu.memory_space<hbm>>
        %dma_start3A_141 = arith.constant 0 : i32
        %dma_start3A_142 = arith.constant 0 : i32
        %dma_start3A_143 = tpu.memref_slice %arg7[%sub3A_69, %dma_start3A_141, %dma_start3A_142] : memref<2x1000x8xf32, #tpu.memory_space<vmem>> -> memref<1x1000x8xf32, #tpu.memory_space<vmem>>
        %dma_start3A_144 = tpu.memref_squeeze %dma_start3A_143 : memref<1x1000x8xf32, #tpu.memory_space<vmem>> -> memref<1000x8xf32, #tpu.memory_space<vmem>>
        %dma_start3A_145 = arith.constant 0 : i32
        %dma_start3A_146 = tpu.memref_slice %arg2[%add3A_134, %dma_start3A_145] : memref<1600000x8xf32, #tpu.memory_space<hbm>> -> memref<1000x8xf32, #tpu.memory_space<hbm>>
        tpu.enqueue_dma source(%dma_start3A_146 : memref<1000x8xf32, #tpu.memory_space<hbm>>) target(%dma_start3A_144 : memref<1000x8xf32, #tpu.memory_space<vmem>>) target_semaphore(%arg9 : memref<!tpu.dma_semaphore, #tpu.memory_space<semaphore_mem>>)
      } else {
      }
      %dma_wait3A_104 = arith.constant 0 : i32
      %dma_wait3A_105 = arith.constant 0 : i32
      %dma_wait3A_106 = tpu.memref_slice %arg7[%rem3A_68, %dma_wait3A_104, %dma_wait3A_105] : memref<2x1000x8xf32, #tpu.memory_space<vmem>> -> memref<1x1000x8xf32, #tpu.memory_space<vmem>>
      %dma_wait3A_107 = tpu.memref_squeeze %dma_wait3A_106 : memref<1x1000x8xf32, #tpu.memory_space<vmem>> -> memref<1000x8xf32, #tpu.memory_space<vmem>>
      %dma_wait3A_108 = arith.constant 0 : i32
      %dma_wait3A_109 = arith.constant 0 : i32
      %dma_wait3A_110 = tpu.memref_slice %arg2[%dma_wait3A_108, %dma_wait3A_109] : memref<1600000x8xf32, #tpu.memory_space<hbm>> -> memref<1000x8xf32, #tpu.memory_space<hbm>>
      %dma_wait3A_111 = arith.constant 0 : i32
      %dma_wait3A_112 = arith.constant 0 : i32
      %dma_wait3A_113 = tpu.memref_slice %arg7[%rem3A_68, %dma_wait3A_111, %dma_wait3A_112] : memref<2x1000x8xf32, #tpu.memory_space<vmem>> -> memref<1x1000x8xf32, #tpu.memory_space<vmem>>
      %dma_wait3A_114 = tpu.memref_squeeze %dma_wait3A_113 : memref<1x1000x8xf32, #tpu.memory_space<vmem>> -> memref<1000x8xf32, #tpu.memory_space<vmem>>
      %dma_wait3A_115 = arith.constant 0 : i32
      %dma_wait3A_116 = arith.constant 0 : i32
      %dma_wait3A_117 = tpu.memref_slice %arg2[%dma_wait3A_115, %dma_wait3A_116] : memref<1600000x8xf32, #tpu.memory_space<hbm>> -> memref<1000x8xf32, #tpu.memory_space<hbm>>
      tpu.wait_dma2 semaphore(%arg9 : memref<!tpu.dma_semaphore, #tpu.memory_space<semaphore_mem>>) src(%dma_wait3A_117 : memref<1000x8xf32, #tpu.memory_space<hbm>>) dst(%dma_wait3A_114 : memref<1000x8xf32, #tpu.memory_space<vmem>>)
      %dma_start3A_118 = arith.constant 0 : i32
      %dma_start3A_119 = arith.constant 0 : i32
      %dma_start3A_120 = tpu.memref_slice %arg7[%rem3A_68, %dma_start3A_118, %dma_start3A_119] : memref<2x1000x8xf32, #tpu.memory_space<vmem>> -> memref<1x1000x8xf32, #tpu.memory_space<vmem>>
      %dma_start3A_121 = tpu.memref_squeeze %dma_start3A_120 : memref<1x1000x8xf32, #tpu.memory_space<vmem>> -> memref<1000x8xf32, #tpu.memory_space<vmem>>
      %dma_start3A_122 = arith.constant 0 : i32
      %dma_start3A_123 = tpu.memref_slice %arg8[%rem3A_74, %dma_start3A_122] : memref<2x10000xi32, #tpu.memory_space<vmem>> -> memref<1x10000xi32, #tpu.memory_space<vmem>>
      %dma_start3A_124 = tpu.memref_squeeze %dma_start3A_123 : memref<1x10000xi32, #tpu.memory_space<vmem>> -> memref<10000xi32, #tpu.memory_space<vmem>>
      %dma_start3A_125 = tpu.memref_slice %dma_start3A_124[%mul3A_76] : memref<10000xi32, #tpu.memory_space<vmem>> -> memref<1000xi32, #tpu.memory_space<vmem>>
      %dma_start3A_126 = arith.constant 0 : i32
      %dma_start3A_127 = arith.constant 0 : i32
      %dma_start3A_128 = tpu.memref_slice %arg6[%dma_start3A_126, %dma_start3A_127] : memref<100000x8xf32, #tpu.memory_space<vmem_shared>> -> memref<100000x8xf32, #tpu.memory_space<vmem_shared>>
      tpu.enqueue_indirect_dma source(%dma_start3A_121 : memref<1000x8xf32, #tpu.memory_space<vmem>>) target(%dma_start3A_128 : memref<100000x8xf32, #tpu.memory_space<vmem_shared>>) offsets(%dma_start3A_125 : memref<1000xi32, #tpu.memory_space<vmem>>) semaphore(%arg10 : memref<!tpu.dma_semaphore, #tpu.memory_space<semaphore_mem>>) {add = true}
      %scan3A_129 = arith.constant 0 : i32
      scf.yield %scan3A_129 : i32
    }
    %scan3A_46 = arith.constant 50 : i32
    %dma_wait3A = arith.constant 1 : i32
    %dma_wait3A_47 = arith.constant 0 : i32
    %dma_wait3A_48 = arith.constant 0 : i32
    %dma_wait3A_49 = arith.constant 0 : i32
    %dma_wait3A_50 = tpu.memref_slice %arg7[%dma_wait3A, %dma_wait3A_48, %dma_wait3A_49] : memref<2x1000x8xf32, #tpu.memory_space<vmem>> -> memref<1x1000x8xf32, #tpu.memory_space<vmem>>
    %dma_wait3A_51 = tpu.memref_squeeze %dma_wait3A_50 : memref<1x1000x8xf32, #tpu.memory_space<vmem>> -> memref<1000x8xf32, #tpu.memory_space<vmem>>
    %dma_wait3A_52 = arith.constant 0 : i32
    %dma_wait3A_53 = tpu.memref_slice %arg8[%dma_wait3A_47, %dma_wait3A_52] : memref<2x10000xi32, #tpu.memory_space<vmem>> -> memref<1x10000xi32, #tpu.memory_space<vmem>>
    %dma_wait3A_54 = tpu.memref_squeeze %dma_wait3A_53 : memref<1x10000xi32, #tpu.memory_space<vmem>> -> memref<10000xi32, #tpu.memory_space<vmem>>
    %dma_wait3A_55 = arith.constant 0 : i32
    %dma_wait3A_56 = tpu.memref_slice %dma_wait3A_54[%dma_wait3A_55] : memref<10000xi32, #tpu.memory_space<vmem>> -> memref<1000xi32, #tpu.memory_space<vmem>>
    %dma_wait3A_57 = arith.constant 0 : i32
    %dma_wait3A_58 = arith.constant 0 : i32
    %dma_wait3A_59 = tpu.memref_slice %arg6[%dma_wait3A_57, %dma_wait3A_58] : memref<100000x8xf32, #tpu.memory_space<vmem_shared>> -> memref<100000x8xf32, #tpu.memory_space<vmem_shared>>
    tpu.wait_indirect_dma semaphore(%arg10 : memref<!tpu.dma_semaphore, #tpu.memory_space<semaphore_mem>>) src(%dma_wait3A_51 : memref<1000x8xf32, #tpu.memory_space<vmem>>) dst(%dma_wait3A_59 : memref<100000x8xf32, #tpu.memory_space<vmem_shared>>)
    %barrier3A_60 = arith.constant 0 : index
    tpu.barrier barrier_id(%barrier3A_60)
    %mul3A_61 = arith.constant 6250 : i32
    %mul3A_62 = arith.muli %arg1, %mul3A_61 : i32
    %mul3A_63 = arith.constant 6250 : i32
    %mul3A_64 = arith.muli %arg1, %mul3A_63 : i32
    "tpu.region"() ({
      %run_scoped3A_65 = tpu.sem_alloc : memref<!tpu.dma_semaphore, #tpu.memory_space<semaphore_mem>>
      %dma_start3A_66 = arith.constant 0 : i32
      %dma_start3A_67 = tpu.memref_slice %arg5[%arg0, %mul3A_64, %dma_start3A_66] : memref<2x100000x8xf32, #tpu.memory_space<hbm>> -> memref<1x6250x8xf32, #tpu.memory_space<hbm>>
      %dma_start3A_68 = tpu.memref_squeeze %dma_start3A_67 : memref<1x6250x8xf32, #tpu.memory_space<hbm>> -> memref<6250x8xf32, #tpu.memory_space<hbm>>
      %dma_start3A_69 = arith.constant 0 : i32
      %dma_start3A_70 = tpu.memref_slice %arg6[%mul3A_62, %dma_start3A_69] : memref<100000x8xf32, #tpu.memory_space<vmem_shared>> -> memref<6250x8xf32, #tpu.memory_space<vmem_shared>>
      tpu.enqueue_dma source(%dma_start3A_70 : memref<6250x8xf32, #tpu.memory_space<vmem_shared>>) target(%dma_start3A_68 : memref<6250x8xf32, #tpu.memory_space<hbm>>) target_semaphore(%run_scoped3A_65 : memref<!tpu.dma_semaphore, #tpu.memory_space<semaphore_mem>>)
      %dma_wait3A_71 = arith.constant 0 : i32
      %dma_wait3A_72 = tpu.memref_slice %arg5[%arg0, %mul3A_64, %dma_wait3A_71] : memref<2x100000x8xf32, #tpu.memory_space<hbm>> -> memref<1x6250x8xf32, #tpu.memory_space<hbm>>
      %dma_wait3A_73 = tpu.memref_squeeze %dma_wait3A_72 : memref<1x6250x8xf32, #tpu.memory_space<hbm>> -> memref<6250x8xf32, #tpu.memory_space<hbm>>
      %dma_wait3A_74 = arith.constant 0 : i32
      %dma_wait3A_75 = tpu.memref_slice %arg6[%mul3A_62, %dma_wait3A_74] : memref<100000x8xf32, #tpu.memory_space<vmem_shared>> -> memref<6250x8xf32, #tpu.memory_space<vmem_shared>>
      tpu.wait_dma2 semaphore(%run_scoped3A_65 : memref<!tpu.dma_semaphore, #tpu.memory_space<semaphore_mem>>) src(%dma_wait3A_75 : memref<6250x8xf32, #tpu.memory_space<vmem_shared>>) dst(%dma_wait3A_73 : memref<6250x8xf32, #tpu.memory_space<hbm>>)
      tpu.yield
    }) : () -> ()
    return
  }
}

#map = affine_map<(d0, d1) -> (0, 0)>
#map1 = affine_map<(d0, d1) -> (0, 0, 0)>
module attributes {stable_mosaic.version = 14 : i64} {
  func.func @_spmm_body(%arg0: i32, %arg1: i32, %arg2: memref<100000x16xf32, #tpu.memory_space<hbm>>, %arg3: memref<100000x16xf32, #tpu.memory_space<hbm>>, %arg4: memref<2x1600000xi32, #tpu.memory_space<hbm>>, %arg5: memref<6250x16xf32, #tpu.memory_space<hbm>>, %arg6: memref<2x100000x8xf32, #tpu.memory_space<hbm>>, %arg7: memref<2x100000x16xf32, #tpu.memory_space<hbm>>, %arg8: memref<100000x16xf32, #tpu.memory_space<vmem_shared>>, %arg9: memref<2x800x16xf32, #tpu.memory_space<vmem>>, %arg10: memref<2x800xi32, #tpu.memory_space<vmem>>, %arg11: memref<3x800xi32, #tpu.memory_space<vmem>>, %arg12: memref<!tpu.dma_semaphore, #tpu.memory_space<semaphore_mem>>, %arg13: memref<!tpu.dma_semaphore, #tpu.memory_space<semaphore_mem>>, %arg14: memref<!tpu.dma_semaphore, #tpu.memory_space<semaphore_mem>>) attributes {dimension_semantics = [#tpu.dimension_semantics<core_parallel>, #tpu.dimension_semantics<subcore_parallel>], iteration_bounds = array<i64: 2, 16>, scalar_prefetch = 0 : i64, scratch_operands = 7 : i64, tpu.core_type = #tpu.core_type<sc_vector_subcore>, window_params = [{transform_indices = #map}, {transform_indices = #map}, {transform_indices = #map}, {transform_indices = #map}, {transform_indices = #map1}, {transform_indices = #map1}]} {
    %mul3A = arith.constant 6250 : i32
    %mul3A_0 = arith.muli %arg1, %mul3A : i32
    "tpu.region"() ({
      %run_scoped3A_77 = tpu.sem_alloc : memref<!tpu.dma_semaphore, #tpu.memory_space<semaphore_mem>>
      %dma_start3A_78 = arith.constant 0 : i32
      %dma_start3A_79 = tpu.memref_slice %arg8[%mul3A_0, %dma_start3A_78] : memref<100000x16xf32, #tpu.memory_space<vmem_shared>> -> memref<6250x16xf32, #tpu.memory_space<vmem_shared>>
      tpu.enqueue_dma source(%arg5 : memref<6250x16xf32, #tpu.memory_space<hbm>>) target(%dma_start3A_79 : memref<6250x16xf32, #tpu.memory_space<vmem_shared>>) target_semaphore(%run_scoped3A_77 : memref<!tpu.dma_semaphore, #tpu.memory_space<semaphore_mem>>)
      %dma_wait3A_80 = arith.constant 0 : i32
      %dma_wait3A_81 = tpu.memref_slice %arg8[%mul3A_0, %dma_wait3A_80] : memref<100000x16xf32, #tpu.memory_space<vmem_shared>> -> memref<6250x16xf32, #tpu.memory_space<vmem_shared>>
      tpu.wait_dma2 semaphore(%run_scoped3A_77 : memref<!tpu.dma_semaphore, #tpu.memory_space<semaphore_mem>>) src(%arg5 : memref<6250x16xf32, #tpu.memory_space<hbm>>) dst(%dma_wait3A_81 : memref<6250x16xf32, #tpu.memory_space<vmem_shared>>)
      tpu.yield
    }) : () -> ()
    %barrier3A = arith.constant 0 : index
    tpu.barrier barrier_id(%barrier3A)
    %mul3A_1 = arith.constant 100000 : i32
    %mul3A_2 = arith.muli %arg1, %mul3A_1 : i32
    %run_scoped3A = arith.constant 0 : i32
    %run_scoped3A_3 = arith.constant 0 : i32
    "tpu.region"() ({
      %run_scoped3A_77 = tpu.sem_alloc : memref<!tpu.dma_semaphore, #tpu.memory_space<semaphore_mem>>
      %dma_start3A_78 = arith.constant 0 : i32
      %dma_start3A_79 = tpu.memref_slice %arg10[%run_scoped3A_3, %dma_start3A_78] : memref<2x800xi32, #tpu.memory_space<vmem>> -> memref<1x800xi32, #tpu.memory_space<vmem>>
      %dma_start3A_80 = tpu.memref_squeeze %dma_start3A_79 : memref<1x800xi32, #tpu.memory_space<vmem>> -> memref<800xi32, #tpu.memory_space<vmem>>
      %dma_start3A_81 = arith.constant 0 : i32
      %dma_start3A_82 = tpu.memref_slice %arg4[%run_scoped3A, %dma_start3A_81] : memref<2x1600000xi32, #tpu.memory_space<hbm>> -> memref<1x1600000xi32, #tpu.memory_space<hbm>>
      %dma_start3A_83 = tpu.memref_squeeze %dma_start3A_82 : memref<1x1600000xi32, #tpu.memory_space<hbm>> -> memref<1600000xi32, #tpu.memory_space<hbm>>
      %dma_start3A_84 = tpu.memref_slice %dma_start3A_83[%mul3A_2] : memref<1600000xi32, #tpu.memory_space<hbm>> -> memref<800xi32, #tpu.memory_space<hbm>>
      %dma_start3A_85 = arith.constant 0 : i32
      %dma_start3A_86 = tpu.memref_slice %arg10[%run_scoped3A_3, %dma_start3A_85] : memref<2x800xi32, #tpu.memory_space<vmem>> -> memref<1x800xi32, #tpu.memory_space<vmem>>
      %dma_start3A_87 = tpu.memref_squeeze %dma_start3A_86 : memref<1x800xi32, #tpu.memory_space<vmem>> -> memref<800xi32, #tpu.memory_space<vmem>>
      %dma_start3A_88 = arith.constant 0 : i32
      %dma_start3A_89 = tpu.memref_slice %arg4[%run_scoped3A, %dma_start3A_88] : memref<2x1600000xi32, #tpu.memory_space<hbm>> -> memref<1x1600000xi32, #tpu.memory_space<hbm>>
      %dma_start3A_90 = tpu.memref_squeeze %dma_start3A_89 : memref<1x1600000xi32, #tpu.memory_space<hbm>> -> memref<1600000xi32, #tpu.memory_space<hbm>>
      %dma_start3A_91 = tpu.memref_slice %dma_start3A_90[%mul3A_2] : memref<1600000xi32, #tpu.memory_space<hbm>> -> memref<800xi32, #tpu.memory_space<hbm>>
      tpu.enqueue_dma source(%dma_start3A_91 : memref<800xi32, #tpu.memory_space<hbm>>) target(%dma_start3A_87 : memref<800xi32, #tpu.memory_space<vmem>>) target_semaphore(%run_scoped3A_77 : memref<!tpu.dma_semaphore, #tpu.memory_space<semaphore_mem>>)
      %dma_wait3A_92 = arith.constant 0 : i32
      %dma_wait3A_93 = tpu.memref_slice %arg10[%run_scoped3A_3, %dma_wait3A_92] : memref<2x800xi32, #tpu.memory_space<vmem>> -> memref<1x800xi32, #tpu.memory_space<vmem>>
      %dma_wait3A_94 = tpu.memref_squeeze %dma_wait3A_93 : memref<1x800xi32, #tpu.memory_space<vmem>> -> memref<800xi32, #tpu.memory_space<vmem>>
      %dma_wait3A_95 = arith.constant 0 : i32
      %dma_wait3A_96 = tpu.memref_slice %arg4[%run_scoped3A, %dma_wait3A_95] : memref<2x1600000xi32, #tpu.memory_space<hbm>> -> memref<1x1600000xi32, #tpu.memory_space<hbm>>
      %dma_wait3A_97 = tpu.memref_squeeze %dma_wait3A_96 : memref<1x1600000xi32, #tpu.memory_space<hbm>> -> memref<1600000xi32, #tpu.memory_space<hbm>>
      %dma_wait3A_98 = tpu.memref_slice %dma_wait3A_97[%mul3A_2] : memref<1600000xi32, #tpu.memory_space<hbm>> -> memref<800xi32, #tpu.memory_space<hbm>>
      %dma_wait3A_99 = arith.constant 0 : i32
      %dma_wait3A_100 = tpu.memref_slice %arg10[%run_scoped3A_3, %dma_wait3A_99] : memref<2x800xi32, #tpu.memory_space<vmem>> -> memref<1x800xi32, #tpu.memory_space<vmem>>
      %dma_wait3A_101 = tpu.memref_squeeze %dma_wait3A_100 : memref<1x800xi32, #tpu.memory_space<vmem>> -> memref<800xi32, #tpu.memory_space<vmem>>
      %dma_wait3A_102 = arith.constant 0 : i32
      %dma_wait3A_103 = tpu.memref_slice %arg4[%run_scoped3A, %dma_wait3A_102] : memref<2x1600000xi32, #tpu.memory_space<hbm>> -> memref<1x1600000xi32, #tpu.memory_space<hbm>>
      %dma_wait3A_104 = tpu.memref_squeeze %dma_wait3A_103 : memref<1x1600000xi32, #tpu.memory_space<hbm>> -> memref<1600000xi32, #tpu.memory_space<hbm>>
      %dma_wait3A_105 = tpu.memref_slice %dma_wait3A_104[%mul3A_2] : memref<1600000xi32, #tpu.memory_space<hbm>> -> memref<800xi32, #tpu.memory_space<hbm>>
      tpu.wait_dma2 semaphore(%run_scoped3A_77 : memref<!tpu.dma_semaphore, #tpu.memory_space<semaphore_mem>>) src(%dma_wait3A_105 : memref<800xi32, #tpu.memory_space<hbm>>) dst(%dma_wait3A_101 : memref<800xi32, #tpu.memory_space<vmem>>)
      tpu.yield
    }) : () -> ()
    %run_scoped3A_4 = arith.constant 1 : i32
    %run_scoped3A_5 = arith.constant 0 : i32
    "tpu.region"() ({
      %run_scoped3A_77 = tpu.sem_alloc : memref<!tpu.dma_semaphore, #tpu.memory_space<semaphore_mem>>
      %dma_start3A_78 = arith.constant 0 : i32
      %dma_start3A_79 = tpu.memref_slice %arg11[%run_scoped3A_5, %dma_start3A_78] : memref<3x800xi32, #tpu.memory_space<vmem>> -> memref<1x800xi32, #tpu.memory_space<vmem>>
      %dma_start3A_80 = tpu.memref_squeeze %dma_start3A_79 : memref<1x800xi32, #tpu.memory_space<vmem>> -> memref<800xi32, #tpu.memory_space<vmem>>
      %dma_start3A_81 = arith.constant 0 : i32
      %dma_start3A_82 = tpu.memref_slice %arg4[%run_scoped3A_4, %dma_start3A_81] : memref<2x1600000xi32, #tpu.memory_space<hbm>> -> memref<1x1600000xi32, #tpu.memory_space<hbm>>
      %dma_start3A_83 = tpu.memref_squeeze %dma_start3A_82 : memref<1x1600000xi32, #tpu.memory_space<hbm>> -> memref<1600000xi32, #tpu.memory_space<hbm>>
      %dma_start3A_84 = tpu.memref_slice %dma_start3A_83[%mul3A_2] : memref<1600000xi32, #tpu.memory_space<hbm>> -> memref<800xi32, #tpu.memory_space<hbm>>
      %dma_start3A_85 = arith.constant 0 : i32
      %dma_start3A_86 = tpu.memref_slice %arg11[%run_scoped3A_5, %dma_start3A_85] : memref<3x800xi32, #tpu.memory_space<vmem>> -> memref<1x800xi32, #tpu.memory_space<vmem>>
      %dma_start3A_87 = tpu.memref_squeeze %dma_start3A_86 : memref<1x800xi32, #tpu.memory_space<vmem>> -> memref<800xi32, #tpu.memory_space<vmem>>
      %dma_start3A_88 = arith.constant 0 : i32
      %dma_start3A_89 = tpu.memref_slice %arg4[%run_scoped3A_4, %dma_start3A_88] : memref<2x1600000xi32, #tpu.memory_space<hbm>> -> memref<1x1600000xi32, #tpu.memory_space<hbm>>
      %dma_start3A_90 = tpu.memref_squeeze %dma_start3A_89 : memref<1x1600000xi32, #tpu.memory_space<hbm>> -> memref<1600000xi32, #tpu.memory_space<hbm>>
      %dma_start3A_91 = tpu.memref_slice %dma_start3A_90[%mul3A_2] : memref<1600000xi32, #tpu.memory_space<hbm>> -> memref<800xi32, #tpu.memory_space<hbm>>
      tpu.enqueue_dma source(%dma_start3A_91 : memref<800xi32, #tpu.memory_space<hbm>>) target(%dma_start3A_87 : memref<800xi32, #tpu.memory_space<vmem>>) target_semaphore(%run_scoped3A_77 : memref<!tpu.dma_semaphore, #tpu.memory_space<semaphore_mem>>)
      %dma_wait3A_92 = arith.constant 0 : i32
      %dma_wait3A_93 = tpu.memref_slice %arg11[%run_scoped3A_5, %dma_wait3A_92] : memref<3x800xi32, #tpu.memory_space<vmem>> -> memref<1x800xi32, #tpu.memory_space<vmem>>
      %dma_wait3A_94 = tpu.memref_squeeze %dma_wait3A_93 : memref<1x800xi32, #tpu.memory_space<vmem>> -> memref<800xi32, #tpu.memory_space<vmem>>
      %dma_wait3A_95 = arith.constant 0 : i32
      %dma_wait3A_96 = tpu.memref_slice %arg4[%run_scoped3A_4, %dma_wait3A_95] : memref<2x1600000xi32, #tpu.memory_space<hbm>> -> memref<1x1600000xi32, #tpu.memory_space<hbm>>
      %dma_wait3A_97 = tpu.memref_squeeze %dma_wait3A_96 : memref<1x1600000xi32, #tpu.memory_space<hbm>> -> memref<1600000xi32, #tpu.memory_space<hbm>>
      %dma_wait3A_98 = tpu.memref_slice %dma_wait3A_97[%mul3A_2] : memref<1600000xi32, #tpu.memory_space<hbm>> -> memref<800xi32, #tpu.memory_space<hbm>>
      %dma_wait3A_99 = arith.constant 0 : i32
      %dma_wait3A_100 = tpu.memref_slice %arg11[%run_scoped3A_5, %dma_wait3A_99] : memref<3x800xi32, #tpu.memory_space<vmem>> -> memref<1x800xi32, #tpu.memory_space<vmem>>
      %dma_wait3A_101 = tpu.memref_squeeze %dma_wait3A_100 : memref<1x800xi32, #tpu.memory_space<vmem>> -> memref<800xi32, #tpu.memory_space<vmem>>
      %dma_wait3A_102 = arith.constant 0 : i32
      %dma_wait3A_103 = tpu.memref_slice %arg4[%run_scoped3A_4, %dma_wait3A_102] : memref<2x1600000xi32, #tpu.memory_space<hbm>> -> memref<1x1600000xi32, #tpu.memory_space<hbm>>
      %dma_wait3A_104 = tpu.memref_squeeze %dma_wait3A_103 : memref<1x1600000xi32, #tpu.memory_space<hbm>> -> memref<1600000xi32, #tpu.memory_space<hbm>>
      %dma_wait3A_105 = tpu.memref_slice %dma_wait3A_104[%mul3A_2] : memref<1600000xi32, #tpu.memory_space<hbm>> -> memref<800xi32, #tpu.memory_space<hbm>>
      tpu.wait_dma2 semaphore(%run_scoped3A_77 : memref<!tpu.dma_semaphore, #tpu.memory_space<semaphore_mem>>) src(%dma_wait3A_105 : memref<800xi32, #tpu.memory_space<hbm>>) dst(%dma_wait3A_101 : memref<800xi32, #tpu.memory_space<vmem>>)
      tpu.yield
    }) : () -> ()
    %rem3A = arith.constant 0 : i32
    %rem3A_6 = arith.constant 2 : i32
    %rem3A_7 = arith.remsi %rem3A, %rem3A_6 : i32
    %eq3A = arith.constant 0 : i32
    %eq3A_8 = arith.cmpi eq, %arg0, %eq3A : i32
    %convert_element_type3A = arith.extui %eq3A_8 : i1 to i32
    %cond3A = arith.constant 0 : i32
    %cond3A_9 = arith.cmpi ne, %convert_element_type3A, %cond3A : i32
    scf.if %cond3A_9 {
      %dma_start3A_77 = arith.constant 0 : i32
      %dma_start3A_78 = arith.constant 0 : i32
      %dma_start3A_79 = arith.constant 0 : i32
      %dma_start3A_80 = tpu.memref_slice %arg9[%dma_start3A_77, %dma_start3A_78, %dma_start3A_79] : memref<2x800x16xf32, #tpu.memory_space<vmem>> -> memref<1x800x16xf32, #tpu.memory_space<vmem>>
      %dma_start3A_81 = tpu.memref_squeeze %dma_start3A_80 : memref<1x800x16xf32, #tpu.memory_space<vmem>> -> memref<800x16xf32, #tpu.memory_space<vmem>>
      %dma_start3A_82 = arith.constant 0 : i32
      %dma_start3A_83 = tpu.memref_slice %arg10[%rem3A_7, %dma_start3A_82] : memref<2x800xi32, #tpu.memory_space<vmem>> -> memref<1x800xi32, #tpu.memory_space<vmem>>
      %dma_start3A_84 = tpu.memref_squeeze %dma_start3A_83 : memref<1x800xi32, #tpu.memory_space<vmem>> -> memref<800xi32, #tpu.memory_space<vmem>>
      %dma_start3A_85 = arith.constant 0 : i32
      %dma_start3A_86 = arith.constant 0 : i32
      %dma_start3A_87 = tpu.memref_slice %arg2[%dma_start3A_85, %dma_start3A_86] : memref<100000x16xf32, #tpu.memory_space<hbm>> -> memref<100000x16xf32, #tpu.memory_space<hbm>>
      tpu.enqueue_indirect_dma source(%dma_start3A_87 : memref<100000x16xf32, #tpu.memory_space<hbm>>) target(%dma_start3A_81 : memref<800x16xf32, #tpu.memory_space<vmem>>) offsets(%dma_start3A_84 : memref<800xi32, #tpu.memory_space<vmem>>) semaphore(%arg12 : memref<!tpu.dma_semaphore, #tpu.memory_space<semaphore_mem>>)
    } else {
    }
    %eq3A_10 = arith.constant 1 : i32
    %eq3A_11 = arith.cmpi eq, %arg0, %eq3A_10 : i32
    %convert_element_type3A_12 = arith.extui %eq3A_11 : i1 to i32
    %cond3A_13 = arith.constant 0 : i32
    %cond3A_14 = arith.cmpi ne, %convert_element_type3A_12, %cond3A_13 : i32
    scf.if %cond3A_14 {
      %dma_start3A_77 = arith.constant 0 : i32
      %dma_start3A_78 = arith.constant 0 : i32
      %dma_start3A_79 = arith.constant 0 : i32
      %dma_start3A_80 = tpu.memref_slice %arg9[%dma_start3A_77, %dma_start3A_78, %dma_start3A_79] : memref<2x800x16xf32, #tpu.memory_space<vmem>> -> memref<1x800x16xf32, #tpu.memory_space<vmem>>
      %dma_start3A_81 = tpu.memref_squeeze %dma_start3A_80 : memref<1x800x16xf32, #tpu.memory_space<vmem>> -> memref<800x16xf32, #tpu.memory_space<vmem>>
      %dma_start3A_82 = arith.constant 0 : i32
      %dma_start3A_83 = tpu.memref_slice %arg10[%rem3A_7, %dma_start3A_82] : memref<2x800xi32, #tpu.memory_space<vmem>> -> memref<1x800xi32, #tpu.memory_space<vmem>>
      %dma_start3A_84 = tpu.memref_squeeze %dma_start3A_83 : memref<1x800xi32, #tpu.memory_space<vmem>> -> memref<800xi32, #tpu.memory_space<vmem>>
      %dma_start3A_85 = arith.constant 0 : i32
      %dma_start3A_86 = arith.constant 0 : i32
      %dma_start3A_87 = tpu.memref_slice %arg3[%dma_start3A_85, %dma_start3A_86] : memref<100000x16xf32, #tpu.memory_space<hbm>> -> memref<100000x16xf32, #tpu.memory_space<hbm>>
      tpu.enqueue_indirect_dma source(%dma_start3A_87 : memref<100000x16xf32, #tpu.memory_space<hbm>>) target(%dma_start3A_81 : memref<800x16xf32, #tpu.memory_space<vmem>>) offsets(%dma_start3A_84 : memref<800xi32, #tpu.memory_space<vmem>>) semaphore(%arg12 : memref<!tpu.dma_semaphore, #tpu.memory_space<semaphore_mem>>)
    } else {
    }
    %add3A = arith.constant 800 : i32
    %add3A_15 = arith.addi %mul3A_2, %add3A : i32
    %rem3A_16 = arith.constant 1 : i32
    %rem3A_17 = arith.constant 2 : i32
    %rem3A_18 = arith.remsi %rem3A_16, %rem3A_17 : i32
    %dma_start3A = arith.constant 0 : i32
    %dma_start3A_19 = arith.constant 0 : i32
    %dma_start3A_20 = tpu.memref_slice %arg10[%rem3A_18, %dma_start3A_19] : memref<2x800xi32, #tpu.memory_space<vmem>> -> memref<1x800xi32, #tpu.memory_space<vmem>>
    %dma_start3A_21 = tpu.memref_squeeze %dma_start3A_20 : memref<1x800xi32, #tpu.memory_space<vmem>> -> memref<800xi32, #tpu.memory_space<vmem>>
    %dma_start3A_22 = arith.constant 0 : i32
    %dma_start3A_23 = tpu.memref_slice %arg4[%dma_start3A, %dma_start3A_22] : memref<2x1600000xi32, #tpu.memory_space<hbm>> -> memref<1x1600000xi32, #tpu.memory_space<hbm>>
    %dma_start3A_24 = tpu.memref_squeeze %dma_start3A_23 : memref<1x1600000xi32, #tpu.memory_space<hbm>> -> memref<1600000xi32, #tpu.memory_space<hbm>>
    %dma_start3A_25 = tpu.memref_slice %dma_start3A_24[%add3A_15] : memref<1600000xi32, #tpu.memory_space<hbm>> -> memref<800xi32, #tpu.memory_space<hbm>>
    %dma_start3A_26 = arith.constant 0 : i32
    %dma_start3A_27 = tpu.memref_slice %arg10[%rem3A_18, %dma_start3A_26] : memref<2x800xi32, #tpu.memory_space<vmem>> -> memref<1x800xi32, #tpu.memory_space<vmem>>
    %dma_start3A_28 = tpu.memref_squeeze %dma_start3A_27 : memref<1x800xi32, #tpu.memory_space<vmem>> -> memref<800xi32, #tpu.memory_space<vmem>>
    %dma_start3A_29 = arith.constant 0 : i32
    %dma_start3A_30 = tpu.memref_slice %arg4[%dma_start3A, %dma_start3A_29] : memref<2x1600000xi32, #tpu.memory_space<hbm>> -> memref<1x1600000xi32, #tpu.memory_space<hbm>>
    %dma_start3A_31 = tpu.memref_squeeze %dma_start3A_30 : memref<1x1600000xi32, #tpu.memory_space<hbm>> -> memref<1600000xi32, #tpu.memory_space<hbm>>
    %dma_start3A_32 = tpu.memref_slice %dma_start3A_31[%add3A_15] : memref<1600000xi32, #tpu.memory_space<hbm>> -> memref<800xi32, #tpu.memory_space<hbm>>
    tpu.enqueue_dma source(%dma_start3A_32 : memref<800xi32, #tpu.memory_space<hbm>>) target(%dma_start3A_28 : memref<800xi32, #tpu.memory_space<vmem>>) target_semaphore(%arg14 : memref<!tpu.dma_semaphore, #tpu.memory_space<semaphore_mem>>)
    %rem3A_33 = arith.constant 1 : i32
    %rem3A_34 = arith.constant 3 : i32
    %rem3A_35 = arith.remsi %rem3A_33, %rem3A_34 : i32
    %dma_start3A_36 = arith.constant 1 : i32
    %dma_start3A_37 = arith.constant 0 : i32
    %dma_start3A_38 = tpu.memref_slice %arg11[%rem3A_35, %dma_start3A_37] : memref<3x800xi32, #tpu.memory_space<vmem>> -> memref<1x800xi32, #tpu.memory_space<vmem>>
    %dma_start3A_39 = tpu.memref_squeeze %dma_start3A_38 : memref<1x800xi32, #tpu.memory_space<vmem>> -> memref<800xi32, #tpu.memory_space<vmem>>
    %dma_start3A_40 = arith.constant 0 : i32
    %dma_start3A_41 = tpu.memref_slice %arg4[%dma_start3A_36, %dma_start3A_40] : memref<2x1600000xi32, #tpu.memory_space<hbm>> -> memref<1x1600000xi32, #tpu.memory_space<hbm>>
    %dma_start3A_42 = tpu.memref_squeeze %dma_start3A_41 : memref<1x1600000xi32, #tpu.memory_space<hbm>> -> memref<1600000xi32, #tpu.memory_space<hbm>>
    %dma_start3A_43 = tpu.memref_slice %dma_start3A_42[%add3A_15] : memref<1600000xi32, #tpu.memory_space<hbm>> -> memref<800xi32, #tpu.memory_space<hbm>>
    %dma_start3A_44 = arith.constant 0 : i32
    %dma_start3A_45 = tpu.memref_slice %arg11[%rem3A_35, %dma_start3A_44] : memref<3x800xi32, #tpu.memory_space<vmem>> -> memref<1x800xi32, #tpu.memory_space<vmem>>
    %dma_start3A_46 = tpu.memref_squeeze %dma_start3A_45 : memref<1x800xi32, #tpu.memory_space<vmem>> -> memref<800xi32, #tpu.memory_space<vmem>>
    %dma_start3A_47 = arith.constant 0 : i32
    %dma_start3A_48 = tpu.memref_slice %arg4[%dma_start3A_36, %dma_start3A_47] : memref<2x1600000xi32, #tpu.memory_space<hbm>> -> memref<1x1600000xi32, #tpu.memory_space<hbm>>
    %dma_start3A_49 = tpu.memref_squeeze %dma_start3A_48 : memref<1x1600000xi32, #tpu.memory_space<hbm>> -> memref<1600000xi32, #tpu.memory_space<hbm>>
    %dma_start3A_50 = tpu.memref_slice %dma_start3A_49[%add3A_15] : memref<1600000xi32, #tpu.memory_space<hbm>> -> memref<800xi32, #tpu.memory_space<hbm>>
    tpu.enqueue_dma source(%dma_start3A_50 : memref<800xi32, #tpu.memory_space<hbm>>) target(%dma_start3A_46 : memref<800xi32, #tpu.memory_space<vmem>>) target_semaphore(%arg14 : memref<!tpu.dma_semaphore, #tpu.memory_space<semaphore_mem>>)
    %scan3A = arith.constant 0 : i32
    %scan3A_51 = arith.constant 1 : i32
    %scan3A_52 = arith.constant 0 : i32
    %scan3A_53 = arith.constant 0 : i32
    %scan3A_54 = arith.constant 125 : i32
    %scan3A_55 = arith.addi %scan3A_53, %scan3A_54 : i32
    %scan3A_56 = arith.constant 1 : i32
    %scan3A_57 = scf.for %scan3A_77 = %scan3A_53 to %scan3A_55 step %scan3A_56 iter_args(%scan3A_78 = %scan3A_52) -> (i32)  : i32 {
      %rem3A_79 = arith.constant 2 : i32
      %rem3A_80 = arith.remsi %scan3A_77, %rem3A_79 : i32
      %sub3A = arith.constant 1 : i32
      %sub3A_81 = arith.subi %sub3A, %rem3A_80 : i32
      %ge3A = arith.constant 1 : i32
      %ge3A_82 = arith.cmpi sge, %scan3A_77, %ge3A : i32
      %convert_element_type3A_83 = arith.extui %ge3A_82 : i1 to i32
      %cond3A_84 = arith.constant 0 : i32
      %cond3A_85 = arith.cmpi ne, %convert_element_type3A_83, %cond3A_84 : i32
      scf.if %cond3A_85 {
        %sub3A_126 = arith.constant 1 : i32
        %sub3A_127 = arith.subi %scan3A_77, %sub3A_126 : i32
        %rem3A_128 = arith.constant 3 : i32
        %rem3A_129 = arith.remsi %sub3A_127, %rem3A_128 : i32
        %dma_wait3A_130 = arith.constant 0 : i32
        %dma_wait3A_131 = arith.constant 0 : i32
        %dma_wait3A_132 = tpu.memref_slice %arg9[%sub3A_81, %dma_wait3A_130, %dma_wait3A_131] : memref<2x800x16xf32, #tpu.memory_space<vmem>> -> memref<1x800x16xf32, #tpu.memory_space<vmem>>
        %dma_wait3A_133 = tpu.memref_squeeze %dma_wait3A_132 : memref<1x800x16xf32, #tpu.memory_space<vmem>> -> memref<800x16xf32, #tpu.memory_space<vmem>>
        %dma_wait3A_134 = arith.constant 0 : i32
        %dma_wait3A_135 = tpu.memref_slice %arg11[%rem3A_129, %dma_wait3A_134] : memref<3x800xi32, #tpu.memory_space<vmem>> -> memref<1x800xi32, #tpu.memory_space<vmem>>
        %dma_wait3A_136 = tpu.memref_squeeze %dma_wait3A_135 : memref<1x800xi32, #tpu.memory_space<vmem>> -> memref<800xi32, #tpu.memory_space<vmem>>
        %dma_wait3A_137 = arith.constant 0 : i32
        %dma_wait3A_138 = arith.constant 0 : i32
        %dma_wait3A_139 = tpu.memref_slice %arg8[%dma_wait3A_137, %dma_wait3A_138] : memref<100000x16xf32, #tpu.memory_space<vmem_shared>> -> memref<100000x16xf32, #tpu.memory_space<vmem_shared>>
        tpu.wait_indirect_dma semaphore(%arg13 : memref<!tpu.dma_semaphore, #tpu.memory_space<semaphore_mem>>) src(%dma_wait3A_133 : memref<800x16xf32, #tpu.memory_space<vmem>>) dst(%dma_wait3A_139 : memref<100000x16xf32, #tpu.memory_space<vmem_shared>>)
      } else {
      }
      %add3A_86 = arith.constant 1 : i32
      %add3A_87 = arith.addi %scan3A_77, %add3A_86 : i32
      %lt3A = arith.constant 125 : i32
      %lt3A_88 = arith.cmpi slt, %add3A_87, %lt3A : i32
      %convert_element_type3A_89 = arith.extui %lt3A_88 : i1 to i32
      %cond3A_90 = arith.constant 0 : i32
      %cond3A_91 = arith.cmpi ne, %convert_element_type3A_89, %cond3A_90 : i32
      scf.if %cond3A_91 {
        %dma_wait3A_126 = arith.constant 0 : i32
        %dma_wait3A_127 = tpu.memref_slice %arg10[%sub3A_81, %dma_wait3A_126] : memref<2x800xi32, #tpu.memory_space<vmem>> -> memref<1x800xi32, #tpu.memory_space<vmem>>
        %dma_wait3A_128 = tpu.memref_squeeze %dma_wait3A_127 : memref<1x800xi32, #tpu.memory_space<vmem>> -> memref<800xi32, #tpu.memory_space<vmem>>
        %dma_wait3A_129 = arith.constant 0 : i32
        %dma_wait3A_130 = tpu.memref_slice %arg4[%scan3A, %dma_wait3A_129] : memref<2x1600000xi32, #tpu.memory_space<hbm>> -> memref<1x1600000xi32, #tpu.memory_space<hbm>>
        %dma_wait3A_131 = tpu.memref_squeeze %dma_wait3A_130 : memref<1x1600000xi32, #tpu.memory_space<hbm>> -> memref<1600000xi32, #tpu.memory_space<hbm>>
        %dma_wait3A_132 = arith.constant 0 : i32
        %dma_wait3A_133 = tpu.memref_slice %dma_wait3A_131[%dma_wait3A_132] : memref<1600000xi32, #tpu.memory_space<hbm>> -> memref<800xi32, #tpu.memory_space<hbm>>
        %dma_wait3A_134 = arith.constant 0 : i32
        %dma_wait3A_135 = tpu.memref_slice %arg10[%sub3A_81, %dma_wait3A_134] : memref<2x800xi32, #tpu.memory_space<vmem>> -> memref<1x800xi32, #tpu.memory_space<vmem>>
        %dma_wait3A_136 = tpu.memref_squeeze %dma_wait3A_135 : memref<1x800xi32, #tpu.memory_space<vmem>> -> memref<800xi32, #tpu.memory_space<vmem>>
        %dma_wait3A_137 = arith.constant 0 : i32
        %dma_wait3A_138 = tpu.memref_slice %arg4[%scan3A, %dma_wait3A_137] : memref<2x1600000xi32, #tpu.memory_space<hbm>> -> memref<1x1600000xi32, #tpu.memory_space<hbm>>
        %dma_wait3A_139 = tpu.memref_squeeze %dma_wait3A_138 : memref<1x1600000xi32, #tpu.memory_space<hbm>> -> memref<1600000xi32, #tpu.memory_space<hbm>>
        %dma_wait3A_140 = arith.constant 0 : i32
        %dma_wait3A_141 = tpu.memref_slice %dma_wait3A_139[%dma_wait3A_140] : memref<1600000xi32, #tpu.memory_space<hbm>> -> memref<800xi32, #tpu.memory_space<hbm>>
        tpu.wait_dma2 semaphore(%arg14 : memref<!tpu.dma_semaphore, #tpu.memory_space<semaphore_mem>>) src(%dma_wait3A_141 : memref<800xi32, #tpu.memory_space<hbm>>) dst(%dma_wait3A_136 : memref<800xi32, #tpu.memory_space<vmem>>)
        %dma_wait3A_142 = arith.constant 0 : i32
        %dma_wait3A_143 = arith.constant 0 : i32
        %dma_wait3A_144 = tpu.memref_slice %arg11[%dma_wait3A_142, %dma_wait3A_143] : memref<3x800xi32, #tpu.memory_space<vmem>> -> memref<1x800xi32, #tpu.memory_space<vmem>>
        %dma_wait3A_145 = tpu.memref_squeeze %dma_wait3A_144 : memref<1x800xi32, #tpu.memory_space<vmem>> -> memref<800xi32, #tpu.memory_space<vmem>>
        %dma_wait3A_146 = arith.constant 0 : i32
        %dma_wait3A_147 = tpu.memref_slice %arg4[%scan3A_51, %dma_wait3A_146] : memref<2x1600000xi32, #tpu.memory_space<hbm>> -> memref<1x1600000xi32, #tpu.memory_space<hbm>>
        %dma_wait3A_148 = tpu.memref_squeeze %dma_wait3A_147 : memref<1x1600000xi32, #tpu.memory_space<hbm>> -> memref<1600000xi32, #tpu.memory_space<hbm>>
        %dma_wait3A_149 = arith.constant 0 : i32
        %dma_wait3A_150 = tpu.memref_slice %dma_wait3A_148[%dma_wait3A_149] : memref<1600000xi32, #tpu.memory_space<hbm>> -> memref<800xi32, #tpu.memory_space<hbm>>
        %dma_wait3A_151 = arith.constant 0 : i32
        %dma_wait3A_152 = tpu.memref_slice %arg11[%dma_wait3A_142, %dma_wait3A_151] : memref<3x800xi32, #tpu.memory_space<vmem>> -> memref<1x800xi32, #tpu.memory_space<vmem>>
        %dma_wait3A_153 = tpu.memref_squeeze %dma_wait3A_152 : memref<1x800xi32, #tpu.memory_space<vmem>> -> memref<800xi32, #tpu.memory_space<vmem>>
        %dma_wait3A_154 = arith.constant 0 : i32
        %dma_wait3A_155 = tpu.memref_slice %arg4[%scan3A_51, %dma_wait3A_154] : memref<2x1600000xi32, #tpu.memory_space<hbm>> -> memref<1x1600000xi32, #tpu.memory_space<hbm>>
        %dma_wait3A_156 = tpu.memref_squeeze %dma_wait3A_155 : memref<1x1600000xi32, #tpu.memory_space<hbm>> -> memref<1600000xi32, #tpu.memory_space<hbm>>
        %dma_wait3A_157 = arith.constant 0 : i32
        %dma_wait3A_158 = tpu.memref_slice %dma_wait3A_156[%dma_wait3A_157] : memref<1600000xi32, #tpu.memory_space<hbm>> -> memref<800xi32, #tpu.memory_space<hbm>>
        tpu.wait_dma2 semaphore(%arg14 : memref<!tpu.dma_semaphore, #tpu.memory_space<semaphore_mem>>) src(%dma_wait3A_158 : memref<800xi32, #tpu.memory_space<hbm>>) dst(%dma_wait3A_153 : memref<800xi32, #tpu.memory_space<vmem>>)
        %add3A_159 = arith.constant 1 : i32
        %add3A_160 = arith.addi %scan3A_77, %add3A_159 : i32
        %rem3A_161 = arith.constant 2 : i32
        %rem3A_162 = arith.remsi %add3A_160, %rem3A_161 : i32
        %eq3A_163 = arith.constant 0 : i32
        %eq3A_164 = arith.cmpi eq, %arg0, %eq3A_163 : i32
        %convert_element_type3A_165 = arith.extui %eq3A_164 : i1 to i32
        %cond3A_166 = arith.constant 0 : i32
        %cond3A_167 = arith.cmpi ne, %convert_element_type3A_165, %cond3A_166 : i32
        scf.if %cond3A_167 {
          %dma_start3A_173 = arith.constant 0 : i32
          %dma_start3A_174 = arith.constant 0 : i32
          %dma_start3A_175 = tpu.memref_slice %arg9[%sub3A_81, %dma_start3A_173, %dma_start3A_174] : memref<2x800x16xf32, #tpu.memory_space<vmem>> -> memref<1x800x16xf32, #tpu.memory_space<vmem>>
          %dma_start3A_176 = tpu.memref_squeeze %dma_start3A_175 : memref<1x800x16xf32, #tpu.memory_space<vmem>> -> memref<800x16xf32, #tpu.memory_space<vmem>>
          %dma_start3A_177 = arith.constant 0 : i32
          %dma_start3A_178 = tpu.memref_slice %arg10[%rem3A_162, %dma_start3A_177] : memref<2x800xi32, #tpu.memory_space<vmem>> -> memref<1x800xi32, #tpu.memory_space<vmem>>
          %dma_start3A_179 = tpu.memref_squeeze %dma_start3A_178 : memref<1x800xi32, #tpu.memory_space<vmem>> -> memref<800xi32, #tpu.memory_space<vmem>>
          %dma_start3A_180 = arith.constant 0 : i32
          %dma_start3A_181 = arith.constant 0 : i32
          %dma_start3A_182 = tpu.memref_slice %arg2[%dma_start3A_180, %dma_start3A_181] : memref<100000x16xf32, #tpu.memory_space<hbm>> -> memref<100000x16xf32, #tpu.memory_space<hbm>>
          tpu.enqueue_indirect_dma source(%dma_start3A_182 : memref<100000x16xf32, #tpu.memory_space<hbm>>) target(%dma_start3A_176 : memref<800x16xf32, #tpu.memory_space<vmem>>) offsets(%dma_start3A_179 : memref<800xi32, #tpu.memory_space<vmem>>) semaphore(%arg12 : memref<!tpu.dma_semaphore, #tpu.memory_space<semaphore_mem>>)
        } else {
        }
        %eq3A_168 = arith.constant 1 : i32
        %eq3A_169 = arith.cmpi eq, %arg0, %eq3A_168 : i32
        %convert_element_type3A_170 = arith.extui %eq3A_169 : i1 to i32
        %cond3A_171 = arith.constant 0 : i32
        %cond3A_172 = arith.cmpi ne, %convert_element_type3A_170, %cond3A_171 : i32
        scf.if %cond3A_172 {
          %dma_start3A_173 = arith.constant 0 : i32
          %dma_start3A_174 = arith.constant 0 : i32
          %dma_start3A_175 = tpu.memref_slice %arg9[%sub3A_81, %dma_start3A_173, %dma_start3A_174] : memref<2x800x16xf32, #tpu.memory_space<vmem>> -> memref<1x800x16xf32, #tpu.memory_space<vmem>>
          %dma_start3A_176 = tpu.memref_squeeze %dma_start3A_175 : memref<1x800x16xf32, #tpu.memory_space<vmem>> -> memref<800x16xf32, #tpu.memory_space<vmem>>
          %dma_start3A_177 = arith.constant 0 : i32
          %dma_start3A_178 = tpu.memref_slice %arg10[%rem3A_162, %dma_start3A_177] : memref<2x800xi32, #tpu.memory_space<vmem>> -> memref<1x800xi32, #tpu.memory_space<vmem>>
          %dma_start3A_179 = tpu.memref_squeeze %dma_start3A_178 : memref<1x800xi32, #tpu.memory_space<vmem>> -> memref<800xi32, #tpu.memory_space<vmem>>
          %dma_start3A_180 = arith.constant 0 : i32
          %dma_start3A_181 = arith.constant 0 : i32
          %dma_start3A_182 = tpu.memref_slice %arg3[%dma_start3A_180, %dma_start3A_181] : memref<100000x16xf32, #tpu.memory_space<hbm>> -> memref<100000x16xf32, #tpu.memory_space<hbm>>
          tpu.enqueue_indirect_dma source(%dma_start3A_182 : memref<100000x16xf32, #tpu.memory_space<hbm>>) target(%dma_start3A_176 : memref<800x16xf32, #tpu.memory_space<vmem>>) offsets(%dma_start3A_179 : memref<800xi32, #tpu.memory_space<vmem>>) semaphore(%arg12 : memref<!tpu.dma_semaphore, #tpu.memory_space<semaphore_mem>>)
        } else {
        }
      } else {
      }
      %dma_wait3A_92 = arith.constant 0 : i32
      %dma_wait3A_93 = arith.constant 0 : i32
      %dma_wait3A_94 = tpu.memref_slice %arg9[%rem3A_80, %dma_wait3A_92, %dma_wait3A_93] : memref<2x800x16xf32, #tpu.memory_space<vmem>> -> memref<1x800x16xf32, #tpu.memory_space<vmem>>
      %dma_wait3A_95 = tpu.memref_squeeze %dma_wait3A_94 : memref<1x800x16xf32, #tpu.memory_space<vmem>> -> memref<800x16xf32, #tpu.memory_space<vmem>>
      %dma_wait3A_96 = arith.constant 0 : i32
      %dma_wait3A_97 = arith.constant 0 : i32
      %dma_wait3A_98 = tpu.memref_slice %arg2[%dma_wait3A_96, %dma_wait3A_97] : memref<100000x16xf32, #tpu.memory_space<hbm>> -> memref<800x16xf32, #tpu.memory_space<hbm>>
      %dma_wait3A_99 = arith.constant 0 : i32
      %dma_wait3A_100 = arith.constant 0 : i32
      %dma_wait3A_101 = tpu.memref_slice %arg9[%rem3A_80, %dma_wait3A_99, %dma_wait3A_100] : memref<2x800x16xf32, #tpu.memory_space<vmem>> -> memref<1x800x16xf32, #tpu.memory_space<vmem>>
      %dma_wait3A_102 = tpu.memref_squeeze %dma_wait3A_101 : memref<1x800x16xf32, #tpu.memory_space<vmem>> -> memref<800x16xf32, #tpu.memory_space<vmem>>
      %dma_wait3A_103 = arith.constant 0 : i32
      %dma_wait3A_104 = arith.constant 0 : i32
      %dma_wait3A_105 = tpu.memref_slice %arg2[%dma_wait3A_103, %dma_wait3A_104] : memref<100000x16xf32, #tpu.memory_space<hbm>> -> memref<800x16xf32, #tpu.memory_space<hbm>>
      tpu.wait_dma2 semaphore(%arg12 : memref<!tpu.dma_semaphore, #tpu.memory_space<semaphore_mem>>) src(%dma_wait3A_105 : memref<800x16xf32, #tpu.memory_space<hbm>>) dst(%dma_wait3A_102 : memref<800x16xf32, #tpu.memory_space<vmem>>)
      %add3A_106 = arith.constant 2 : i32
      %add3A_107 = arith.addi %scan3A_77, %add3A_106 : i32
      %lt3A_108 = arith.constant 125 : i32
      %lt3A_109 = arith.cmpi slt, %add3A_107, %lt3A_108 : i32
      %convert_element_type3A_110 = arith.extui %lt3A_109 : i1 to i32
      %cond3A_111 = arith.constant 0 : i32
      %cond3A_112 = arith.cmpi ne, %convert_element_type3A_110, %cond3A_111 : i32
      scf.if %cond3A_112 {
        %add3A_126 = arith.constant 2 : i32
        %add3A_127 = arith.addi %scan3A_77, %add3A_126 : i32
        %mul3A_128 = arith.constant 800 : i32
        %mul3A_129 = arith.muli %add3A_127, %mul3A_128 : i32
        %add3A_130 = arith.addi %mul3A_2, %mul3A_129 : i32
        %rem3A_131 = arith.constant 2 : i32
        %rem3A_132 = arith.remsi %add3A_127, %rem3A_131 : i32
        %dma_start3A_133 = arith.constant 0 : i32
        %dma_start3A_134 = tpu.memref_slice %arg10[%rem3A_132, %dma_start3A_133] : memref<2x800xi32, #tpu.memory_space<vmem>> -> memref<1x800xi32, #tpu.memory_space<vmem>>
        %dma_start3A_135 = tpu.memref_squeeze %dma_start3A_134 : memref<1x800xi32, #tpu.memory_space<vmem>> -> memref<800xi32, #tpu.memory_space<vmem>>
        %dma_start3A_136 = arith.constant 0 : i32
        %dma_start3A_137 = tpu.memref_slice %arg4[%scan3A, %dma_start3A_136] : memref<2x1600000xi32, #tpu.memory_space<hbm>> -> memref<1x1600000xi32, #tpu.memory_space<hbm>>
        %dma_start3A_138 = tpu.memref_squeeze %dma_start3A_137 : memref<1x1600000xi32, #tpu.memory_space<hbm>> -> memref<1600000xi32, #tpu.memory_space<hbm>>
        %dma_start3A_139 = tpu.memref_slice %dma_start3A_138[%add3A_130] : memref<1600000xi32, #tpu.memory_space<hbm>> -> memref<800xi32, #tpu.memory_space<hbm>>
        %dma_start3A_140 = arith.constant 0 : i32
        %dma_start3A_141 = tpu.memref_slice %arg10[%rem3A_132, %dma_start3A_140] : memref<2x800xi32, #tpu.memory_space<vmem>> -> memref<1x800xi32, #tpu.memory_space<vmem>>
        %dma_start3A_142 = tpu.memref_squeeze %dma_start3A_141 : memref<1x800xi32, #tpu.memory_space<vmem>> -> memref<800xi32, #tpu.memory_space<vmem>>
        %dma_start3A_143 = arith.constant 0 : i32
        %dma_start3A_144 = tpu.memref_slice %arg4[%scan3A, %dma_start3A_143] : memref<2x1600000xi32, #tpu.memory_space<hbm>> -> memref<1x1600000xi32, #tpu.memory_space<hbm>>
        %dma_start3A_145 = tpu.memref_squeeze %dma_start3A_144 : memref<1x1600000xi32, #tpu.memory_space<hbm>> -> memref<1600000xi32, #tpu.memory_space<hbm>>
        %dma_start3A_146 = tpu.memref_slice %dma_start3A_145[%add3A_130] : memref<1600000xi32, #tpu.memory_space<hbm>> -> memref<800xi32, #tpu.memory_space<hbm>>
        tpu.enqueue_dma source(%dma_start3A_146 : memref<800xi32, #tpu.memory_space<hbm>>) target(%dma_start3A_142 : memref<800xi32, #tpu.memory_space<vmem>>) target_semaphore(%arg14 : memref<!tpu.dma_semaphore, #tpu.memory_space<semaphore_mem>>)
        %rem3A_147 = arith.constant 3 : i32
        %rem3A_148 = arith.remsi %add3A_127, %rem3A_147 : i32
        %dma_start3A_149 = arith.constant 0 : i32
        %dma_start3A_150 = tpu.memref_slice %arg11[%rem3A_148, %dma_start3A_149] : memref<3x800xi32, #tpu.memory_space<vmem>> -> memref<1x800xi32, #tpu.memory_space<vmem>>
        %dma_start3A_151 = tpu.memref_squeeze %dma_start3A_150 : memref<1x800xi32, #tpu.memory_space<vmem>> -> memref<800xi32, #tpu.memory_space<vmem>>
        %dma_start3A_152 = arith.constant 0 : i32
        %dma_start3A_153 = tpu.memref_slice %arg4[%scan3A_51, %dma_start3A_152] : memref<2x1600000xi32, #tpu.memory_space<hbm>> -> memref<1x1600000xi32, #tpu.memory_space<hbm>>
        %dma_start3A_154 = tpu.memref_squeeze %dma_start3A_153 : memref<1x1600000xi32, #tpu.memory_space<hbm>> -> memref<1600000xi32, #tpu.memory_space<hbm>>
        %dma_start3A_155 = tpu.memref_slice %dma_start3A_154[%add3A_130] : memref<1600000xi32, #tpu.memory_space<hbm>> -> memref<800xi32, #tpu.memory_space<hbm>>
        %dma_start3A_156 = arith.constant 0 : i32
        %dma_start3A_157 = tpu.memref_slice %arg11[%rem3A_148, %dma_start3A_156] : memref<3x800xi32, #tpu.memory_space<vmem>> -> memref<1x800xi32, #tpu.memory_space<vmem>>
        %dma_start3A_158 = tpu.memref_squeeze %dma_start3A_157 : memref<1x800xi32, #tpu.memory_space<vmem>> -> memref<800xi32, #tpu.memory_space<vmem>>
        %dma_start3A_159 = arith.constant 0 : i32
        %dma_start3A_160 = tpu.memref_slice %arg4[%scan3A_51, %dma_start3A_159] : memref<2x1600000xi32, #tpu.memory_space<hbm>> -> memref<1x1600000xi32, #tpu.memory_space<hbm>>
        %dma_start3A_161 = tpu.memref_squeeze %dma_start3A_160 : memref<1x1600000xi32, #tpu.memory_space<hbm>> -> memref<1600000xi32, #tpu.memory_space<hbm>>
        %dma_start3A_162 = tpu.memref_slice %dma_start3A_161[%add3A_130] : memref<1600000xi32, #tpu.memory_space<hbm>> -> memref<800xi32, #tpu.memory_space<hbm>>
        tpu.enqueue_dma source(%dma_start3A_162 : memref<800xi32, #tpu.memory_space<hbm>>) target(%dma_start3A_158 : memref<800xi32, #tpu.memory_space<vmem>>) target_semaphore(%arg14 : memref<!tpu.dma_semaphore, #tpu.memory_space<semaphore_mem>>)
      } else {
      }
      %rem3A_113 = arith.constant 3 : i32
      %rem3A_114 = arith.remsi %scan3A_77, %rem3A_113 : i32
      %dma_start3A_115 = arith.constant 0 : i32
      %dma_start3A_116 = arith.constant 0 : i32
      %dma_start3A_117 = tpu.memref_slice %arg9[%rem3A_80, %dma_start3A_115, %dma_start3A_116] : memref<2x800x16xf32, #tpu.memory_space<vmem>> -> memref<1x800x16xf32, #tpu.memory_space<vmem>>
      %dma_start3A_118 = tpu.memref_squeeze %dma_start3A_117 : memref<1x800x16xf32, #tpu.memory_space<vmem>> -> memref<800x16xf32, #tpu.memory_space<vmem>>
      %dma_start3A_119 = arith.constant 0 : i32
      %dma_start3A_120 = tpu.memref_slice %arg11[%rem3A_114, %dma_start3A_119] : memref<3x800xi32, #tpu.memory_space<vmem>> -> memref<1x800xi32, #tpu.memory_space<vmem>>
      %dma_start3A_121 = tpu.memref_squeeze %dma_start3A_120 : memref<1x800xi32, #tpu.memory_space<vmem>> -> memref<800xi32, #tpu.memory_space<vmem>>
      %dma_start3A_122 = arith.constant 0 : i32
      %dma_start3A_123 = arith.constant 0 : i32
      %dma_start3A_124 = tpu.memref_slice %arg8[%dma_start3A_122, %dma_start3A_123] : memref<100000x16xf32, #tpu.memory_space<vmem_shared>> -> memref<100000x16xf32, #tpu.memory_space<vmem_shared>>
      tpu.enqueue_indirect_dma source(%dma_start3A_118 : memref<800x16xf32, #tpu.memory_space<vmem>>) target(%dma_start3A_124 : memref<100000x16xf32, #tpu.memory_space<vmem_shared>>) offsets(%dma_start3A_121 : memref<800xi32, #tpu.memory_space<vmem>>) semaphore(%arg13 : memref<!tpu.dma_semaphore, #tpu.memory_space<semaphore_mem>>) {add = true}
      %scan3A_125 = arith.constant 0 : i32
      scf.yield %scan3A_125 : i32
    }
    %scan3A_58 = arith.constant 125 : i32
    %rem3A_59 = arith.constant 124 : i32
    %rem3A_60 = arith.constant 3 : i32
    %rem3A_61 = arith.remsi %rem3A_59, %rem3A_60 : i32
    %dma_wait3A = arith.constant 0 : i32
    %dma_wait3A_62 = arith.constant 0 : i32
    %dma_wait3A_63 = arith.constant 0 : i32
    %dma_wait3A_64 = tpu.memref_slice %arg9[%dma_wait3A, %dma_wait3A_62, %dma_wait3A_63] : memref<2x800x16xf32, #tpu.memory_space<vmem>> -> memref<1x800x16xf32, #tpu.memory_space<vmem>>
    %dma_wait3A_65 = tpu.memref_squeeze %dma_wait3A_64 : memref<1x800x16xf32, #tpu.memory_space<vmem>> -> memref<800x16xf32, #tpu.memory_space<vmem>>
    %dma_wait3A_66 = arith.constant 0 : i32
    %dma_wait3A_67 = tpu.memref_slice %arg11[%rem3A_61, %dma_wait3A_66] : memref<3x800xi32, #tpu.memory_space<vmem>> -> memref<1x800xi32, #tpu.memory_space<vmem>>
    %dma_wait3A_68 = tpu.memref_squeeze %dma_wait3A_67 : memref<1x800xi32, #tpu.memory_space<vmem>> -> memref<800xi32, #tpu.memory_space<vmem>>
    %dma_wait3A_69 = arith.constant 0 : i32
    %dma_wait3A_70 = arith.constant 0 : i32
    %dma_wait3A_71 = tpu.memref_slice %arg8[%dma_wait3A_69, %dma_wait3A_70] : memref<100000x16xf32, #tpu.memory_space<vmem_shared>> -> memref<100000x16xf32, #tpu.memory_space<vmem_shared>>
    tpu.wait_indirect_dma semaphore(%arg13 : memref<!tpu.dma_semaphore, #tpu.memory_space<semaphore_mem>>) src(%dma_wait3A_65 : memref<800x16xf32, #tpu.memory_space<vmem>>) dst(%dma_wait3A_71 : memref<100000x16xf32, #tpu.memory_space<vmem_shared>>)
    %barrier3A_72 = arith.constant 0 : index
    tpu.barrier barrier_id(%barrier3A_72)
    %mul3A_73 = arith.constant 6250 : i32
    %mul3A_74 = arith.muli %arg1, %mul3A_73 : i32
    %mul3A_75 = arith.constant 6250 : i32
    %mul3A_76 = arith.muli %arg1, %mul3A_75 : i32
    "tpu.region"() ({
      %run_scoped3A_77 = tpu.sem_alloc : memref<!tpu.dma_semaphore, #tpu.memory_space<semaphore_mem>>
      %dma_start3A_78 = arith.constant 0 : i32
      %dma_start3A_79 = tpu.memref_slice %arg7[%arg0, %mul3A_76, %dma_start3A_78] : memref<2x100000x16xf32, #tpu.memory_space<hbm>> -> memref<1x6250x16xf32, #tpu.memory_space<hbm>>
      %dma_start3A_80 = tpu.memref_squeeze %dma_start3A_79 : memref<1x6250x16xf32, #tpu.memory_space<hbm>> -> memref<6250x16xf32, #tpu.memory_space<hbm>>
      %dma_start3A_81 = arith.constant 0 : i32
      %dma_start3A_82 = tpu.memref_slice %arg8[%mul3A_74, %dma_start3A_81] : memref<100000x16xf32, #tpu.memory_space<vmem_shared>> -> memref<6250x16xf32, #tpu.memory_space<vmem_shared>>
      tpu.enqueue_dma source(%dma_start3A_82 : memref<6250x16xf32, #tpu.memory_space<vmem_shared>>) target(%dma_start3A_80 : memref<6250x16xf32, #tpu.memory_space<hbm>>) target_semaphore(%run_scoped3A_77 : memref<!tpu.dma_semaphore, #tpu.memory_space<semaphore_mem>>)
      %dma_wait3A_83 = arith.constant 0 : i32
      %dma_wait3A_84 = tpu.memref_slice %arg7[%arg0, %mul3A_76, %dma_wait3A_83] : memref<2x100000x16xf32, #tpu.memory_space<hbm>> -> memref<1x6250x16xf32, #tpu.memory_space<hbm>>
      %dma_wait3A_85 = tpu.memref_squeeze %dma_wait3A_84 : memref<1x6250x16xf32, #tpu.memory_space<hbm>> -> memref<6250x16xf32, #tpu.memory_space<hbm>>
      %dma_wait3A_86 = arith.constant 0 : i32
      %dma_wait3A_87 = tpu.memref_slice %arg8[%mul3A_74, %dma_wait3A_86] : memref<100000x16xf32, #tpu.memory_space<vmem_shared>> -> memref<6250x16xf32, #tpu.memory_space<vmem_shared>>
      tpu.wait_dma2 semaphore(%run_scoped3A_77 : memref<!tpu.dma_semaphore, #tpu.memory_space<semaphore_mem>>) src(%dma_wait3A_87 : memref<6250x16xf32, #tpu.memory_space<vmem_shared>>) dst(%dma_wait3A_85 : memref<6250x16xf32, #tpu.memory_space<hbm>>)
      tpu.yield
    }) : () -> ()
    return
  }
}

#map = affine_map<(d0, d1) -> (0, 0)>
#map1 = affine_map<(d0, d1) -> (0, 0, 0)>
module attributes {stable_mosaic.version = 14 : i64} {
  func.func @_spmm_body(%arg0: i32, %arg1: i32, %arg2: memref<100000x16xf32, #tpu.memory_space<hbm>>, %arg3: memref<100000x16xf32, #tpu.memory_space<hbm>>, %arg4: memref<2x1600000xi32, #tpu.memory_space<hbm>>, %arg5: memref<6250x16xf32, #tpu.memory_space<hbm>>, %arg6: memref<2x100000x8xf32, #tpu.memory_space<hbm>>, %arg7: memref<2x100000x16xf32, #tpu.memory_space<hbm>>, %arg8: memref<100000x16xf32, #tpu.memory_space<vmem_shared>>, %arg9: memref<2x800x16xf32, #tpu.memory_space<vmem>>, %arg10: memref<2x800xi32, #tpu.memory_space<vmem>>, %arg11: memref<3x800xi32, #tpu.memory_space<vmem>>, %arg12: memref<!tpu.dma_semaphore, #tpu.memory_space<semaphore_mem>>, %arg13: memref<!tpu.dma_semaphore, #tpu.memory_space<semaphore_mem>>, %arg14: memref<!tpu.dma_semaphore, #tpu.memory_space<semaphore_mem>>) attributes {dimension_semantics = [#tpu.dimension_semantics<core_parallel>, #tpu.dimension_semantics<subcore_parallel>], iteration_bounds = array<i64: 2, 16>, scalar_prefetch = 0 : i64, scratch_operands = 7 : i64, tpu.core_type = #tpu.core_type<sc_vector_subcore>, window_params = [{transform_indices = #map}, {transform_indices = #map}, {transform_indices = #map}, {transform_indices = #map}, {transform_indices = #map1}, {transform_indices = #map1}]} {
    %mul3A = arith.constant 6250 : i32
    %mul3A_0 = arith.muli %arg1, %mul3A : i32
    "tpu.region"() ({
      %run_scoped3A_77 = tpu.sem_alloc : memref<!tpu.dma_semaphore, #tpu.memory_space<semaphore_mem>>
      %dma_start3A_78 = arith.constant 0 : i32
      %dma_start3A_79 = tpu.memref_slice %arg8[%mul3A_0, %dma_start3A_78] : memref<100000x16xf32, #tpu.memory_space<vmem_shared>> -> memref<6250x16xf32, #tpu.memory_space<vmem_shared>>
      tpu.enqueue_dma source(%arg5 : memref<6250x16xf32, #tpu.memory_space<hbm>>) target(%dma_start3A_79 : memref<6250x16xf32, #tpu.memory_space<vmem_shared>>) target_semaphore(%run_scoped3A_77 : memref<!tpu.dma_semaphore, #tpu.memory_space<semaphore_mem>>)
      %dma_wait3A_80 = arith.constant 0 : i32
      %dma_wait3A_81 = tpu.memref_slice %arg8[%mul3A_0, %dma_wait3A_80] : memref<100000x16xf32, #tpu.memory_space<vmem_shared>> -> memref<6250x16xf32, #tpu.memory_space<vmem_shared>>
      tpu.wait_dma2 semaphore(%run_scoped3A_77 : memref<!tpu.dma_semaphore, #tpu.memory_space<semaphore_mem>>) src(%arg5 : memref<6250x16xf32, #tpu.memory_space<hbm>>) dst(%dma_wait3A_81 : memref<6250x16xf32, #tpu.memory_space<vmem_shared>>)
      tpu.yield
    }) : () -> ()
    %barrier3A = arith.constant 0 : index
    tpu.barrier barrier_id(%barrier3A)
    %mul3A_1 = arith.constant 100000 : i32
    %mul3A_2 = arith.muli %arg1, %mul3A_1 : i32
    %run_scoped3A = arith.constant 0 : i32
    %run_scoped3A_3 = arith.constant 0 : i32
    "tpu.region"() ({
      %run_scoped3A_77 = tpu.sem_alloc : memref<!tpu.dma_semaphore, #tpu.memory_space<semaphore_mem>>
      %dma_start3A_78 = arith.constant 0 : i32
      %dma_start3A_79 = tpu.memref_slice %arg10[%run_scoped3A_3, %dma_start3A_78] : memref<2x800xi32, #tpu.memory_space<vmem>> -> memref<1x800xi32, #tpu.memory_space<vmem>>
      %dma_start3A_80 = tpu.memref_squeeze %dma_start3A_79 : memref<1x800xi32, #tpu.memory_space<vmem>> -> memref<800xi32, #tpu.memory_space<vmem>>
      %dma_start3A_81 = arith.constant 0 : i32
      %dma_start3A_82 = tpu.memref_slice %arg4[%run_scoped3A, %dma_start3A_81] : memref<2x1600000xi32, #tpu.memory_space<hbm>> -> memref<1x1600000xi32, #tpu.memory_space<hbm>>
      %dma_start3A_83 = tpu.memref_squeeze %dma_start3A_82 : memref<1x1600000xi32, #tpu.memory_space<hbm>> -> memref<1600000xi32, #tpu.memory_space<hbm>>
      %dma_start3A_84 = tpu.memref_slice %dma_start3A_83[%mul3A_2] : memref<1600000xi32, #tpu.memory_space<hbm>> -> memref<800xi32, #tpu.memory_space<hbm>>
      %dma_start3A_85 = arith.constant 0 : i32
      %dma_start3A_86 = tpu.memref_slice %arg10[%run_scoped3A_3, %dma_start3A_85] : memref<2x800xi32, #tpu.memory_space<vmem>> -> memref<1x800xi32, #tpu.memory_space<vmem>>
      %dma_start3A_87 = tpu.memref_squeeze %dma_start3A_86 : memref<1x800xi32, #tpu.memory_space<vmem>> -> memref<800xi32, #tpu.memory_space<vmem>>
      %dma_start3A_88 = arith.constant 0 : i32
      %dma_start3A_89 = tpu.memref_slice %arg4[%run_scoped3A, %dma_start3A_88] : memref<2x1600000xi32, #tpu.memory_space<hbm>> -> memref<1x1600000xi32, #tpu.memory_space<hbm>>
      %dma_start3A_90 = tpu.memref_squeeze %dma_start3A_89 : memref<1x1600000xi32, #tpu.memory_space<hbm>> -> memref<1600000xi32, #tpu.memory_space<hbm>>
      %dma_start3A_91 = tpu.memref_slice %dma_start3A_90[%mul3A_2] : memref<1600000xi32, #tpu.memory_space<hbm>> -> memref<800xi32, #tpu.memory_space<hbm>>
      tpu.enqueue_dma source(%dma_start3A_91 : memref<800xi32, #tpu.memory_space<hbm>>) target(%dma_start3A_87 : memref<800xi32, #tpu.memory_space<vmem>>) target_semaphore(%run_scoped3A_77 : memref<!tpu.dma_semaphore, #tpu.memory_space<semaphore_mem>>)
      %dma_wait3A_92 = arith.constant 0 : i32
      %dma_wait3A_93 = tpu.memref_slice %arg10[%run_scoped3A_3, %dma_wait3A_92] : memref<2x800xi32, #tpu.memory_space<vmem>> -> memref<1x800xi32, #tpu.memory_space<vmem>>
      %dma_wait3A_94 = tpu.memref_squeeze %dma_wait3A_93 : memref<1x800xi32, #tpu.memory_space<vmem>> -> memref<800xi32, #tpu.memory_space<vmem>>
      %dma_wait3A_95 = arith.constant 0 : i32
      %dma_wait3A_96 = tpu.memref_slice %arg4[%run_scoped3A, %dma_wait3A_95] : memref<2x1600000xi32, #tpu.memory_space<hbm>> -> memref<1x1600000xi32, #tpu.memory_space<hbm>>
      %dma_wait3A_97 = tpu.memref_squeeze %dma_wait3A_96 : memref<1x1600000xi32, #tpu.memory_space<hbm>> -> memref<1600000xi32, #tpu.memory_space<hbm>>
      %dma_wait3A_98 = tpu.memref_slice %dma_wait3A_97[%mul3A_2] : memref<1600000xi32, #tpu.memory_space<hbm>> -> memref<800xi32, #tpu.memory_space<hbm>>
      %dma_wait3A_99 = arith.constant 0 : i32
      %dma_wait3A_100 = tpu.memref_slice %arg10[%run_scoped3A_3, %dma_wait3A_99] : memref<2x800xi32, #tpu.memory_space<vmem>> -> memref<1x800xi32, #tpu.memory_space<vmem>>
      %dma_wait3A_101 = tpu.memref_squeeze %dma_wait3A_100 : memref<1x800xi32, #tpu.memory_space<vmem>> -> memref<800xi32, #tpu.memory_space<vmem>>
      %dma_wait3A_102 = arith.constant 0 : i32
      %dma_wait3A_103 = tpu.memref_slice %arg4[%run_scoped3A, %dma_wait3A_102] : memref<2x1600000xi32, #tpu.memory_space<hbm>> -> memref<1x1600000xi32, #tpu.memory_space<hbm>>
      %dma_wait3A_104 = tpu.memref_squeeze %dma_wait3A_103 : memref<1x1600000xi32, #tpu.memory_space<hbm>> -> memref<1600000xi32, #tpu.memory_space<hbm>>
      %dma_wait3A_105 = tpu.memref_slice %dma_wait3A_104[%mul3A_2] : memref<1600000xi32, #tpu.memory_space<hbm>> -> memref<800xi32, #tpu.memory_space<hbm>>
      tpu.wait_dma2 semaphore(%run_scoped3A_77 : memref<!tpu.dma_semaphore, #tpu.memory_space<semaphore_mem>>) src(%dma_wait3A_105 : memref<800xi32, #tpu.memory_space<hbm>>) dst(%dma_wait3A_101 : memref<800xi32, #tpu.memory_space<vmem>>)
      tpu.yield
    }) : () -> ()
    %run_scoped3A_4 = arith.constant 1 : i32
    %run_scoped3A_5 = arith.constant 0 : i32
    "tpu.region"() ({
      %run_scoped3A_77 = tpu.sem_alloc : memref<!tpu.dma_semaphore, #tpu.memory_space<semaphore_mem>>
      %dma_start3A_78 = arith.constant 0 : i32
      %dma_start3A_79 = tpu.memref_slice %arg11[%run_scoped3A_5, %dma_start3A_78] : memref<3x800xi32, #tpu.memory_space<vmem>> -> memref<1x800xi32, #tpu.memory_space<vmem>>
      %dma_start3A_80 = tpu.memref_squeeze %dma_start3A_79 : memref<1x800xi32, #tpu.memory_space<vmem>> -> memref<800xi32, #tpu.memory_space<vmem>>
      %dma_start3A_81 = arith.constant 0 : i32
      %dma_start3A_82 = tpu.memref_slice %arg4[%run_scoped3A_4, %dma_start3A_81] : memref<2x1600000xi32, #tpu.memory_space<hbm>> -> memref<1x1600000xi32, #tpu.memory_space<hbm>>
      %dma_start3A_83 = tpu.memref_squeeze %dma_start3A_82 : memref<1x1600000xi32, #tpu.memory_space<hbm>> -> memref<1600000xi32, #tpu.memory_space<hbm>>
      %dma_start3A_84 = tpu.memref_slice %dma_start3A_83[%mul3A_2] : memref<1600000xi32, #tpu.memory_space<hbm>> -> memref<800xi32, #tpu.memory_space<hbm>>
      %dma_start3A_85 = arith.constant 0 : i32
      %dma_start3A_86 = tpu.memref_slice %arg11[%run_scoped3A_5, %dma_start3A_85] : memref<3x800xi32, #tpu.memory_space<vmem>> -> memref<1x800xi32, #tpu.memory_space<vmem>>
      %dma_start3A_87 = tpu.memref_squeeze %dma_start3A_86 : memref<1x800xi32, #tpu.memory_space<vmem>> -> memref<800xi32, #tpu.memory_space<vmem>>
      %dma_start3A_88 = arith.constant 0 : i32
      %dma_start3A_89 = tpu.memref_slice %arg4[%run_scoped3A_4, %dma_start3A_88] : memref<2x1600000xi32, #tpu.memory_space<hbm>> -> memref<1x1600000xi32, #tpu.memory_space<hbm>>
      %dma_start3A_90 = tpu.memref_squeeze %dma_start3A_89 : memref<1x1600000xi32, #tpu.memory_space<hbm>> -> memref<1600000xi32, #tpu.memory_space<hbm>>
      %dma_start3A_91 = tpu.memref_slice %dma_start3A_90[%mul3A_2] : memref<1600000xi32, #tpu.memory_space<hbm>> -> memref<800xi32, #tpu.memory_space<hbm>>
      tpu.enqueue_dma source(%dma_start3A_91 : memref<800xi32, #tpu.memory_space<hbm>>) target(%dma_start3A_87 : memref<800xi32, #tpu.memory_space<vmem>>) target_semaphore(%run_scoped3A_77 : memref<!tpu.dma_semaphore, #tpu.memory_space<semaphore_mem>>)
      %dma_wait3A_92 = arith.constant 0 : i32
      %dma_wait3A_93 = tpu.memref_slice %arg11[%run_scoped3A_5, %dma_wait3A_92] : memref<3x800xi32, #tpu.memory_space<vmem>> -> memref<1x800xi32, #tpu.memory_space<vmem>>
      %dma_wait3A_94 = tpu.memref_squeeze %dma_wait3A_93 : memref<1x800xi32, #tpu.memory_space<vmem>> -> memref<800xi32, #tpu.memory_space<vmem>>
      %dma_wait3A_95 = arith.constant 0 : i32
      %dma_wait3A_96 = tpu.memref_slice %arg4[%run_scoped3A_4, %dma_wait3A_95] : memref<2x1600000xi32, #tpu.memory_space<hbm>> -> memref<1x1600000xi32, #tpu.memory_space<hbm>>
      %dma_wait3A_97 = tpu.memref_squeeze %dma_wait3A_96 : memref<1x1600000xi32, #tpu.memory_space<hbm>> -> memref<1600000xi32, #tpu.memory_space<hbm>>
      %dma_wait3A_98 = tpu.memref_slice %dma_wait3A_97[%mul3A_2] : memref<1600000xi32, #tpu.memory_space<hbm>> -> memref<800xi32, #tpu.memory_space<hbm>>
      %dma_wait3A_99 = arith.constant 0 : i32
      %dma_wait3A_100 = tpu.memref_slice %arg11[%run_scoped3A_5, %dma_wait3A_99] : memref<3x800xi32, #tpu.memory_space<vmem>> -> memref<1x800xi32, #tpu.memory_space<vmem>>
      %dma_wait3A_101 = tpu.memref_squeeze %dma_wait3A_100 : memref<1x800xi32, #tpu.memory_space<vmem>> -> memref<800xi32, #tpu.memory_space<vmem>>
      %dma_wait3A_102 = arith.constant 0 : i32
      %dma_wait3A_103 = tpu.memref_slice %arg4[%run_scoped3A_4, %dma_wait3A_102] : memref<2x1600000xi32, #tpu.memory_space<hbm>> -> memref<1x1600000xi32, #tpu.memory_space<hbm>>
      %dma_wait3A_104 = tpu.memref_squeeze %dma_wait3A_103 : memref<1x1600000xi32, #tpu.memory_space<hbm>> -> memref<1600000xi32, #tpu.memory_space<hbm>>
      %dma_wait3A_105 = tpu.memref_slice %dma_wait3A_104[%mul3A_2] : memref<1600000xi32, #tpu.memory_space<hbm>> -> memref<800xi32, #tpu.memory_space<hbm>>
      tpu.wait_dma2 semaphore(%run_scoped3A_77 : memref<!tpu.dma_semaphore, #tpu.memory_space<semaphore_mem>>) src(%dma_wait3A_105 : memref<800xi32, #tpu.memory_space<hbm>>) dst(%dma_wait3A_101 : memref<800xi32, #tpu.memory_space<vmem>>)
      tpu.yield
    }) : () -> ()
    %rem3A = arith.constant 0 : i32
    %rem3A_6 = arith.constant 2 : i32
    %rem3A_7 = arith.remsi %rem3A, %rem3A_6 : i32
    %eq3A = arith.constant 0 : i32
    %eq3A_8 = arith.cmpi eq, %arg0, %eq3A : i32
    %convert_element_type3A = arith.extui %eq3A_8 : i1 to i32
    %cond3A = arith.constant 0 : i32
    %cond3A_9 = arith.cmpi ne, %convert_element_type3A, %cond3A : i32
    scf.if %cond3A_9 {
      %dma_start3A_77 = arith.constant 0 : i32
      %dma_start3A_78 = arith.constant 0 : i32
      %dma_start3A_79 = arith.constant 0 : i32
      %dma_start3A_80 = tpu.memref_slice %arg9[%dma_start3A_77, %dma_start3A_78, %dma_start3A_79] : memref<2x800x16xf32, #tpu.memory_space<vmem>> -> memref<1x800x16xf32, #tpu.memory_space<vmem>>
      %dma_start3A_81 = tpu.memref_squeeze %dma_start3A_80 : memref<1x800x16xf32, #tpu.memory_space<vmem>> -> memref<800x16xf32, #tpu.memory_space<vmem>>
      %dma_start3A_82 = arith.constant 0 : i32
      %dma_start3A_83 = tpu.memref_slice %arg10[%rem3A_7, %dma_start3A_82] : memref<2x800xi32, #tpu.memory_space<vmem>> -> memref<1x800xi32, #tpu.memory_space<vmem>>
      %dma_start3A_84 = tpu.memref_squeeze %dma_start3A_83 : memref<1x800xi32, #tpu.memory_space<vmem>> -> memref<800xi32, #tpu.memory_space<vmem>>
      %dma_start3A_85 = arith.constant 0 : i32
      %dma_start3A_86 = arith.constant 0 : i32
      %dma_start3A_87 = tpu.memref_slice %arg2[%dma_start3A_85, %dma_start3A_86] : memref<100000x16xf32, #tpu.memory_space<hbm>> -> memref<100000x16xf32, #tpu.memory_space<hbm>>
      tpu.enqueue_indirect_dma source(%dma_start3A_87 : memref<100000x16xf32, #tpu.memory_space<hbm>>) target(%dma_start3A_81 : memref<800x16xf32, #tpu.memory_space<vmem>>) offsets(%dma_start3A_84 : memref<800xi32, #tpu.memory_space<vmem>>) semaphore(%arg12 : memref<!tpu.dma_semaphore, #tpu.memory_space<semaphore_mem>>)
    } else {
    }
    %eq3A_10 = arith.constant 1 : i32
    %eq3A_11 = arith.cmpi eq, %arg0, %eq3A_10 : i32
    %convert_element_type3A_12 = arith.extui %eq3A_11 : i1 to i32
    %cond3A_13 = arith.constant 0 : i32
    %cond3A_14 = arith.cmpi ne, %convert_element_type3A_12, %cond3A_13 : i32
    scf.if %cond3A_14 {
      %dma_start3A_77 = arith.constant 0 : i32
      %dma_start3A_78 = arith.constant 0 : i32
      %dma_start3A_79 = arith.constant 0 : i32
      %dma_start3A_80 = tpu.memref_slice %arg9[%dma_start3A_77, %dma_start3A_78, %dma_start3A_79] : memref<2x800x16xf32, #tpu.memory_space<vmem>> -> memref<1x800x16xf32, #tpu.memory_space<vmem>>
      %dma_start3A_81 = tpu.memref_squeeze %dma_start3A_80 : memref<1x800x16xf32, #tpu.memory_space<vmem>> -> memref<800x16xf32, #tpu.memory_space<vmem>>
      %dma_start3A_82 = arith.constant 0 : i32
      %dma_start3A_83 = tpu.memref_slice %arg10[%rem3A_7, %dma_start3A_82] : memref<2x800xi32, #tpu.memory_space<vmem>> -> memref<1x800xi32, #tpu.memory_space<vmem>>
      %dma_start3A_84 = tpu.memref_squeeze %dma_start3A_83 : memref<1x800xi32, #tpu.memory_space<vmem>> -> memref<800xi32, #tpu.memory_space<vmem>>
      %dma_start3A_85 = arith.constant 0 : i32
      %dma_start3A_86 = arith.constant 0 : i32
      %dma_start3A_87 = tpu.memref_slice %arg3[%dma_start3A_85, %dma_start3A_86] : memref<100000x16xf32, #tpu.memory_space<hbm>> -> memref<100000x16xf32, #tpu.memory_space<hbm>>
      tpu.enqueue_indirect_dma source(%dma_start3A_87 : memref<100000x16xf32, #tpu.memory_space<hbm>>) target(%dma_start3A_81 : memref<800x16xf32, #tpu.memory_space<vmem>>) offsets(%dma_start3A_84 : memref<800xi32, #tpu.memory_space<vmem>>) semaphore(%arg12 : memref<!tpu.dma_semaphore, #tpu.memory_space<semaphore_mem>>)
    } else {
    }
    %add3A = arith.constant 800 : i32
    %add3A_15 = arith.addi %mul3A_2, %add3A : i32
    %rem3A_16 = arith.constant 1 : i32
    %rem3A_17 = arith.constant 2 : i32
    %rem3A_18 = arith.remsi %rem3A_16, %rem3A_17 : i32
    %dma_start3A = arith.constant 0 : i32
    %dma_start3A_19 = arith.constant 0 : i32
    %dma_start3A_20 = tpu.memref_slice %arg10[%rem3A_18, %dma_start3A_19] : memref<2x800xi32, #tpu.memory_space<vmem>> -> memref<1x800xi32, #tpu.memory_space<vmem>>
    %dma_start3A_21 = tpu.memref_squeeze %dma_start3A_20 : memref<1x800xi32, #tpu.memory_space<vmem>> -> memref<800xi32, #tpu.memory_space<vmem>>
    %dma_start3A_22 = arith.constant 0 : i32
    %dma_start3A_23 = tpu.memref_slice %arg4[%dma_start3A, %dma_start3A_22] : memref<2x1600000xi32, #tpu.memory_space<hbm>> -> memref<1x1600000xi32, #tpu.memory_space<hbm>>
    %dma_start3A_24 = tpu.memref_squeeze %dma_start3A_23 : memref<1x1600000xi32, #tpu.memory_space<hbm>> -> memref<1600000xi32, #tpu.memory_space<hbm>>
    %dma_start3A_25 = tpu.memref_slice %dma_start3A_24[%add3A_15] : memref<1600000xi32, #tpu.memory_space<hbm>> -> memref<800xi32, #tpu.memory_space<hbm>>
    %dma_start3A_26 = arith.constant 0 : i32
    %dma_start3A_27 = tpu.memref_slice %arg10[%rem3A_18, %dma_start3A_26] : memref<2x800xi32, #tpu.memory_space<vmem>> -> memref<1x800xi32, #tpu.memory_space<vmem>>
    %dma_start3A_28 = tpu.memref_squeeze %dma_start3A_27 : memref<1x800xi32, #tpu.memory_space<vmem>> -> memref<800xi32, #tpu.memory_space<vmem>>
    %dma_start3A_29 = arith.constant 0 : i32
    %dma_start3A_30 = tpu.memref_slice %arg4[%dma_start3A, %dma_start3A_29] : memref<2x1600000xi32, #tpu.memory_space<hbm>> -> memref<1x1600000xi32, #tpu.memory_space<hbm>>
    %dma_start3A_31 = tpu.memref_squeeze %dma_start3A_30 : memref<1x1600000xi32, #tpu.memory_space<hbm>> -> memref<1600000xi32, #tpu.memory_space<hbm>>
    %dma_start3A_32 = tpu.memref_slice %dma_start3A_31[%add3A_15] : memref<1600000xi32, #tpu.memory_space<hbm>> -> memref<800xi32, #tpu.memory_space<hbm>>
    tpu.enqueue_dma source(%dma_start3A_32 : memref<800xi32, #tpu.memory_space<hbm>>) target(%dma_start3A_28 : memref<800xi32, #tpu.memory_space<vmem>>) target_semaphore(%arg14 : memref<!tpu.dma_semaphore, #tpu.memory_space<semaphore_mem>>)
    %rem3A_33 = arith.constant 1 : i32
    %rem3A_34 = arith.constant 3 : i32
    %rem3A_35 = arith.remsi %rem3A_33, %rem3A_34 : i32
    %dma_start3A_36 = arith.constant 1 : i32
    %dma_start3A_37 = arith.constant 0 : i32
    %dma_start3A_38 = tpu.memref_slice %arg11[%rem3A_35, %dma_start3A_37] : memref<3x800xi32, #tpu.memory_space<vmem>> -> memref<1x800xi32, #tpu.memory_space<vmem>>
    %dma_start3A_39 = tpu.memref_squeeze %dma_start3A_38 : memref<1x800xi32, #tpu.memory_space<vmem>> -> memref<800xi32, #tpu.memory_space<vmem>>
    %dma_start3A_40 = arith.constant 0 : i32
    %dma_start3A_41 = tpu.memref_slice %arg4[%dma_start3A_36, %dma_start3A_40] : memref<2x1600000xi32, #tpu.memory_space<hbm>> -> memref<1x1600000xi32, #tpu.memory_space<hbm>>
    %dma_start3A_42 = tpu.memref_squeeze %dma_start3A_41 : memref<1x1600000xi32, #tpu.memory_space<hbm>> -> memref<1600000xi32, #tpu.memory_space<hbm>>
    %dma_start3A_43 = tpu.memref_slice %dma_start3A_42[%add3A_15] : memref<1600000xi32, #tpu.memory_space<hbm>> -> memref<800xi32, #tpu.memory_space<hbm>>
    %dma_start3A_44 = arith.constant 0 : i32
    %dma_start3A_45 = tpu.memref_slice %arg11[%rem3A_35, %dma_start3A_44] : memref<3x800xi32, #tpu.memory_space<vmem>> -> memref<1x800xi32, #tpu.memory_space<vmem>>
    %dma_start3A_46 = tpu.memref_squeeze %dma_start3A_45 : memref<1x800xi32, #tpu.memory_space<vmem>> -> memref<800xi32, #tpu.memory_space<vmem>>
    %dma_start3A_47 = arith.constant 0 : i32
    %dma_start3A_48 = tpu.memref_slice %arg4[%dma_start3A_36, %dma_start3A_47] : memref<2x1600000xi32, #tpu.memory_space<hbm>> -> memref<1x1600000xi32, #tpu.memory_space<hbm>>
    %dma_start3A_49 = tpu.memref_squeeze %dma_start3A_48 : memref<1x1600000xi32, #tpu.memory_space<hbm>> -> memref<1600000xi32, #tpu.memory_space<hbm>>
    %dma_start3A_50 = tpu.memref_slice %dma_start3A_49[%add3A_15] : memref<1600000xi32, #tpu.memory_space<hbm>> -> memref<800xi32, #tpu.memory_space<hbm>>
    tpu.enqueue_dma source(%dma_start3A_50 : memref<800xi32, #tpu.memory_space<hbm>>) target(%dma_start3A_46 : memref<800xi32, #tpu.memory_space<vmem>>) target_semaphore(%arg14 : memref<!tpu.dma_semaphore, #tpu.memory_space<semaphore_mem>>)
    %scan3A = arith.constant 0 : i32
    %scan3A_51 = arith.constant 1 : i32
    %scan3A_52 = arith.constant 0 : i32
    %scan3A_53 = arith.constant 0 : i32
    %scan3A_54 = arith.constant 125 : i32
    %scan3A_55 = arith.addi %scan3A_53, %scan3A_54 : i32
    %scan3A_56 = arith.constant 1 : i32
    %scan3A_57 = scf.for %scan3A_77 = %scan3A_53 to %scan3A_55 step %scan3A_56 iter_args(%scan3A_78 = %scan3A_52) -> (i32)  : i32 {
      %rem3A_79 = arith.constant 2 : i32
      %rem3A_80 = arith.remsi %scan3A_77, %rem3A_79 : i32
      %sub3A = arith.constant 1 : i32
      %sub3A_81 = arith.subi %sub3A, %rem3A_80 : i32
      %ge3A = arith.constant 1 : i32
      %ge3A_82 = arith.cmpi sge, %scan3A_77, %ge3A : i32
      %convert_element_type3A_83 = arith.extui %ge3A_82 : i1 to i32
      %cond3A_84 = arith.constant 0 : i32
      %cond3A_85 = arith.cmpi ne, %convert_element_type3A_83, %cond3A_84 : i32
      scf.if %cond3A_85 {
        %sub3A_126 = arith.constant 1 : i32
        %sub3A_127 = arith.subi %scan3A_77, %sub3A_126 : i32
        %rem3A_128 = arith.constant 3 : i32
        %rem3A_129 = arith.remsi %sub3A_127, %rem3A_128 : i32
        %dma_wait3A_130 = arith.constant 0 : i32
        %dma_wait3A_131 = arith.constant 0 : i32
        %dma_wait3A_132 = tpu.memref_slice %arg9[%sub3A_81, %dma_wait3A_130, %dma_wait3A_131] : memref<2x800x16xf32, #tpu.memory_space<vmem>> -> memref<1x800x16xf32, #tpu.memory_space<vmem>>
        %dma_wait3A_133 = tpu.memref_squeeze %dma_wait3A_132 : memref<1x800x16xf32, #tpu.memory_space<vmem>> -> memref<800x16xf32, #tpu.memory_space<vmem>>
        %dma_wait3A_134 = arith.constant 0 : i32
        %dma_wait3A_135 = tpu.memref_slice %arg11[%rem3A_129, %dma_wait3A_134] : memref<3x800xi32, #tpu.memory_space<vmem>> -> memref<1x800xi32, #tpu.memory_space<vmem>>
        %dma_wait3A_136 = tpu.memref_squeeze %dma_wait3A_135 : memref<1x800xi32, #tpu.memory_space<vmem>> -> memref<800xi32, #tpu.memory_space<vmem>>
        %dma_wait3A_137 = arith.constant 0 : i32
        %dma_wait3A_138 = arith.constant 0 : i32
        %dma_wait3A_139 = tpu.memref_slice %arg8[%dma_wait3A_137, %dma_wait3A_138] : memref<100000x16xf32, #tpu.memory_space<vmem_shared>> -> memref<100000x16xf32, #tpu.memory_space<vmem_shared>>
        tpu.wait_indirect_dma semaphore(%arg13 : memref<!tpu.dma_semaphore, #tpu.memory_space<semaphore_mem>>) src(%dma_wait3A_133 : memref<800x16xf32, #tpu.memory_space<vmem>>) dst(%dma_wait3A_139 : memref<100000x16xf32, #tpu.memory_space<vmem_shared>>)
      } else {
      }
      %add3A_86 = arith.constant 1 : i32
      %add3A_87 = arith.addi %scan3A_77, %add3A_86 : i32
      %lt3A = arith.constant 125 : i32
      %lt3A_88 = arith.cmpi slt, %add3A_87, %lt3A : i32
      %convert_element_type3A_89 = arith.extui %lt3A_88 : i1 to i32
      %cond3A_90 = arith.constant 0 : i32
      %cond3A_91 = arith.cmpi ne, %convert_element_type3A_89, %cond3A_90 : i32
      scf.if %cond3A_91 {
        %dma_wait3A_126 = arith.constant 0 : i32
        %dma_wait3A_127 = tpu.memref_slice %arg10[%sub3A_81, %dma_wait3A_126] : memref<2x800xi32, #tpu.memory_space<vmem>> -> memref<1x800xi32, #tpu.memory_space<vmem>>
        %dma_wait3A_128 = tpu.memref_squeeze %dma_wait3A_127 : memref<1x800xi32, #tpu.memory_space<vmem>> -> memref<800xi32, #tpu.memory_space<vmem>>
        %dma_wait3A_129 = arith.constant 0 : i32
        %dma_wait3A_130 = tpu.memref_slice %arg4[%scan3A, %dma_wait3A_129] : memref<2x1600000xi32, #tpu.memory_space<hbm>> -> memref<1x1600000xi32, #tpu.memory_space<hbm>>
        %dma_wait3A_131 = tpu.memref_squeeze %dma_wait3A_130 : memref<1x1600000xi32, #tpu.memory_space<hbm>> -> memref<1600000xi32, #tpu.memory_space<hbm>>
        %dma_wait3A_132 = arith.constant 0 : i32
        %dma_wait3A_133 = tpu.memref_slice %dma_wait3A_131[%dma_wait3A_132] : memref<1600000xi32, #tpu.memory_space<hbm>> -> memref<800xi32, #tpu.memory_space<hbm>>
        %dma_wait3A_134 = arith.constant 0 : i32
        %dma_wait3A_135 = tpu.memref_slice %arg10[%sub3A_81, %dma_wait3A_134] : memref<2x800xi32, #tpu.memory_space<vmem>> -> memref<1x800xi32, #tpu.memory_space<vmem>>
        %dma_wait3A_136 = tpu.memref_squeeze %dma_wait3A_135 : memref<1x800xi32, #tpu.memory_space<vmem>> -> memref<800xi32, #tpu.memory_space<vmem>>
        %dma_wait3A_137 = arith.constant 0 : i32
        %dma_wait3A_138 = tpu.memref_slice %arg4[%scan3A, %dma_wait3A_137] : memref<2x1600000xi32, #tpu.memory_space<hbm>> -> memref<1x1600000xi32, #tpu.memory_space<hbm>>
        %dma_wait3A_139 = tpu.memref_squeeze %dma_wait3A_138 : memref<1x1600000xi32, #tpu.memory_space<hbm>> -> memref<1600000xi32, #tpu.memory_space<hbm>>
        %dma_wait3A_140 = arith.constant 0 : i32
        %dma_wait3A_141 = tpu.memref_slice %dma_wait3A_139[%dma_wait3A_140] : memref<1600000xi32, #tpu.memory_space<hbm>> -> memref<800xi32, #tpu.memory_space<hbm>>
        tpu.wait_dma2 semaphore(%arg14 : memref<!tpu.dma_semaphore, #tpu.memory_space<semaphore_mem>>) src(%dma_wait3A_141 : memref<800xi32, #tpu.memory_space<hbm>>) dst(%dma_wait3A_136 : memref<800xi32, #tpu.memory_space<vmem>>)
        %dma_wait3A_142 = arith.constant 0 : i32
        %dma_wait3A_143 = arith.constant 0 : i32
        %dma_wait3A_144 = tpu.memref_slice %arg11[%dma_wait3A_142, %dma_wait3A_143] : memref<3x800xi32, #tpu.memory_space<vmem>> -> memref<1x800xi32, #tpu.memory_space<vmem>>
        %dma_wait3A_145 = tpu.memref_squeeze %dma_wait3A_144 : memref<1x800xi32, #tpu.memory_space<vmem>> -> memref<800xi32, #tpu.memory_space<vmem>>
        %dma_wait3A_146 = arith.constant 0 : i32
        %dma_wait3A_147 = tpu.memref_slice %arg4[%scan3A_51, %dma_wait3A_146] : memref<2x1600000xi32, #tpu.memory_space<hbm>> -> memref<1x1600000xi32, #tpu.memory_space<hbm>>
        %dma_wait3A_148 = tpu.memref_squeeze %dma_wait3A_147 : memref<1x1600000xi32, #tpu.memory_space<hbm>> -> memref<1600000xi32, #tpu.memory_space<hbm>>
        %dma_wait3A_149 = arith.constant 0 : i32
        %dma_wait3A_150 = tpu.memref_slice %dma_wait3A_148[%dma_wait3A_149] : memref<1600000xi32, #tpu.memory_space<hbm>> -> memref<800xi32, #tpu.memory_space<hbm>>
        %dma_wait3A_151 = arith.constant 0 : i32
        %dma_wait3A_152 = tpu.memref_slice %arg11[%dma_wait3A_142, %dma_wait3A_151] : memref<3x800xi32, #tpu.memory_space<vmem>> -> memref<1x800xi32, #tpu.memory_space<vmem>>
        %dma_wait3A_153 = tpu.memref_squeeze %dma_wait3A_152 : memref<1x800xi32, #tpu.memory_space<vmem>> -> memref<800xi32, #tpu.memory_space<vmem>>
        %dma_wait3A_154 = arith.constant 0 : i32
        %dma_wait3A_155 = tpu.memref_slice %arg4[%scan3A_51, %dma_wait3A_154] : memref<2x1600000xi32, #tpu.memory_space<hbm>> -> memref<1x1600000xi32, #tpu.memory_space<hbm>>
        %dma_wait3A_156 = tpu.memref_squeeze %dma_wait3A_155 : memref<1x1600000xi32, #tpu.memory_space<hbm>> -> memref<1600000xi32, #tpu.memory_space<hbm>>
        %dma_wait3A_157 = arith.constant 0 : i32
        %dma_wait3A_158 = tpu.memref_slice %dma_wait3A_156[%dma_wait3A_157] : memref<1600000xi32, #tpu.memory_space<hbm>> -> memref<800xi32, #tpu.memory_space<hbm>>
        tpu.wait_dma2 semaphore(%arg14 : memref<!tpu.dma_semaphore, #tpu.memory_space<semaphore_mem>>) src(%dma_wait3A_158 : memref<800xi32, #tpu.memory_space<hbm>>) dst(%dma_wait3A_153 : memref<800xi32, #tpu.memory_space<vmem>>)
        %add3A_159 = arith.constant 1 : i32
        %add3A_160 = arith.addi %scan3A_77, %add3A_159 : i32
        %rem3A_161 = arith.constant 2 : i32
        %rem3A_162 = arith.remsi %add3A_160, %rem3A_161 : i32
        %eq3A_163 = arith.constant 0 : i32
        %eq3A_164 = arith.cmpi eq, %arg0, %eq3A_163 : i32
        %convert_element_type3A_165 = arith.extui %eq3A_164 : i1 to i32
        %cond3A_166 = arith.constant 0 : i32
        %cond3A_167 = arith.cmpi ne, %convert_element_type3A_165, %cond3A_166 : i32
        scf.if %cond3A_167 {
          %dma_start3A_173 = arith.constant 0 : i32
          %dma_start3A_174 = arith.constant 0 : i32
          %dma_start3A_175 = tpu.memref_slice %arg9[%sub3A_81, %dma_start3A_173, %dma_start3A_174] : memref<2x800x16xf32, #tpu.memory_space<vmem>> -> memref<1x800x16xf32, #tpu.memory_space<vmem>>
          %dma_start3A_176 = tpu.memref_squeeze %dma_start3A_175 : memref<1x800x16xf32, #tpu.memory_space<vmem>> -> memref<800x16xf32, #tpu.memory_space<vmem>>
          %dma_start3A_177 = arith.constant 0 : i32
          %dma_start3A_178 = tpu.memref_slice %arg10[%rem3A_162, %dma_start3A_177] : memref<2x800xi32, #tpu.memory_space<vmem>> -> memref<1x800xi32, #tpu.memory_space<vmem>>
          %dma_start3A_179 = tpu.memref_squeeze %dma_start3A_178 : memref<1x800xi32, #tpu.memory_space<vmem>> -> memref<800xi32, #tpu.memory_space<vmem>>
          %dma_start3A_180 = arith.constant 0 : i32
          %dma_start3A_181 = arith.constant 0 : i32
          %dma_start3A_182 = tpu.memref_slice %arg2[%dma_start3A_180, %dma_start3A_181] : memref<100000x16xf32, #tpu.memory_space<hbm>> -> memref<100000x16xf32, #tpu.memory_space<hbm>>
          tpu.enqueue_indirect_dma source(%dma_start3A_182 : memref<100000x16xf32, #tpu.memory_space<hbm>>) target(%dma_start3A_176 : memref<800x16xf32, #tpu.memory_space<vmem>>) offsets(%dma_start3A_179 : memref<800xi32, #tpu.memory_space<vmem>>) semaphore(%arg12 : memref<!tpu.dma_semaphore, #tpu.memory_space<semaphore_mem>>)
        } else {
        }
        %eq3A_168 = arith.constant 1 : i32
        %eq3A_169 = arith.cmpi eq, %arg0, %eq3A_168 : i32
        %convert_element_type3A_170 = arith.extui %eq3A_169 : i1 to i32
        %cond3A_171 = arith.constant 0 : i32
        %cond3A_172 = arith.cmpi ne, %convert_element_type3A_170, %cond3A_171 : i32
        scf.if %cond3A_172 {
          %dma_start3A_173 = arith.constant 0 : i32
          %dma_start3A_174 = arith.constant 0 : i32
          %dma_start3A_175 = tpu.memref_slice %arg9[%sub3A_81, %dma_start3A_173, %dma_start3A_174] : memref<2x800x16xf32, #tpu.memory_space<vmem>> -> memref<1x800x16xf32, #tpu.memory_space<vmem>>
          %dma_start3A_176 = tpu.memref_squeeze %dma_start3A_175 : memref<1x800x16xf32, #tpu.memory_space<vmem>> -> memref<800x16xf32, #tpu.memory_space<vmem>>
          %dma_start3A_177 = arith.constant 0 : i32
          %dma_start3A_178 = tpu.memref_slice %arg10[%rem3A_162, %dma_start3A_177] : memref<2x800xi32, #tpu.memory_space<vmem>> -> memref<1x800xi32, #tpu.memory_space<vmem>>
          %dma_start3A_179 = tpu.memref_squeeze %dma_start3A_178 : memref<1x800xi32, #tpu.memory_space<vmem>> -> memref<800xi32, #tpu.memory_space<vmem>>
          %dma_start3A_180 = arith.constant 0 : i32
          %dma_start3A_181 = arith.constant 0 : i32
          %dma_start3A_182 = tpu.memref_slice %arg3[%dma_start3A_180, %dma_start3A_181] : memref<100000x16xf32, #tpu.memory_space<hbm>> -> memref<100000x16xf32, #tpu.memory_space<hbm>>
          tpu.enqueue_indirect_dma source(%dma_start3A_182 : memref<100000x16xf32, #tpu.memory_space<hbm>>) target(%dma_start3A_176 : memref<800x16xf32, #tpu.memory_space<vmem>>) offsets(%dma_start3A_179 : memref<800xi32, #tpu.memory_space<vmem>>) semaphore(%arg12 : memref<!tpu.dma_semaphore, #tpu.memory_space<semaphore_mem>>)
        } else {
        }
      } else {
      }
      %dma_wait3A_92 = arith.constant 0 : i32
      %dma_wait3A_93 = arith.constant 0 : i32
      %dma_wait3A_94 = tpu.memref_slice %arg9[%rem3A_80, %dma_wait3A_92, %dma_wait3A_93] : memref<2x800x16xf32, #tpu.memory_space<vmem>> -> memref<1x800x16xf32, #tpu.memory_space<vmem>>
      %dma_wait3A_95 = tpu.memref_squeeze %dma_wait3A_94 : memref<1x800x16xf32, #tpu.memory_space<vmem>> -> memref<800x16xf32, #tpu.memory_space<vmem>>
      %dma_wait3A_96 = arith.constant 0 : i32
      %dma_wait3A_97 = arith.constant 0 : i32
      %dma_wait3A_98 = tpu.memref_slice %arg2[%dma_wait3A_96, %dma_wait3A_97] : memref<100000x16xf32, #tpu.memory_space<hbm>> -> memref<800x16xf32, #tpu.memory_space<hbm>>
      %dma_wait3A_99 = arith.constant 0 : i32
      %dma_wait3A_100 = arith.constant 0 : i32
      %dma_wait3A_101 = tpu.memref_slice %arg9[%rem3A_80, %dma_wait3A_99, %dma_wait3A_100] : memref<2x800x16xf32, #tpu.memory_space<vmem>> -> memref<1x800x16xf32, #tpu.memory_space<vmem>>
      %dma_wait3A_102 = tpu.memref_squeeze %dma_wait3A_101 : memref<1x800x16xf32, #tpu.memory_space<vmem>> -> memref<800x16xf32, #tpu.memory_space<vmem>>
      %dma_wait3A_103 = arith.constant 0 : i32
      %dma_wait3A_104 = arith.constant 0 : i32
      %dma_wait3A_105 = tpu.memref_slice %arg2[%dma_wait3A_103, %dma_wait3A_104] : memref<100000x16xf32, #tpu.memory_space<hbm>> -> memref<800x16xf32, #tpu.memory_space<hbm>>
      tpu.wait_dma2 semaphore(%arg12 : memref<!tpu.dma_semaphore, #tpu.memory_space<semaphore_mem>>) src(%dma_wait3A_105 : memref<800x16xf32, #tpu.memory_space<hbm>>) dst(%dma_wait3A_102 : memref<800x16xf32, #tpu.memory_space<vmem>>)
      %add3A_106 = arith.constant 2 : i32
      %add3A_107 = arith.addi %scan3A_77, %add3A_106 : i32
      %lt3A_108 = arith.constant 125 : i32
      %lt3A_109 = arith.cmpi slt, %add3A_107, %lt3A_108 : i32
      %convert_element_type3A_110 = arith.extui %lt3A_109 : i1 to i32
      %cond3A_111 = arith.constant 0 : i32
      %cond3A_112 = arith.cmpi ne, %convert_element_type3A_110, %cond3A_111 : i32
      scf.if %cond3A_112 {
        %add3A_126 = arith.constant 2 : i32
        %add3A_127 = arith.addi %scan3A_77, %add3A_126 : i32
        %mul3A_128 = arith.constant 800 : i32
        %mul3A_129 = arith.muli %add3A_127, %mul3A_128 : i32
        %add3A_130 = arith.addi %mul3A_2, %mul3A_129 : i32
        %rem3A_131 = arith.constant 2 : i32
        %rem3A_132 = arith.remsi %add3A_127, %rem3A_131 : i32
        %dma_start3A_133 = arith.constant 0 : i32
        %dma_start3A_134 = tpu.memref_slice %arg10[%rem3A_132, %dma_start3A_133] : memref<2x800xi32, #tpu.memory_space<vmem>> -> memref<1x800xi32, #tpu.memory_space<vmem>>
        %dma_start3A_135 = tpu.memref_squeeze %dma_start3A_134 : memref<1x800xi32, #tpu.memory_space<vmem>> -> memref<800xi32, #tpu.memory_space<vmem>>
        %dma_start3A_136 = arith.constant 0 : i32
        %dma_start3A_137 = tpu.memref_slice %arg4[%scan3A, %dma_start3A_136] : memref<2x1600000xi32, #tpu.memory_space<hbm>> -> memref<1x1600000xi32, #tpu.memory_space<hbm>>
        %dma_start3A_138 = tpu.memref_squeeze %dma_start3A_137 : memref<1x1600000xi32, #tpu.memory_space<hbm>> -> memref<1600000xi32, #tpu.memory_space<hbm>>
        %dma_start3A_139 = tpu.memref_slice %dma_start3A_138[%add3A_130] : memref<1600000xi32, #tpu.memory_space<hbm>> -> memref<800xi32, #tpu.memory_space<hbm>>
        %dma_start3A_140 = arith.constant 0 : i32
        %dma_start3A_141 = tpu.memref_slice %arg10[%rem3A_132, %dma_start3A_140] : memref<2x800xi32, #tpu.memory_space<vmem>> -> memref<1x800xi32, #tpu.memory_space<vmem>>
        %dma_start3A_142 = tpu.memref_squeeze %dma_start3A_141 : memref<1x800xi32, #tpu.memory_space<vmem>> -> memref<800xi32, #tpu.memory_space<vmem>>
        %dma_start3A_143 = arith.constant 0 : i32
        %dma_start3A_144 = tpu.memref_slice %arg4[%scan3A, %dma_start3A_143] : memref<2x1600000xi32, #tpu.memory_space<hbm>> -> memref<1x1600000xi32, #tpu.memory_space<hbm>>
        %dma_start3A_145 = tpu.memref_squeeze %dma_start3A_144 : memref<1x1600000xi32, #tpu.memory_space<hbm>> -> memref<1600000xi32, #tpu.memory_space<hbm>>
        %dma_start3A_146 = tpu.memref_slice %dma_start3A_145[%add3A_130] : memref<1600000xi32, #tpu.memory_space<hbm>> -> memref<800xi32, #tpu.memory_space<hbm>>
        tpu.enqueue_dma source(%dma_start3A_146 : memref<800xi32, #tpu.memory_space<hbm>>) target(%dma_start3A_142 : memref<800xi32, #tpu.memory_space<vmem>>) target_semaphore(%arg14 : memref<!tpu.dma_semaphore, #tpu.memory_space<semaphore_mem>>)
        %rem3A_147 = arith.constant 3 : i32
        %rem3A_148 = arith.remsi %add3A_127, %rem3A_147 : i32
        %dma_start3A_149 = arith.constant 0 : i32
        %dma_start3A_150 = tpu.memref_slice %arg11[%rem3A_148, %dma_start3A_149] : memref<3x800xi32, #tpu.memory_space<vmem>> -> memref<1x800xi32, #tpu.memory_space<vmem>>
        %dma_start3A_151 = tpu.memref_squeeze %dma_start3A_150 : memref<1x800xi32, #tpu.memory_space<vmem>> -> memref<800xi32, #tpu.memory_space<vmem>>
        %dma_start3A_152 = arith.constant 0 : i32
        %dma_start3A_153 = tpu.memref_slice %arg4[%scan3A_51, %dma_start3A_152] : memref<2x1600000xi32, #tpu.memory_space<hbm>> -> memref<1x1600000xi32, #tpu.memory_space<hbm>>
        %dma_start3A_154 = tpu.memref_squeeze %dma_start3A_153 : memref<1x1600000xi32, #tpu.memory_space<hbm>> -> memref<1600000xi32, #tpu.memory_space<hbm>>
        %dma_start3A_155 = tpu.memref_slice %dma_start3A_154[%add3A_130] : memref<1600000xi32, #tpu.memory_space<hbm>> -> memref<800xi32, #tpu.memory_space<hbm>>
        %dma_start3A_156 = arith.constant 0 : i32
        %dma_start3A_157 = tpu.memref_slice %arg11[%rem3A_148, %dma_start3A_156] : memref<3x800xi32, #tpu.memory_space<vmem>> -> memref<1x800xi32, #tpu.memory_space<vmem>>
        %dma_start3A_158 = tpu.memref_squeeze %dma_start3A_157 : memref<1x800xi32, #tpu.memory_space<vmem>> -> memref<800xi32, #tpu.memory_space<vmem>>
        %dma_start3A_159 = arith.constant 0 : i32
        %dma_start3A_160 = tpu.memref_slice %arg4[%scan3A_51, %dma_start3A_159] : memref<2x1600000xi32, #tpu.memory_space<hbm>> -> memref<1x1600000xi32, #tpu.memory_space<hbm>>
        %dma_start3A_161 = tpu.memref_squeeze %dma_start3A_160 : memref<1x1600000xi32, #tpu.memory_space<hbm>> -> memref<1600000xi32, #tpu.memory_space<hbm>>
        %dma_start3A_162 = tpu.memref_slice %dma_start3A_161[%add3A_130] : memref<1600000xi32, #tpu.memory_space<hbm>> -> memref<800xi32, #tpu.memory_space<hbm>>
        tpu.enqueue_dma source(%dma_start3A_162 : memref<800xi32, #tpu.memory_space<hbm>>) target(%dma_start3A_158 : memref<800xi32, #tpu.memory_space<vmem>>) target_semaphore(%arg14 : memref<!tpu.dma_semaphore, #tpu.memory_space<semaphore_mem>>)
      } else {
      }
      %rem3A_113 = arith.constant 3 : i32
      %rem3A_114 = arith.remsi %scan3A_77, %rem3A_113 : i32
      %dma_start3A_115 = arith.constant 0 : i32
      %dma_start3A_116 = arith.constant 0 : i32
      %dma_start3A_117 = tpu.memref_slice %arg9[%rem3A_80, %dma_start3A_115, %dma_start3A_116] : memref<2x800x16xf32, #tpu.memory_space<vmem>> -> memref<1x800x16xf32, #tpu.memory_space<vmem>>
      %dma_start3A_118 = tpu.memref_squeeze %dma_start3A_117 : memref<1x800x16xf32, #tpu.memory_space<vmem>> -> memref<800x16xf32, #tpu.memory_space<vmem>>
      %dma_start3A_119 = arith.constant 0 : i32
      %dma_start3A_120 = tpu.memref_slice %arg11[%rem3A_114, %dma_start3A_119] : memref<3x800xi32, #tpu.memory_space<vmem>> -> memref<1x800xi32, #tpu.memory_space<vmem>>
      %dma_start3A_121 = tpu.memref_squeeze %dma_start3A_120 : memref<1x800xi32, #tpu.memory_space<vmem>> -> memref<800xi32, #tpu.memory_space<vmem>>
      %dma_start3A_122 = arith.constant 0 : i32
      %dma_start3A_123 = arith.constant 0 : i32
      %dma_start3A_124 = tpu.memref_slice %arg8[%dma_start3A_122, %dma_start3A_123] : memref<100000x16xf32, #tpu.memory_space<vmem_shared>> -> memref<100000x16xf32, #tpu.memory_space<vmem_shared>>
      tpu.enqueue_indirect_dma source(%dma_start3A_118 : memref<800x16xf32, #tpu.memory_space<vmem>>) target(%dma_start3A_124 : memref<100000x16xf32, #tpu.memory_space<vmem_shared>>) offsets(%dma_start3A_121 : memref<800xi32, #tpu.memory_space<vmem>>) semaphore(%arg13 : memref<!tpu.dma_semaphore, #tpu.memory_space<semaphore_mem>>) {add = true}
      %scan3A_125 = arith.constant 0 : i32
      scf.yield %scan3A_125 : i32
    }
    %scan3A_58 = arith.constant 125 : i32
    %rem3A_59 = arith.constant 124 : i32
    %rem3A_60 = arith.constant 3 : i32
    %rem3A_61 = arith.remsi %rem3A_59, %rem3A_60 : i32
    %dma_wait3A = arith.constant 0 : i32
    %dma_wait3A_62 = arith.constant 0 : i32
    %dma_wait3A_63 = arith.constant 0 : i32
    %dma_wait3A_64 = tpu.memref_slice %arg9[%dma_wait3A, %dma_wait3A_62, %dma_wait3A_63] : memref<2x800x16xf32, #tpu.memory_space<vmem>> -> memref<1x800x16xf32, #tpu.memory_space<vmem>>
    %dma_wait3A_65 = tpu.memref_squeeze %dma_wait3A_64 : memref<1x800x16xf32, #tpu.memory_space<vmem>> -> memref<800x16xf32, #tpu.memory_space<vmem>>
    %dma_wait3A_66 = arith.constant 0 : i32
    %dma_wait3A_67 = tpu.memref_slice %arg11[%rem3A_61, %dma_wait3A_66] : memref<3x800xi32, #tpu.memory_space<vmem>> -> memref<1x800xi32, #tpu.memory_space<vmem>>
    %dma_wait3A_68 = tpu.memref_squeeze %dma_wait3A_67 : memref<1x800xi32, #tpu.memory_space<vmem>> -> memref<800xi32, #tpu.memory_space<vmem>>
    %dma_wait3A_69 = arith.constant 0 : i32
    %dma_wait3A_70 = arith.constant 0 : i32
    %dma_wait3A_71 = tpu.memref_slice %arg8[%dma_wait3A_69, %dma_wait3A_70] : memref<100000x16xf32, #tpu.memory_space<vmem_shared>> -> memref<100000x16xf32, #tpu.memory_space<vmem_shared>>
    tpu.wait_indirect_dma semaphore(%arg13 : memref<!tpu.dma_semaphore, #tpu.memory_space<semaphore_mem>>) src(%dma_wait3A_65 : memref<800x16xf32, #tpu.memory_space<vmem>>) dst(%dma_wait3A_71 : memref<100000x16xf32, #tpu.memory_space<vmem_shared>>)
    %barrier3A_72 = arith.constant 0 : index
    tpu.barrier barrier_id(%barrier3A_72)
    %mul3A_73 = arith.constant 6250 : i32
    %mul3A_74 = arith.muli %arg1, %mul3A_73 : i32
    %mul3A_75 = arith.constant 6250 : i32
    %mul3A_76 = arith.muli %arg1, %mul3A_75 : i32
    "tpu.region"() ({
      %run_scoped3A_77 = tpu.sem_alloc : memref<!tpu.dma_semaphore, #tpu.memory_space<semaphore_mem>>
      %dma_start3A_78 = arith.constant 0 : i32
      %dma_start3A_79 = tpu.memref_slice %arg7[%arg0, %mul3A_76, %dma_start3A_78] : memref<2x100000x16xf32, #tpu.memory_space<hbm>> -> memref<1x6250x16xf32, #tpu.memory_space<hbm>>
      %dma_start3A_80 = tpu.memref_squeeze %dma_start3A_79 : memref<1x6250x16xf32, #tpu.memory_space<hbm>> -> memref<6250x16xf32, #tpu.memory_space<hbm>>
      %dma_start3A_81 = arith.constant 0 : i32
      %dma_start3A_82 = tpu.memref_slice %arg8[%mul3A_74, %dma_start3A_81] : memref<100000x16xf32, #tpu.memory_space<vmem_shared>> -> memref<6250x16xf32, #tpu.memory_space<vmem_shared>>
      tpu.enqueue_dma source(%dma_start3A_82 : memref<6250x16xf32, #tpu.memory_space<vmem_shared>>) target(%dma_start3A_80 : memref<6250x16xf32, #tpu.memory_space<hbm>>) target_semaphore(%run_scoped3A_77 : memref<!tpu.dma_semaphore, #tpu.memory_space<semaphore_mem>>)
      %dma_wait3A_83 = arith.constant 0 : i32
      %dma_wait3A_84 = tpu.memref_slice %arg7[%arg0, %mul3A_76, %dma_wait3A_83] : memref<2x100000x16xf32, #tpu.memory_space<hbm>> -> memref<1x6250x16xf32, #tpu.memory_space<hbm>>
      %dma_wait3A_85 = tpu.memref_squeeze %dma_wait3A_84 : memref<1x6250x16xf32, #tpu.memory_space<hbm>> -> memref<6250x16xf32, #tpu.memory_space<hbm>>
      %dma_wait3A_86 = arith.constant 0 : i32
      %dma_wait3A_87 = tpu.memref_slice %arg8[%mul3A_74, %dma_wait3A_86] : memref<100000x16xf32, #tpu.memory_space<vmem_shared>> -> memref<6250x16xf32, #tpu.memory_space<vmem_shared>>
      tpu.wait_dma2 semaphore(%run_scoped3A_77 : memref<!tpu.dma_semaphore, #tpu.memory_space<semaphore_mem>>) src(%dma_wait3A_87 : memref<6250x16xf32, #tpu.memory_space<vmem_shared>>) dst(%dma_wait3A_85 : memref<6250x16xf32, #tpu.memory_space<hbm>>)
      tpu.yield
    }) : () -> ()
    return
  }
}

module attributes {stable_mosaic.version = 14 : i64} {
  func.func @_readin_body(%arg0: i32, %arg1: memref<800x96xf32, #tpu.memory_space<vmem>>, %arg2: memref<800x32xf32, #tpu.memory_space<vmem>>, %arg3: memref<96x32xf32, #tpu.memory_space<vmem>>, %arg4: memref<32x32xf32, #tpu.memory_space<vmem>>, %arg5: memref<1x32xf32, #tpu.memory_space<vmem>>, %arg6: memref<800x16xf32, #tpu.memory_space<vmem>>, %arg7: memref<800x16xf32, #tpu.memory_space<vmem>>) attributes {dimension_semantics = [#tpu.dimension_semantics<arbitrary>], iteration_bounds = array<i64: 125>, scalar_prefetch = 0 : i64, scratch_operands = 0 : i64, tpu.core_type = #tpu.core_type<tc>, window_params = [{transform_indices = @transform_0, window_bounds = array<i64: 800, 96>}, {transform_indices = @transform_1, window_bounds = array<i64: 800, 32>}, {pipeline_mode = #tpu.pipeline_mode<synchronous>, transform_indices = @transform_2, window_bounds = array<i64: 96, 32>}, {pipeline_mode = #tpu.pipeline_mode<synchronous>, transform_indices = @transform_3, window_bounds = array<i64: 32, 32>}, {pipeline_mode = #tpu.pipeline_mode<synchronous>, transform_indices = @transform_4, window_bounds = array<i64: 1, 32>}, {transform_indices = @transform_5, window_bounds = array<i64: 800, 16>}, {transform_indices = @transform_6, window_bounds = array<i64: 800, 16>}]} {
    %get3A = arith.constant 0 : index
    %get3A_0 = arith.constant 0 : index
    %get3A_1 = vector.load %arg1[%get3A, %get3A_0] : memref<800x96xf32, #tpu.memory_space<vmem>>, vector<800x96xf32>
    %get3A_2 = arith.constant 0 : index
    %get3A_3 = arith.constant 0 : index
    %get3A_4 = vector.load %arg3[%get3A_2, %get3A_3] : memref<96x32xf32, #tpu.memory_space<vmem>>, vector<96x32xf32>
    %dot_general3A = arith.constant dense<0.000000e+00> : vector<800x32xf32>
    %dot_general3A_5 = tpu.matmul %get3A_1, %get3A_4, %dot_general3A {dimension_numbers = #tpu.dot_dimension_numbers<[1], [0], [0], [1], [0, 0, 1, 1], [], []>, transpose_lhs_hint = false} : vector<800x96xf32>, vector<96x32xf32>, vector<800x32xf32> -> vector<800x32xf32>
    %get3A_6 = arith.constant 0 : index
    %get3A_7 = arith.constant 0 : index
    %get3A_8 = vector.load %arg2[%get3A_6, %get3A_7] : memref<800x32xf32, #tpu.memory_space<vmem>>, vector<800x32xf32>
    %get3A_9 = arith.constant 0 : index
    %get3A_10 = arith.constant 0 : index
    %get3A_11 = vector.load %arg4[%get3A_9, %get3A_10] : memref<32x32xf32, #tpu.memory_space<vmem>>, vector<32x32xf32>
    %dot_general3A_12 = arith.constant dense<0.000000e+00> : vector<800x32xf32>
    %dot_general3A_13 = tpu.matmul %get3A_8, %get3A_11, %dot_general3A_12 {dimension_numbers = #tpu.dot_dimension_numbers<[1], [0], [0], [1], [0, 0, 1, 1], [], []>, transpose_lhs_hint = false} : vector<800x32xf32>, vector<32x32xf32>, vector<800x32xf32> -> vector<800x32xf32>
    %add3A = arith.addf %dot_general3A_5, %dot_general3A_13 : vector<800x32xf32>
    %get3A_14 = arith.constant 0 : index
    %get3A_15 = arith.constant 0 : index
    %get3A_16 = vector.load %arg5[%get3A_14, %get3A_15] : memref<1x32xf32, #tpu.memory_space<vmem>>, vector<1x32xf32>
    %add3A_17 = vector.broadcast %get3A_16 : vector<1x32xf32> to vector<800x32xf32>
    %add3A_18 = arith.addf %add3A, %add3A_17 : vector<800x32xf32>
    %gt3A = arith.constant 0.000000e+00 : f32
    %gt3A_19 = vector.broadcast %gt3A : f32 to vector<800x32xf32>
    %gt3A_20 = arith.cmpf ogt, %add3A_18, %gt3A_19 : vector<800x32xf32>
    %mul3A = arith.constant 0.00999999977 : f32
    %mul3A_21 = vector.broadcast %mul3A : f32 to vector<800x32xf32>
    %mul3A_22 = arith.mulf %mul3A_21, %add3A_18 : vector<800x32xf32>
    %select_n3A = arith.select %gt3A_20, %add3A_18, %mul3A_22 : vector<800x32xi1>, vector<800x32xf32>
    %slice3A = vector.extract_strided_slice %select_n3A {offsets = [0, 0], sizes = [800, 16], strides = [1, 1]} : vector<800x32xf32> to vector<800x16xf32>
    %swap3A = arith.constant 0 : index
    %swap3A_23 = arith.constant 0 : index
    %swap3A_24 = vector.load %arg6[%swap3A, %swap3A_23] : memref<800x16xf32, #tpu.memory_space<vmem>>, vector<800x16xf32>
    tpu.vector_store %arg6[%swap3A, %swap3A_23], %slice3A {strides = array<i32>} : memref<800x16xf32, #tpu.memory_space<vmem>>, vector<800x16xf32>,
    %slice3A_25 = vector.extract_strided_slice %select_n3A {offsets = [0, 16], sizes = [800, 16], strides = [1, 1]} : vector<800x32xf32> to vector<800x16xf32>
    %swap3A_26 = arith.constant 0 : index
    %swap3A_27 = arith.constant 0 : index
    %swap3A_28 = vector.load %arg7[%swap3A_26, %swap3A_27] : memref<800x16xf32, #tpu.memory_space<vmem>>, vector<800x16xf32>
    tpu.vector_store %arg7[%swap3A_26, %swap3A_27], %slice3A_25 {strides = array<i32>} : memref<800x16xf32, #tpu.memory_space<vmem>>, vector<800x16xf32>,
    return
  }
  func.func @transform_0(%arg0: i32) -> (i32, i32) {
    %c0_i32 = arith.constant 0 : i32
    %c0_i32_0 = arith.constant 0 : i32
    return %arg0, %c0_i32 : i32, i32
  }
  func.func @transform_1(%arg0: i32) -> (i32, i32) {
    %c0_i32 = arith.constant 0 : i32
    %c0_i32_0 = arith.constant 0 : i32
    return %arg0, %c0_i32 : i32, i32
  }
  func.func @transform_2(%arg0: i32) -> (i32, i32) {
    %c0_i32 = arith.constant 0 : i32
    %c0_i32_0 = arith.constant 0 : i32
    %c0_i32_1 = arith.constant 0 : i32
    return %c0_i32, %c0_i32_0 : i32, i32
  }
  func.func @transform_3(%arg0: i32) -> (i32, i32) {
    %c0_i32 = arith.constant 0 : i32
    %c0_i32_0 = arith.constant 0 : i32
    %c0_i32_1 = arith.constant 0 : i32
    return %c0_i32, %c0_i32_0 : i32, i32
  }
  func.func @transform_4(%arg0: i32) -> (i32, i32) {
    %c0_i32 = arith.constant 0 : i32
    %c0_i32_0 = arith.constant 0 : i32
    %c0_i32_1 = arith.constant 0 : i32
    return %c0_i32, %c0_i32_0 : i32, i32
  }
  func.func @transform_5(%arg0: i32) -> (i32, i32) {
    %c0_i32 = arith.constant 0 : i32
    %c0_i32_0 = arith.constant 0 : i32
    return %arg0, %c0_i32 : i32, i32
  }
  func.func @transform_6(%arg0: i32) -> (i32, i32) {
    %c0_i32 = arith.constant 0 : i32
    %c0_i32_0 = arith.constant 0 : i32
    return %arg0, %c0_i32 : i32, i32
  }
}

module attributes {stable_mosaic.version = 14 : i64} {
  func.func @_layer_body(%arg0: i32, %arg1: memref<800x16xf32, #tpu.memory_space<vmem>>, %arg2: memref<800x16xf32, #tpu.memory_space<vmem>>, %arg3: memref<1x800x16xf32, #tpu.memory_space<vmem>>, %arg4: memref<1x800x16xf32, #tpu.memory_space<vmem>>, %arg5: memref<1x800x8xf32, #tpu.memory_space<vmem>>, %arg6: memref<1x800x8xf32, #tpu.memory_space<vmem>>, %arg7: memref<32x32xf32, #tpu.memory_space<vmem>>, %arg8: memref<1x32xf32, #tpu.memory_space<vmem>>, %arg9: memref<32x32xf32, #tpu.memory_space<vmem>>, %arg10: memref<4x32xf32, #tpu.memory_space<vmem>>, %arg11: memref<800x16xf32, #tpu.memory_space<vmem>>, %arg12: memref<800x16xf32, #tpu.memory_space<vmem>>) attributes {dimension_semantics = [#tpu.dimension_semantics<arbitrary>], iteration_bounds = array<i64: 125>, scalar_prefetch = 0 : i64, scratch_operands = 0 : i64, tpu.core_type = #tpu.core_type<tc>, window_params = [{transform_indices = @transform_0, window_bounds = array<i64: 800, 16>}, {transform_indices = @transform_1, window_bounds = array<i64: 800, 16>}, {transform_indices = @transform_2, window_bounds = array<i64: 1, 800, 16>}, {transform_indices = @transform_3, window_bounds = array<i64: 1, 800, 16>}, {transform_indices = @transform_4, window_bounds = array<i64: 1, 800, 8>}, {transform_indices = @transform_5, window_bounds = array<i64: 1, 800, 8>}, {pipeline_mode = #tpu.pipeline_mode<synchronous>, transform_indices = @transform_6, window_bounds = array<i64: 32, 32>}, {pipeline_mode = #tpu.pipeline_mode<synchronous>, transform_indices = @transform_7, window_bounds = array<i64: 1, 32>}, {pipeline_mode = #tpu.pipeline_mode<synchronous>, transform_indices = @transform_8, window_bounds = array<i64: 32, 32>}, {pipeline_mode = #tpu.pipeline_mode<synchronous>, transform_indices = @transform_9, window_bounds = array<i64: 4, 32>}, {transform_indices = @transform_10, window_bounds = array<i64: 800, 16>}, {transform_indices = @transform_11, window_bounds = array<i64: 800, 16>}]} {
    %get3A = arith.constant 0 : index
    %get3A_0 = arith.constant 0 : index
    %get3A_1 = vector.load %arg1[%get3A, %get3A_0] : memref<800x16xf32, #tpu.memory_space<vmem>>, vector<800x16xf32>
    %get3A_2 = arith.constant 0 : index
    %get3A_3 = arith.constant 0 : index
    %get3A_4 = vector.load %arg2[%get3A_2, %get3A_3] : memref<800x16xf32, #tpu.memory_space<vmem>>, vector<800x16xf32>
    %concatenate3A = tpu.concatenate %get3A_1, %get3A_4 in 1 : vector<800x16xf32>, vector<800x16xf32> -> vector<800x32xf32>
    %get3A_5 = arith.constant 0 : index
    %get3A_6 = arith.constant 0 : index
    %get3A_7 = arith.constant 0 : index
    %get3A_8 = vector.load %arg3[%get3A_5, %get3A_6, %get3A_7] : memref<1x800x16xf32, #tpu.memory_space<vmem>>, vector<1x800x16xf32>
    %get3A_9 = vector.shape_cast %get3A_8 : vector<1x800x16xf32> to vector<800x16xf32>
    %get3A_10 = arith.constant 0 : index
    %get3A_11 = arith.constant 0 : index
    %get3A_12 = arith.constant 0 : index
    %get3A_13 = vector.load %arg4[%get3A_10, %get3A_11, %get3A_12] : memref<1x800x16xf32, #tpu.memory_space<vmem>>, vector<1x800x16xf32>
    %get3A_14 = vector.shape_cast %get3A_13 : vector<1x800x16xf32> to vector<800x16xf32>
    %concatenate3A_15 = tpu.concatenate %get3A_9, %get3A_14 in 1 : vector<800x16xf32>, vector<800x16xf32> -> vector<800x32xf32>
    %get3A_16 = arith.constant 0 : index
    %get3A_17 = arith.constant 0 : index
    %get3A_18 = arith.constant 0 : index
    %get3A_19 = vector.load %arg5[%get3A_16, %get3A_17, %get3A_18] : memref<1x800x8xf32, #tpu.memory_space<vmem>>, vector<1x800x4xf32>
    %get3A_20 = vector.shape_cast %get3A_19 : vector<1x800x4xf32> to vector<800x4xf32>
    %get3A_21 = arith.constant 0 : index
    %get3A_22 = arith.constant 0 : index
    %get3A_23 = arith.constant 0 : index
    %get3A_24 = vector.load %arg6[%get3A_21, %get3A_22, %get3A_23] : memref<1x800x8xf32, #tpu.memory_space<vmem>>, vector<1x800x4xf32>
    %get3A_25 = vector.shape_cast %get3A_24 : vector<1x800x4xf32> to vector<800x4xf32>
    %add3A = arith.addf %get3A_20, %get3A_25 : vector<800x4xf32>
    %get3A_26 = arith.constant 0 : index
    %get3A_27 = arith.constant 0 : index
    %get3A_28 = arith.constant 4 : index
    %get3A_29 = vector.load %arg5[%get3A_26, %get3A_27, %get3A_28] : memref<1x800x8xf32, #tpu.memory_space<vmem>>, vector<1x800x1xf32>
    %get3A_30 = vector.shape_cast %get3A_29 : vector<1x800x1xf32> to vector<800x1xf32>
    %get3A_31 = arith.constant 0 : index
    %get3A_32 = arith.constant 0 : index
    %get3A_33 = arith.constant 4 : index
    %get3A_34 = vector.load %arg6[%get3A_31, %get3A_32, %get3A_33] : memref<1x800x8xf32, #tpu.memory_space<vmem>>, vector<1x800x1xf32>
    %get3A_35 = vector.shape_cast %get3A_34 : vector<1x800x1xf32> to vector<800x1xf32>
    %add3A_36 = arith.addf %get3A_30, %get3A_35 : vector<800x1xf32>
    %jit3A = arith.constant 1.000000e+00 : f32
    %max3A = vector.broadcast %jit3A : f32 to vector<800x1xf32>
    %max3A_37 = arith.maximumf %max3A, %add3A_36 : vector<800x1xf32>
    %get3A_38 = arith.constant 0 : index
    %get3A_39 = arith.constant 0 : index
    %get3A_40 = vector.load %arg9[%get3A_38, %get3A_39] : memref<32x32xf32, #tpu.memory_space<vmem>>, vector<32x32xf32>
    %dot_general3A = arith.constant dense<0.000000e+00> : vector<800x32xf32>
    %dot_general3A_41 = tpu.matmul %concatenate3A_15, %get3A_40, %dot_general3A {dimension_numbers = #tpu.dot_dimension_numbers<[1], [0], [0], [1], [0, 0, 1, 1], [], []>, transpose_lhs_hint = false} : vector<800x32xf32>, vector<32x32xf32>, vector<800x32xf32> -> vector<800x32xf32>
    %get3A_42 = arith.constant 0 : index
    %get3A_43 = arith.constant 0 : index
    %get3A_44 = vector.load %arg10[%get3A_42, %get3A_43] : memref<4x32xf32, #tpu.memory_space<vmem>>, vector<4x32xf32>
    %dot_general3A_45 = arith.constant dense<0.000000e+00> : vector<800x32xf32>
    %dot_general3A_46 = tpu.matmul %add3A, %get3A_44, %dot_general3A_45 {dimension_numbers = #tpu.dot_dimension_numbers<[1], [0], [0], [1], [0, 0, 1, 1], [], []>, transpose_lhs_hint = false} : vector<800x4xf32>, vector<4x32xf32>, vector<800x32xf32> -> vector<800x32xf32>
    %add3A_47 = arith.addf %dot_general3A_41, %dot_general3A_46 : vector<800x32xf32>
    %div3A = vector.broadcast %max3A_37 : vector<800x1xf32> to vector<800x32xf32>
    %div3A_48 = arith.divf %add3A_47, %div3A : vector<800x32xf32>
    %get3A_49 = arith.constant 0 : index
    %get3A_50 = arith.constant 0 : index
    %get3A_51 = vector.load %arg7[%get3A_49, %get3A_50] : memref<32x32xf32, #tpu.memory_space<vmem>>, vector<32x32xf32>
    %dot_general3A_52 = arith.constant dense<0.000000e+00> : vector<800x32xf32>
    %dot_general3A_53 = tpu.matmul %concatenate3A, %get3A_51, %dot_general3A_52 {dimension_numbers = #tpu.dot_dimension_numbers<[1], [0], [0], [1], [0, 0, 1, 1], [], []>, transpose_lhs_hint = false} : vector<800x32xf32>, vector<32x32xf32>, vector<800x32xf32> -> vector<800x32xf32>
    %get3A_54 = arith.constant 0 : index
    %get3A_55 = arith.constant 0 : index
    %get3A_56 = vector.load %arg8[%get3A_54, %get3A_55] : memref<1x32xf32, #tpu.memory_space<vmem>>, vector<1x32xf32>
    %add3A_57 = vector.broadcast %get3A_56 : vector<1x32xf32> to vector<800x32xf32>
    %add3A_58 = arith.addf %dot_general3A_53, %add3A_57 : vector<800x32xf32>
    %add3A_59 = arith.addf %add3A_58, %div3A_48 : vector<800x32xf32>
    %gt3A = arith.constant 0.000000e+00 : f32
    %gt3A_60 = vector.broadcast %gt3A : f32 to vector<800x32xf32>
    %gt3A_61 = arith.cmpf ogt, %add3A_59, %gt3A_60 : vector<800x32xf32>
    %mul3A = arith.constant 0.00999999977 : f32
    %mul3A_62 = vector.broadcast %mul3A : f32 to vector<800x32xf32>
    %mul3A_63 = arith.mulf %mul3A_62, %add3A_59 : vector<800x32xf32>
    %select_n3A = arith.select %gt3A_61, %add3A_59, %mul3A_63 : vector<800x32xi1>, vector<800x32xf32>
    %slice3A = vector.extract_strided_slice %select_n3A {offsets = [0, 0], sizes = [800, 16], strides = [1, 1]} : vector<800x32xf32> to vector<800x16xf32>
    %swap3A = arith.constant 0 : index
    %swap3A_64 = arith.constant 0 : index
    %swap3A_65 = vector.load %arg11[%swap3A, %swap3A_64] : memref<800x16xf32, #tpu.memory_space<vmem>>, vector<800x16xf32>
    tpu.vector_store %arg11[%swap3A, %swap3A_64], %slice3A {strides = array<i32>} : memref<800x16xf32, #tpu.memory_space<vmem>>, vector<800x16xf32>,
    %slice3A_66 = vector.extract_strided_slice %select_n3A {offsets = [0, 16], sizes = [800, 16], strides = [1, 1]} : vector<800x32xf32> to vector<800x16xf32>
    %swap3A_67 = arith.constant 0 : index
    %swap3A_68 = arith.constant 0 : index
    %swap3A_69 = vector.load %arg12[%swap3A_67, %swap3A_68] : memref<800x16xf32, #tpu.memory_space<vmem>>, vector<800x16xf32>
    tpu.vector_store %arg12[%swap3A_67, %swap3A_68], %slice3A_66 {strides = array<i32>} : memref<800x16xf32, #tpu.memory_space<vmem>>, vector<800x16xf32>,
    return
  }
  func.func @transform_0(%arg0: i32) -> (i32, i32) {
    %c0_i32 = arith.constant 0 : i32
    %c0_i32_0 = arith.constant 0 : i32
    return %arg0, %c0_i32 : i32, i32
  }
  func.func @transform_1(%arg0: i32) -> (i32, i32) {
    %c0_i32 = arith.constant 0 : i32
    %c0_i32_0 = arith.constant 0 : i32
    return %arg0, %c0_i32 : i32, i32
  }
  func.func @transform_2(%arg0: i32) -> (i32, i32, i32) {
    %c0_i32 = arith.constant 0 : i32
    %c0_i32_0 = arith.constant 0 : i32
    %c0_i32_1 = arith.constant 0 : i32
    return %c0_i32, %arg0, %c0_i32_0 : i32, i32, i32
  }
  func.func @transform_3(%arg0: i32) -> (i32, i32, i32) {
    %c1_i32 = arith.constant 1 : i32
    %c0_i32 = arith.constant 0 : i32
    %c0_i32_0 = arith.constant 0 : i32
    return %c1_i32, %arg0, %c0_i32 : i32, i32, i32
  }
  func.func @transform_4(%arg0: i32) -> (i32, i32, i32) {
    %c0_i32 = arith.constant 0 : i32
    %c0_i32_0 = arith.constant 0 : i32
    %c0_i32_1 = arith.constant 0 : i32
    return %c0_i32, %arg0, %c0_i32_0 : i32, i32, i32
  }
  func.func @transform_5(%arg0: i32) -> (i32, i32, i32) {
    %c1_i32 = arith.constant 1 : i32
    %c0_i32 = arith.constant 0 : i32
    %c0_i32_0 = arith.constant 0 : i32
    return %c1_i32, %arg0, %c0_i32 : i32, i32, i32
  }
  func.func @transform_6(%arg0: i32) -> (i32, i32) {
    %c0_i32 = arith.constant 0 : i32
    %c0_i32_0 = arith.constant 0 : i32
    %c0_i32_1 = arith.constant 0 : i32
    return %c0_i32, %c0_i32_0 : i32, i32
  }
  func.func @transform_7(%arg0: i32) -> (i32, i32) {
    %c0_i32 = arith.constant 0 : i32
    %c0_i32_0 = arith.constant 0 : i32
    %c0_i32_1 = arith.constant 0 : i32
    return %c0_i32, %c0_i32_0 : i32, i32
  }
  func.func @transform_8(%arg0: i32) -> (i32, i32) {
    %c0_i32 = arith.constant 0 : i32
    %c0_i32_0 = arith.constant 0 : i32
    %c0_i32_1 = arith.constant 0 : i32
    return %c0_i32, %c0_i32_0 : i32, i32
  }
  func.func @transform_9(%arg0: i32) -> (i32, i32) {
    %c0_i32 = arith.constant 0 : i32
    %c0_i32_0 = arith.constant 0 : i32
    %c0_i32_1 = arith.constant 0 : i32
    return %c0_i32, %c0_i32_0 : i32, i32
  }
  func.func @transform_10(%arg0: i32) -> (i32, i32) {
    %c0_i32 = arith.constant 0 : i32
    %c0_i32_0 = arith.constant 0 : i32
    return %arg0, %c0_i32 : i32, i32
  }
  func.func @transform_11(%arg0: i32) -> (i32, i32) {
    %c0_i32 = arith.constant 0 : i32
    %c0_i32_0 = arith.constant 0 : i32
    return %arg0, %c0_i32 : i32, i32
  }
}

module attributes {stable_mosaic.version = 14 : i64} {
  func.func @_layer_ro_body(%arg0: i32, %arg1: memref<800x16xf32, #tpu.memory_space<vmem>>, %arg2: memref<800x16xf32, #tpu.memory_space<vmem>>, %arg3: memref<1x800x16xf32, #tpu.memory_space<vmem>>, %arg4: memref<1x800x16xf32, #tpu.memory_space<vmem>>, %arg5: memref<1x800x8xf32, #tpu.memory_space<vmem>>, %arg6: memref<1x800x8xf32, #tpu.memory_space<vmem>>, %arg7: memref<32x32xf32, #tpu.memory_space<vmem>>, %arg8: memref<1x32xf32, #tpu.memory_space<vmem>>, %arg9: memref<32x32xf32, #tpu.memory_space<vmem>>, %arg10: memref<4x32xf32, #tpu.memory_space<vmem>>, %arg11: memref<800x1xi32, #tpu.memory_space<vmem>>, %arg12: memref<32x1xf32, #tpu.memory_space<vmem>>, %arg13: memref<1x1xf32, #tpu.memory_space<vmem>>, %arg14: memref<1x64xf32, #tpu.memory_space<vmem>>, %arg15: memref<1x64xf32, #tpu.memory_space<vmem>>, %arg16: memref<1x64xf32, #tpu.memory_space<vmem>>) attributes {dimension_semantics = [#tpu.dimension_semantics<arbitrary>], iteration_bounds = array<i64: 125>, scalar_prefetch = 0 : i64, scratch_operands = 2 : i64, tpu.core_type = #tpu.core_type<tc>, window_params = [{transform_indices = @transform_0, window_bounds = array<i64: 800, 16>}, {transform_indices = @transform_1, window_bounds = array<i64: 800, 16>}, {transform_indices = @transform_2, window_bounds = array<i64: 1, 800, 16>}, {transform_indices = @transform_3, window_bounds = array<i64: 1, 800, 16>}, {transform_indices = @transform_4, window_bounds = array<i64: 1, 800, 8>}, {transform_indices = @transform_5, window_bounds = array<i64: 1, 800, 8>}, {pipeline_mode = #tpu.pipeline_mode<synchronous>, transform_indices = @transform_6, window_bounds = array<i64: 32, 32>}, {pipeline_mode = #tpu.pipeline_mode<synchronous>, transform_indices = @transform_7, window_bounds = array<i64: 1, 32>}, {pipeline_mode = #tpu.pipeline_mode<synchronous>, transform_indices = @transform_8, window_bounds = array<i64: 32, 32>}, {pipeline_mode = #tpu.pipeline_mode<synchronous>, transform_indices = @transform_9, window_bounds = array<i64: 4, 32>}, {transform_indices = @transform_10, window_bounds = array<i64: 800, 1>}, {pipeline_mode = #tpu.pipeline_mode<synchronous>, transform_indices = @transform_11, window_bounds = array<i64: 32, 1>}, {pipeline_mode = #tpu.pipeline_mode<synchronous>, transform_indices = @transform_12, window_bounds = array<i64: 1, 1>}, {pipeline_mode = #tpu.pipeline_mode<synchronous>, transform_indices = @transform_13, window_bounds = array<i64: 1, 64>}]} {
    %eq3A = arith.constant 0 : i32
    %eq3A_0 = arith.cmpi eq, %arg0, %eq3A : i32
    %convert_element_type3A = arith.extui %eq3A_0 : i1 to i32
    %cond3A = arith.constant 0 : i32
    %cond3A_1 = arith.cmpi ne, %convert_element_type3A, %cond3A : i32
    scf.if %cond3A_1 {
      %broadcast_in_dim3A_108 = arith.constant 0.000000e+00 : f32
      %broadcast_in_dim3A_109 = vector.broadcast %broadcast_in_dim3A_108 : f32 to vector<1x64xf32>
      %swap3A_110 = arith.constant 0 : index
      %swap3A_111 = arith.constant 0 : index
      %swap3A_112 = vector.load %arg15[%swap3A_110, %swap3A_111] : memref<1x64xf32, #tpu.memory_space<vmem>>, vector<1x64xf32>
      tpu.vector_store %arg15[%swap3A_110, %swap3A_111], %broadcast_in_dim3A_109 {strides = array<i32>} : memref<1x64xf32, #tpu.memory_space<vmem>>, vector<1x64xf32>,
      %broadcast_in_dim3A_113 = arith.constant 0.000000e+00 : f32
      %broadcast_in_dim3A_114 = vector.broadcast %broadcast_in_dim3A_113 : f32 to vector<1x64xf32>
      %swap3A_115 = arith.constant 0 : index
      %swap3A_116 = arith.constant 0 : index
      %swap3A_117 = vector.load %arg16[%swap3A_115, %swap3A_116] : memref<1x64xf32, #tpu.memory_space<vmem>>, vector<1x64xf32>
      tpu.vector_store %arg16[%swap3A_115, %swap3A_116], %broadcast_in_dim3A_114 {strides = array<i32>} : memref<1x64xf32, #tpu.memory_space<vmem>>, vector<1x64xf32>,
    } else {
    }
    %get3A = arith.constant 0 : index
    %get3A_2 = arith.constant 0 : index
    %get3A_3 = vector.load %arg1[%get3A, %get3A_2] : memref<800x16xf32, #tpu.memory_space<vmem>>, vector<800x16xf32>
    %get3A_4 = arith.constant 0 : index
    %get3A_5 = arith.constant 0 : index
    %get3A_6 = vector.load %arg2[%get3A_4, %get3A_5] : memref<800x16xf32, #tpu.memory_space<vmem>>, vector<800x16xf32>
    %concatenate3A = tpu.concatenate %get3A_3, %get3A_6 in 1 : vector<800x16xf32>, vector<800x16xf32> -> vector<800x32xf32>
    %get3A_7 = arith.constant 0 : index
    %get3A_8 = arith.constant 0 : index
    %get3A_9 = arith.constant 0 : index
    %get3A_10 = vector.load %arg3[%get3A_7, %get3A_8, %get3A_9] : memref<1x800x16xf32, #tpu.memory_space<vmem>>, vector<1x800x16xf32>
    %get3A_11 = vector.shape_cast %get3A_10 : vector<1x800x16xf32> to vector<800x16xf32>
    %get3A_12 = arith.constant 0 : index
    %get3A_13 = arith.constant 0 : index
    %get3A_14 = arith.constant 0 : index
    %get3A_15 = vector.load %arg4[%get3A_12, %get3A_13, %get3A_14] : memref<1x800x16xf32, #tpu.memory_space<vmem>>, vector<1x800x16xf32>
    %get3A_16 = vector.shape_cast %get3A_15 : vector<1x800x16xf32> to vector<800x16xf32>
    %concatenate3A_17 = tpu.concatenate %get3A_11, %get3A_16 in 1 : vector<800x16xf32>, vector<800x16xf32> -> vector<800x32xf32>
    %get3A_18 = arith.constant 0 : index
    %get3A_19 = arith.constant 0 : index
    %get3A_20 = arith.constant 0 : index
    %get3A_21 = vector.load %arg5[%get3A_18, %get3A_19, %get3A_20] : memref<1x800x8xf32, #tpu.memory_space<vmem>>, vector<1x800x4xf32>
    %get3A_22 = vector.shape_cast %get3A_21 : vector<1x800x4xf32> to vector<800x4xf32>
    %get3A_23 = arith.constant 0 : index
    %get3A_24 = arith.constant 0 : index
    %get3A_25 = arith.constant 0 : index
    %get3A_26 = vector.load %arg6[%get3A_23, %get3A_24, %get3A_25] : memref<1x800x8xf32, #tpu.memory_space<vmem>>, vector<1x800x4xf32>
    %get3A_27 = vector.shape_cast %get3A_26 : vector<1x800x4xf32> to vector<800x4xf32>
    %add3A = arith.addf %get3A_22, %get3A_27 : vector<800x4xf32>
    %get3A_28 = arith.constant 0 : index
    %get3A_29 = arith.constant 0 : index
    %get3A_30 = arith.constant 4 : index
    %get3A_31 = vector.load %arg5[%get3A_28, %get3A_29, %get3A_30] : memref<1x800x8xf32, #tpu.memory_space<vmem>>, vector<1x800x1xf32>
    %get3A_32 = vector.shape_cast %get3A_31 : vector<1x800x1xf32> to vector<800x1xf32>
    %get3A_33 = arith.constant 0 : index
    %get3A_34 = arith.constant 0 : index
    %get3A_35 = arith.constant 4 : index
    %get3A_36 = vector.load %arg6[%get3A_33, %get3A_34, %get3A_35] : memref<1x800x8xf32, #tpu.memory_space<vmem>>, vector<1x800x1xf32>
    %get3A_37 = vector.shape_cast %get3A_36 : vector<1x800x1xf32> to vector<800x1xf32>
    %add3A_38 = arith.addf %get3A_32, %get3A_37 : vector<800x1xf32>
    %jit3A = arith.constant 1.000000e+00 : f32
    %max3A = vector.broadcast %jit3A : f32 to vector<800x1xf32>
    %max3A_39 = arith.maximumf %max3A, %add3A_38 : vector<800x1xf32>
    %get3A_40 = arith.constant 0 : index
    %get3A_41 = arith.constant 0 : index
    %get3A_42 = vector.load %arg9[%get3A_40, %get3A_41] : memref<32x32xf32, #tpu.memory_space<vmem>>, vector<32x32xf32>
    %dot_general3A = arith.constant dense<0.000000e+00> : vector<800x32xf32>
    %dot_general3A_43 = tpu.matmul %concatenate3A_17, %get3A_42, %dot_general3A {dimension_numbers = #tpu.dot_dimension_numbers<[1], [0], [0], [1], [0, 0, 1, 1], [], []>, transpose_lhs_hint = false} : vector<800x32xf32>, vector<32x32xf32>, vector<800x32xf32> -> vector<800x32xf32>
    %get3A_44 = arith.constant 0 : index
    %get3A_45 = arith.constant 0 : index
    %get3A_46 = vector.load %arg10[%get3A_44, %get3A_45] : memref<4x32xf32, #tpu.memory_space<vmem>>, vector<4x32xf32>
    %dot_general3A_47 = arith.constant dense<0.000000e+00> : vector<800x32xf32>
    %dot_general3A_48 = tpu.matmul %add3A, %get3A_46, %dot_general3A_47 {dimension_numbers = #tpu.dot_dimension_numbers<[1], [0], [0], [1], [0, 0, 1, 1], [], []>, transpose_lhs_hint = false} : vector<800x4xf32>, vector<4x32xf32>, vector<800x32xf32> -> vector<800x32xf32>
    %add3A_49 = arith.addf %dot_general3A_43, %dot_general3A_48 : vector<800x32xf32>
    %div3A = vector.broadcast %max3A_39 : vector<800x1xf32> to vector<800x32xf32>
    %div3A_50 = arith.divf %add3A_49, %div3A : vector<800x32xf32>
    %get3A_51 = arith.constant 0 : index
    %get3A_52 = arith.constant 0 : index
    %get3A_53 = vector.load %arg7[%get3A_51, %get3A_52] : memref<32x32xf32, #tpu.memory_space<vmem>>, vector<32x32xf32>
    %dot_general3A_54 = arith.constant dense<0.000000e+00> : vector<800x32xf32>
    %dot_general3A_55 = tpu.matmul %concatenate3A, %get3A_53, %dot_general3A_54 {dimension_numbers = #tpu.dot_dimension_numbers<[1], [0], [0], [1], [0, 0, 1, 1], [], []>, transpose_lhs_hint = false} : vector<800x32xf32>, vector<32x32xf32>, vector<800x32xf32> -> vector<800x32xf32>
    %get3A_56 = arith.constant 0 : index
    %get3A_57 = arith.constant 0 : index
    %get3A_58 = vector.load %arg8[%get3A_56, %get3A_57] : memref<1x32xf32, #tpu.memory_space<vmem>>, vector<1x32xf32>
    %add3A_59 = vector.broadcast %get3A_58 : vector<1x32xf32> to vector<800x32xf32>
    %add3A_60 = arith.addf %dot_general3A_55, %add3A_59 : vector<800x32xf32>
    %add3A_61 = arith.addf %add3A_60, %div3A_50 : vector<800x32xf32>
    %gt3A = arith.constant 0.000000e+00 : f32
    %gt3A_62 = vector.broadcast %gt3A : f32 to vector<800x32xf32>
    %gt3A_63 = arith.cmpf ogt, %add3A_61, %gt3A_62 : vector<800x32xf32>
    %mul3A = arith.constant 0.00999999977 : f32
    %mul3A_64 = vector.broadcast %mul3A : f32 to vector<800x32xf32>
    %mul3A_65 = arith.mulf %mul3A_64, %add3A_61 : vector<800x32xf32>
    %select_n3A = arith.select %gt3A_63, %add3A_61, %mul3A_65 : vector<800x32xi1>, vector<800x32xf32>
    %get3A_66 = arith.constant 0 : index
    %get3A_67 = arith.constant 0 : index
    %get3A_68 = vector.load %arg12[%get3A_66, %get3A_67] : memref<32x1xf32, #tpu.memory_space<vmem>>, vector<32x1xf32>
    %dot_general3A_69 = arith.constant dense<0.000000e+00> : vector<800x1xf32>
    %dot_general3A_70 = tpu.matmul %select_n3A, %get3A_68, %dot_general3A_69 {dimension_numbers = #tpu.dot_dimension_numbers<[1], [0], [0], [1], [0, 0, 1, 1], [], []>, transpose_lhs_hint = false} : vector<800x32xf32>, vector<32x1xf32>, vector<800x1xf32> -> vector<800x1xf32>
    %get3A_71 = arith.constant 0 : index
    %get3A_72 = arith.constant 0 : index
    %get3A_73 = vector.load %arg13[%get3A_71, %get3A_72] : memref<1x1xf32, #tpu.memory_space<vmem>>, vector<1x1xf32>
    %add3A_74 = vector.broadcast %get3A_73 : vector<1x1xf32> to vector<800x1xf32>
    %add3A_75 = arith.addf %dot_general3A_70, %add3A_74 : vector<800x1xf32>
    %iota3A = tpu.iota {dimensions = array<i32: 1>} : vector<1x64xi32>
    %get3A_76 = arith.constant 0 : index
    %get3A_77 = arith.constant 0 : index
    %get3A_78 = vector.load %arg11[%get3A_76, %get3A_77] : memref<800x1xi32, #tpu.memory_space<vmem>>, vector<800x1xi32>
    %eq3A_79 = vector.broadcast %get3A_78 : vector<800x1xi32> to vector<800x64xi32>
    %eq3A_80 = vector.broadcast %iota3A : vector<1x64xi32> to vector<800x64xi32>
    %eq3A_81 = arith.cmpi eq, %eq3A_79, %eq3A_80 : vector<800x64xi32>
    %convert_element_type3A_82 = arith.extui %eq3A_81 : vector<800x64xi1> to vector<800x64xi32>
    %convert_element_type3A_83 = arith.sitofp %convert_element_type3A_82 : vector<800x64xi32> to vector<800x64xf32>
    %get3A_84 = arith.constant 0 : index
    %get3A_85 = arith.constant 0 : index
    %get3A_86 = vector.load %arg15[%get3A_84, %get3A_85] : memref<1x64xf32, #tpu.memory_space<vmem>>, vector<1x64xf32>
    %mul3A_87 = vector.broadcast %add3A_75 : vector<800x1xf32> to vector<800x64xf32>
    %mul3A_88 = arith.mulf %convert_element_type3A_83, %mul3A_87 : vector<800x64xf32>
    %reduce_sum3A = arith.constant dense<0.000000e+00> : vector<64xf32>
    %reduce_sum3A_89 = vector.multi_reduction <add>, %mul3A_88, %reduce_sum3A [0] : vector<800x64xf32> to vector<64xf32>
    %broadcast_in_dim3A = vector.shape_cast %reduce_sum3A_89 : vector<64xf32> to vector<1x64xf32>
    %add3A_90 = arith.addf %get3A_86, %broadcast_in_dim3A : vector<1x64xf32>
    %swap3A = arith.constant 0 : index
    %swap3A_91 = arith.constant 0 : index
    %swap3A_92 = vector.load %arg15[%swap3A, %swap3A_91] : memref<1x64xf32, #tpu.memory_space<vmem>>, vector<1x64xf32>
    tpu.vector_store %arg15[%swap3A, %swap3A_91], %add3A_90 {strides = array<i32>} : memref<1x64xf32, #tpu.memory_space<vmem>>, vector<1x64xf32>,
    %get3A_93 = arith.constant 0 : index
    %get3A_94 = arith.constant 0 : index
    %get3A_95 = vector.load %arg16[%get3A_93, %get3A_94] : memref<1x64xf32, #tpu.memory_space<vmem>>, vector<1x64xf32>
    %reduce_sum3A_96 = arith.constant dense<0.000000e+00> : vector<64xf32>
    %reduce_sum3A_97 = vector.multi_reduction <add>, %convert_element_type3A_83, %reduce_sum3A_96 [0] : vector<800x64xf32> to vector<64xf32>
    %broadcast_in_dim3A_98 = vector.shape_cast %reduce_sum3A_97 : vector<64xf32> to vector<1x64xf32>
    %add3A_99 = arith.addf %get3A_95, %broadcast_in_dim3A_98 : vector<1x64xf32>
    %swap3A_100 = arith.constant 0 : index
    %swap3A_101 = arith.constant 0 : index
    %swap3A_102 = vector.load %arg16[%swap3A_100, %swap3A_101] : memref<1x64xf32, #tpu.memory_space<vmem>>, vector<1x64xf32>
    tpu.vector_store %arg16[%swap3A_100, %swap3A_101], %add3A_99 {strides = array<i32>} : memref<1x64xf32, #tpu.memory_space<vmem>>, vector<1x64xf32>,
    %eq3A_103 = arith.constant 124 : i32
    %eq3A_104 = arith.cmpi eq, %arg0, %eq3A_103 : i32
    %convert_element_type3A_105 = arith.extui %eq3A_104 : i1 to i32
    %cond3A_106 = arith.constant 0 : i32
    %cond3A_107 = arith.cmpi ne, %convert_element_type3A_105, %cond3A_106 : i32
    scf.if %cond3A_107 {
      %get3A_108 = arith.constant 0 : index
      %get3A_109 = arith.constant 0 : index
      %get3A_110 = vector.load %arg15[%get3A_108, %get3A_109] : memref<1x64xf32, #tpu.memory_space<vmem>>, vector<1x64xf32>
      %get3A_111 = arith.constant 0 : index
      %get3A_112 = arith.constant 0 : index
      %get3A_113 = vector.load %arg16[%get3A_111, %get3A_112] : memref<1x64xf32, #tpu.memory_space<vmem>>, vector<1x64xf32>
      %jit3A_114 = arith.constant 1.000000e+00 : f32
      %max3A_115 = vector.broadcast %jit3A_114 : f32 to vector<1x64xf32>
      %max3A_116 = arith.maximumf %max3A_115, %get3A_113 : vector<1x64xf32>
      %div3A_117 = arith.divf %get3A_110, %max3A_116 : vector<1x64xf32>
      %swap3A_118 = arith.constant 0 : index
      %swap3A_119 = arith.constant 0 : index
      %swap3A_120 = vector.load %arg14[%swap3A_118, %swap3A_119] : memref<1x64xf32, #tpu.memory_space<vmem>>, vector<1x64xf32>
      tpu.vector_store %arg14[%swap3A_118, %swap3A_119], %div3A_117 {strides = array<i32>} : memref<1x64xf32, #tpu.memory_space<vmem>>, vector<1x64xf32>,
    } else {
    }
    return
  }
  func.func @transform_0(%arg0: i32) -> (i32, i32) {
    %c0_i32 = arith.constant 0 : i32
    %c0_i32_0 = arith.constant 0 : i32
    return %arg0, %c0_i32 : i32, i32
  }
  func.func @transform_1(%arg0: i32) -> (i32, i32) {
    %c0_i32 = arith.constant 0 : i32
    %c0_i32_0 = arith.constant 0 : i32
    return %arg0, %c0_i32 : i32, i32
  }
  func.func @transform_2(%arg0: i32) -> (i32, i32, i32) {
    %c0_i32 = arith.constant 0 : i32
    %c0_i32_0 = arith.constant 0 : i32
    %c0_i32_1 = arith.constant 0 : i32
    return %c0_i32, %arg0, %c0_i32_0 : i32, i32, i32
  }
  func.func @transform_3(%arg0: i32) -> (i32, i32, i32) {
    %c1_i32 = arith.constant 1 : i32
    %c0_i32 = arith.constant 0 : i32
    %c0_i32_0 = arith.constant 0 : i32
    return %c1_i32, %arg0, %c0_i32 : i32, i32, i32
  }
  func.func @transform_4(%arg0: i32) -> (i32, i32, i32) {
    %c0_i32 = arith.constant 0 : i32
    %c0_i32_0 = arith.constant 0 : i32
    %c0_i32_1 = arith.constant 0 : i32
    return %c0_i32, %arg0, %c0_i32_0 : i32, i32, i32
  }
  func.func @transform_5(%arg0: i32) -> (i32, i32, i32) {
    %c1_i32 = arith.constant 1 : i32
    %c0_i32 = arith.constant 0 : i32
    %c0_i32_0 = arith.constant 0 : i32
    return %c1_i32, %arg0, %c0_i32 : i32, i32, i32
  }
  func.func @transform_6(%arg0: i32) -> (i32, i32) {
    %c0_i32 = arith.constant 0 : i32
    %c0_i32_0 = arith.constant 0 : i32
    %c0_i32_1 = arith.constant 0 : i32
    return %c0_i32, %c0_i32_0 : i32, i32
  }
  func.func @transform_7(%arg0: i32) -> (i32, i32) {
    %c0_i32 = arith.constant 0 : i32
    %c0_i32_0 = arith.constant 0 : i32
    %c0_i32_1 = arith.constant 0 : i32
    return %c0_i32, %c0_i32_0 : i32, i32
  }
  func.func @transform_8(%arg0: i32) -> (i32, i32) {
    %c0_i32 = arith.constant 0 : i32
    %c0_i32_0 = arith.constant 0 : i32
    %c0_i32_1 = arith.constant 0 : i32
    return %c0_i32, %c0_i32_0 : i32, i32
  }
  func.func @transform_9(%arg0: i32) -> (i32, i32) {
    %c0_i32 = arith.constant 0 : i32
    %c0_i32_0 = arith.constant 0 : i32
    %c0_i32_1 = arith.constant 0 : i32
    return %c0_i32, %c0_i32_0 : i32, i32
  }
  func.func @transform_10(%arg0: i32) -> (i32, i32) {
    %c0_i32 = arith.constant 0 : i32
    %c0_i32_0 = arith.constant 0 : i32
    return %arg0, %c0_i32 : i32, i32
  }
  func.func @transform_11(%arg0: i32) -> (i32, i32) {
    %c0_i32 = arith.constant 0 : i32
    %c0_i32_0 = arith.constant 0 : i32
    %c0_i32_1 = arith.constant 0 : i32
    return %c0_i32, %c0_i32_0 : i32, i32
  }
  func.func @transform_12(%arg0: i32) -> (i32, i32) {
    %c0_i32 = arith.constant 0 : i32
    %c0_i32_0 = arith.constant 0 : i32
    %c0_i32_1 = arith.constant 0 : i32
    return %c0_i32, %c0_i32_0 : i32, i32
  }
  func.func @transform_13(%arg0: i32) -> (i32, i32) {
    %c0_i32 = arith.constant 0 : i32
    %c0_i32_0 = arith.constant 0 : i32
    %c0_i32_1 = arith.constant 0 : i32
    return %c0_i32, %c0_i32_0 : i32, i32
  }
}

</mosaic_0001>

<sc_bundles>
// kernel: kernel.11.cloned.1.call-start
scs
__scs_entry_jumppad:
0x0: {  	(pc) =	sbr.rel $0x88, $3  }
0x1: {  	(tag) =	ssettag $0x0;
	lr =	simm.s32 $0x1  }
0x2: {  	[smem:$0x3F92] =	sst lr;
	_ =	strace $0xD0000000  }
0x3: {  	_ = 	snop  }
0x4: {  	_ = 	snop  }
0x5: {  	_ = 	snop  }
0x6: {  	_ = 	snop  }
0x7: {  	_ = 	snop  }
__scs_overlays_trampoline_lowered:
0x8: {  	[smem:$0x3FA1] =	sst s0  }
0x9: {  	[smem:$0x3FA2] =	sst s1  }
0xa: {  	[smem:$0x3FA3] =	sst s2  }
0xb: {  	[smem:$0x3FA4] =	sst s3  }
0xc: {  	[smem:$0x3FA5] =	sst s4  }
0xd: {  	[smem:$0x3FA6] =	sst s5  }
0xe: {  	[smem:$0x3FA7] =	sst s6  }
0xf: {  	[smem:$0x3FA8] =	sst s7  }
0x10: {  	[smem:$0x3FA9] =	sst s8  }
0x11: {  	[smem:$0x3FAA] =	sst s9;
	s0 =	simm.s32 @!p0 $0x0  }
0x12: {  	s1 =	sld [smem:$0x3F90];
	s0 =	simm.s32 @p0 $0x1  }
0x13: {  	[smem:$0x3FAB] =	sst s0;
	s0 =	simm.s32 @!p1 $0x0  }
0x14: {  	s2 =	sld [smem:$0x3F8F];
	s0 =	simm.s32 @p1 $0x1  }
0x15: {  	[smem:$0x3FAC] =	sst s0;
	s0 =	simm.s32 @!p2 $0x0  }
0x16: {  	s3 =	sld [smem:$0x3FDB];
	s0 =	simm.s32 @p2 $0x1  }
0x17: {  	s4 =	simm.s32 $0x1BF5;
	[smem:$0x3FAE] =	sst s0  }
0x18: {  	s0 =	sld [smem:$0x3F91];
	_ =	swait.ge [sflag:s4], $0x0  }
0x19: {  	s7 =	sld [smem:$0x3F92]  }
0x1a: {  	s8 =	sadd.s32 $0xFFFFE003, lr  }
0x1b: {  	s9 =	sadd.s32 $0xFFFFFEF7, lr;
	s5 =	simm.s32 $0xFFFFFFFF;
	p2 =	slt.u32 s8, $0xFFFFF086  }
0x1c: {  	p1 =	slt.u32 s9, $0xF7A;
	s5 =	simm.s32 @!p2 $0x0  }
0x1d: {  	s5 =	simm.s32 @p1 $0x1;
	p0 =	seq.s32 s7, s2  }
0x1e: {  	s7 =	smul.u32 @!p0 $0xF7A, s2;
	p2 =	seq.s32 @!p0 s5, $0x0  }
0x1f: {  	s9 =	smul.u32 $0xF7A, s1;
	s8 =	simm.s32 @!p0 $0x1BF5;
	p2 =	por !p2, p0  }
0x20: {  	[sflag:s8] =	ssyncset.s32 @!p0 $0xFFFFF086;
	s6 =	sadd.s32 @!p0 s3, s7;
	s7 =	simm.s32 @!p0 $0x108  }
0x21: {  	s3 =	sadd.s32 s3, s9;
	s6 =	sadd.s32 @!p0 $0x88, s6;
	s7 =	simm.s32 @p2 $0x1082  }
0x22: {  	[simem:s7], [sflag:s8] =	dma.local @!p0 [hbm:s6], $0xF7A  }
0x23: {  	s9 =	sor.u32 $0xD0000000, s2;
	s6 =	simm.s32 $0x108;
	_ =	swait.ge @!p0 [sflag:s8], $0x0  }
0x24: {  	s3 =	sadd.s32 $0x88, s3;
	s6 =	simm.s32 @!p1 $0x1082;
	[sflag:s4] =	ssyncset.s32 $0xFFFFF086  }
0x25: {  	[simem:s6], [sflag:s4] =	dma.local [hbm:s3], $0xF7A  }
0x26: {  	[smem:$0x3F92] =	sst s1;
	(tag) =	ssettag s2;
	_ =	strace s9  }
0x27: {  	s1 =	sld [smem:$0x3FA2]  }
0x28: {  	s2 =	sld [smem:$0x3FA3]  }
0x29: {  	s4 =	sld [smem:$0x3FA5]  }
0x2a: {  	p0 =	seq.s32 s5, $0x0;
	s5 =	sld [smem:$0x3FA6]  }
0x2b: {  	s6 =	sld [smem:$0x3FA7]  }
0x2c: {  	s7 =	sld [smem:$0x3FA8]  }
0x2d: {  	s3 =	simm.s32 $0x108;
	s8 =	sld [smem:$0x3FA9]  }
0x2e: {  	s3 =	simm.s32 @!p0 $0x1082;
	s9 =	sld [smem:$0x3FAA]  }
0x2f: {  	lr =	sadd.s32 s0, s3;
	s0 =	sld [smem:$0x3FA1]  }
0x30: {  	s3 =	sld [smem:$0x3FA4]  }
0x31: {  	[smem:$0x3FAD] =	sst s10  }
0x32: {  	s10 =	sld [smem:$0x3FAB];
	_ =	sdelay $0x3  }
0x33: {  	p0 =	seq.s32 s10, $0x1;
	s10 =	sld [smem:$0x3FAD];
	_ =	sdelay $0x3  }
0x34: {  	[smem:$0x3FAD] =	sst s10  }
0x35: {  	s10 =	sld [smem:$0x3FAC];
	_ =	sdelay $0x3  }
0x36: {  	p1 =	seq.s32 s10, $0x1;
	s10 =	sld [smem:$0x3FAD];
	_ =	sdelay $0x3  }
0x37: {  	[smem:$0x3FAD] =	sst s10  }
0x38: {  	s10 =	sld [smem:$0x3FAE]  }
0x39: {  	_ = 	snop;
	(pc) =	sbr.ind lr, $3  }
0x3a: {  	_ = 	snop  }
0x3b: {  	_ = 	snop  }
0x3c: {  	p2 =	seq.s32 s10, $0x1;
	s10 =	sld [smem:$0x3FAD]  }
0x3d: {  	_ =	shalt  }
0x3e: {  	_ =	shalt  }
0x3f: {  	_ =	shalt  }
0x40: {  	_ =	shalt  }
0x41: {  	_ =	shalt  }
0x42: {  	_ =	shalt  }
0x43: {  	_ =	shalt  }
0x44: {  	_ =	shalt  }
0x45: {  	_ =	shalt  }
0x46: {  	_ =	shalt  }
0x47: {  	_ =	shalt  }
0x48: {  	_ =	shalt  }
0x49: {  	_ =	shalt  }
0x4a: {  	_ =	shalt  }
0x4b: {  	_ =	shalt  }
0x4c: {  	_ =	shalt  }
0x4d: {  	_ =	shalt  }
0x4e: {  	_ =	shalt  }
0x4f: {  	_ =	shalt  }
0x50: {  	_ =	shalt  }
0x51: {  	_ =	shalt  }
0x52: {  	_ =	shalt  }
0x53: {  	_ =	shalt  }
0x54: {  	_ =	shalt  }
0x55: {  	_ =	shalt  }
0x56: {  	_ =	shalt  }
0x57: {  	_ =	shalt  }
0x58: {  	_ =	shalt  }
0x59: {  	_ =	shalt  }
0x5a: {  	_ =	shalt  }
0x5b: {  	_ =	shalt  }
0x5c: {  	_ =	shalt  }
0x5d: {  	_ =	shalt  }
0x5e: {  	_ =	shalt  }
0x5f: {  	_ =	shalt  }
0x60: {  	_ =	shalt  }
0x61: {  	_ =	shalt  }
0x62: {  	_ =	shalt  }
0x63: {  	_ =	shalt  }
0x64: {  	_ =	shalt  }
0x65: {  	_ =	shalt  }
0x66: {  	_ =	shalt  }
0x67: {  	_ =	shalt  }
0x68: {  	_ =	shalt  }
0x69: {  	_ =	shalt  }
0x6a: {  	_ =	shalt  }
0x6b: {  	_ =	shalt  }
0x6c: {  	_ =	shalt  }
0x6d: {  	_ =	shalt  }
0x6e: {  	_ =	shalt  }
0x6f: {  	_ =	shalt  }
0x70: {  	_ =	shalt  }
0x71: {  	_ =	shalt  }
0x72: {  	_ =	shalt  }
0x73: {  	_ =	shalt  }
0x74: {  	_ =	shalt  }
0x75: {  	_ =	shalt  }
0x76: {  	_ =	shalt  }
0x77: {  	_ =	shalt  }
0x78: {  	_ =	shalt  }
0x79: {  	_ =	shalt  }
0x7a: {  	_ =	shalt  }
0x7b: {  	_ =	shalt  }
0x7c: {  	_ =	shalt  }
0x7d: {  	_ =	shalt  }
0x7e: {  	_ =	shalt  }
0x7f: {  	_ =	shalt  }
0x80: {  	_ =	shalt  }
0x81: {  	_ =	shalt  }
0x82: {  	_ =	shalt  }
0x83: {  	_ =	shalt  }
0x84: {  	_ =	shalt  }
0x85: {  	_ =	shalt  }
0x86: {  	_ =	shalt  }
0x87: {  	_ =	shalt  }
.Lfunc_end0:
.L_simem_size_0:
called_computation.2_lowered:
.L_overlay_start_0:
0x88: {  	s2 =	sld [smem:$0x3FD9]  }
0x89: {  	s3 =	sld [smem:$0x3FFE];
	_ =	sdelay $0x1  }
0x8a: {  	s1 =	srdreg.scid  }
0x8b: {  	s0 =	sand.u32 $0x1, s1  }
0x8c: {  	s16 =	sshll.u32 s0, $0xA;
	s2 =	sadd.s32 s3, s2  }
0x8d: {  	s2 =	sadd.s32 s2, s16  }
0x8e: {  	[smem:$0x3FB9] =	sst s2  }
0x8f: {  	_ = 	snop  }
0x90: {  	(tm) =	ssettm $0x1  }
0x91: {  	s17 =	sld [smem:$0x3FFB];
	_ =	sdelay $0x3  }
0x92: {  	_ =	strace s17  }
0x93: {  	s2 =	sld [smem:$0x3FFC];
	_ =	sdelay $0x3  }
0x94: {  	_ =	strace s2  }
0x95: {  	s2 =	sld [smem:$0x3FFD];
	_ =	sdelay $0x3  }
0x96: {  	_ =	strace s2  }
0x97: {  	_ =	strace $0x8FFFFFFF  }
0x98: {  	s18 =	sld [smem:$0x3FDB];
	_ =	sdelay $0x1  }
0x99: {  	s19 =	simm.s32 $_scs_section_size  }
0x9a: {  	s4 =	simm.s32 $_size__tile_overlayer_lowered;
	s5 =	simm.s32 $_tile_overlayer_lowered  }
0x9b: {  	s22 =	simm.s32 $0x1BFF;
	s21 =	sshll.u32 s5, $0x1;
	s2 =	sadd.s32 s19, s18  }
0x9c: {  	s6 =	simm.s32 $0x0;
	s20 =	sshll.u32 s4, $0x1;
	s4 =	sadd.s32 s21, s2  }
0x9d: {  	[timem:s6], [sflag:s22] =	dma.local [hbm:s4], s20  }
0x9e: {  	_ =	swait.ge [sflag:s22], s20  }
0x9f: {  	s3 =	ssub.s32 $0x0, s20;
	[sflag:s22] =	ssyncset.done $0x0  }
0xa0: {  	[sflag:s22] =	ssyncadd.s32 s3;
	_ =	sdelay $0x1  }
0xa1: {  	s23 =	simm.s32 $0x1B8B  }
0xa2: {  	_ =	swait.ge [sflag:s23], $0x1  }
0xa3: {  	[sflag:s23] =	ssyncset.done $0x0  }
0xa4: {  	s25 =	simm.s32 $0x1B8E;
	s24 =	sld [smem:$0x3FFE];
	[sflag:s23] =	ssyncadd.s32 $0xFFFFFFFF  }
0xa5: {  	s26 =	simm.s32 $execute0_lowered;
	[smem:$0x3FD2] =	sst s25  }
0xa6: {  	s4 =	sshll.u32 s26, $0x1;
	_ =	strace $0x8000004C;
	[dreg:$0x1] =	wrdreg $0xFFFFFFFF  }
0xa7: {  	s28 =	simm.s32 $_size_execute0_lowered;
	s2 =	sadd.s32 s2, s4;
	[dreg:$0x0] =	wrdreg $0x0  }
0xa8: {  	s4 =	sshll.u32 s28, $0x1;
	[dreg:$0x2] =	wrdreg s2  }
0xa9: {  	[dreg:$0x3] =	wrdreg s4  }
0xaa: {  	[dreg:$0x4] =	wrdreg $0xC0  }
0xab: {  	_ =	task [dreg:s6], $0x5FFFF  }
0xac: {  	[dreg:$0x1] =	wrdreg $0xFFFFFFFF  }
0xad: {  	[dreg:$0x0] =	wrdreg $0x60  }
0xae: {  	[dreg:$0x2] =	wrdreg s24  }
0xaf: {  	[dreg:$0x3] =	wrdreg $0x0  }
0xb0: {  	[dreg:$0x4] =	wrdreg $0x9  }
0xb1: {  	_ =	task.clear_ibuf [dreg:s6], $0x5FFFF;
	_ =	strace $0x9000004C  }
0xb2: {  	s29 =	simm.s32 $0x9;
	_ =	strace $0x8000004E  }
0xb3: {  	_ =	swait.ge [sflag:s29], $0x1  }
0xb4: {  	[sflag:s29] =	ssyncadd.s32 $0xFFFFFFFF  }
0xb5: {  	_ =	strace $0x9000004E  }
0xb6: {  	_ =	sfence  }
0xb7: {  	s30 =	sld [smem:$0x0];
	_ =	sdelay $0x2  }
0xb8: {  	s31 =	sshll.u32 s1, $0xD;
	s1 =	sshrl.u32 s1, $0x2  }
0xb9: {  	s3 =	sand.u32 $0x4000, s31;
	s1 =	sadd.s32 s1, s30  }
0xba: {  	s0 =	sor.u32 s3, s0;
	s1 =	sshll.u32 s1, $0x11  }
0xbb: {  	s0 =	sor.u32 s1, s0  }
0xbc: {  	s0 =	sadd.s32 $0x8F2B, s0  }
0xbd: {  	[sflag:s0] =	ssyncadd.remote.s32 $0x1  }
0xbe: {  	_ =	sfence.sel $0xFFFF  }
0xbf: {  	[dreg:$0x0] =	wrdreg $0xFFFFFFFF;
	(pc) =	sbr.abs _section_cstart, $3  }
0xc0: {  	[dreg:$0x1] =	wrdreg $0xFFFFFFFF  }
0xc1: {  	_ =	task.clear_ibuf [dreg:s6], $0x2FFFF;
	_ =	strace $0x9FFFFFFF  }
0xc2: {  	(tm) =	ssettm $0x7FFFFFFF  }
0xc3: {  	_ =	shalt  }
tec
execute0_lowered:
.L_overlay_start_1:
0x0: {  	(tag) =	ssettag $0x1  }
0x1: {  	s13 =	rddreg [dreg:$0x0]  }
0x2: {  	s2 =	rddreg [dreg:$0x1]  }
0x3: {  	s4 =	srdreg.scid;
	s0 =	stileid.u32  }
0x4: {  	s3 =	simm.s32 $0x0;
	s15 =	simm.s32 $0x1EDC00;
	s16 =	simm.s32 $0x1EAA0  }
0x5: {  	s19 =	simm.s32 $0x320;
	s24 =	simm.s32 $0x1;
	s25 =	simm.s32 $0x2  }
0x6: {  	s26 =	simm.s32 $0x3;
	s28 =	simm.s32 $0x0;
	s10 =	sand.u32 $0x1, s4  }
0x7: {  	s4 =	smul.u32 $0x186A0, s0;
	[smem:$0x7FF] =	sst s3;
	s5 =	sadd.s32 $0x19F4600, s13  }
0x8: {  	s31 =	sshll.u32 s0, $0x6;
	s6 =	smul.u32 $0x186A00, s10;
	s8 =	ssub.s32 $0x2, s10  }
0x9: {  	_ =	strace $0x8000004D;
	p0 =	seq.s32 s10, $0x0;
	s9 =	sshrl.u32 s8, $0x1  }
0xa: {  	s14 =	sadd.s32 s4, s2;
	s17 =	sshrl.u32 s4, $0x3;
	s15 =	simm.s32 @!p0 $0x1BCE00  }
0xb: {  	s7 =	sadd.s32 s4, s6;
	s6 =	sadd.s32 $0x3C00, s13;
	s12 =	ssub.s32 s8, s9  }
.Ltmp0:
0xc: {  	s8 =	sadd.s32 s5, s17;
	s9 =	sadd.s32 $0x1A25340, s13;
	(pc) =	sbr.rel .LBB2_1-.Ltmp0, $4  }
0xd: {  	s22 =	sadd.s32 $0x64, s17;
	s14 =	sshrl.u32 s14, $0x3;
	s7 =	sshrl.u32 s7, $0x3  }
0xe: {  	s10 =	sadd.s32 s5, s22;
	s12 =	smax.u32 s12, $0x1;
	s17 =	sadd.s32 s17, s9  }
0xf: {  	s22 =	sadd.s32 s22, s9;
	s11 =	sadd.s32 s7, s13;
	s7 =	sor.u32 $0x1C04, s31  }
0x10: {  	s13 =	sadd.s32 s15, s13;
	s15 =	simm.s32 $0x4;
	s11 =	sadd.s32 $0x6E00, s11  }
.LBB2_5:
0x11: {  	_ =	swait.ge [sflag:s25], $0x3200  }
0x12: {  	s28 =	sadd.s32 $0x1, s28;
	[sflag:s25] =	ssyncset.done $0x0  }
0x13: {  	p0 =	sne.s32 s28, s12;
	[sflag:s25] =	ssyncadd.s32 $0xFFFFCE00  }
.Ltmp1:
0x14: {  	[bflag:$0x0] =	sbarrier.arrive $0xFFFF;
	(pc) =	sbr.rel @!p0 .LBB2_6-.Ltmp1, $4  }
0x15: {  	[hbm:s11], [sflag:s7] =	dma.local [spmem:s14], $0x30D4  }
0x16: {  	_ =	swait.ge [sflag:s15], $0x30D4  }
0x17: {  	[sflag:s15] =	ssyncset.done $0x0  }
0x18: {  	[sflag:s15] =	ssyncadd.s32 $0xFFFFCF2C  }
.LBB2_1:
0x19: {  	[spmem:s14], [sflag:s7] =	dma.local [hbm:s6], $0x30D4  }
0x1a: {  	_ =	swait.ge [sflag:s15], $0x30D4  }
0x1b: {  	[sflag:s15] =	ssyncset.done $0x0  }
0x1c: {  	[sflag:s15] =	ssyncadd.s32 $0xFFFFCF2C  }
0x1d: {  	[bflag:$0x0] =	sbarrier.arrive $0xFFFF  }
0x1e: {  	[tilespmem:s16], [sflag:$0x4] =	stream.linear.gather [hbm4b:s8+s3], $0x320, $0x38;
	[tilespmem:$0x1FA40] =	vst v63  }
0x1f: {  	_ =	swait.ge [sflag:s15], $0x320  }
0x20: {  	[sflag:s15] =	ssyncset.done $0x0  }
0x21: {  	s0 =	simm.s32 $0x1F0E0;
	[sflag:s15] =	ssyncadd.s32 $0xFFFFFCE0  }
0x22: {  	[tilespmem:s0], [sflag:$0x4] =	stream.linear.gather [hbm4b:s17+s3], $0x320, $0x38;
	[tilespmem:$0x1FA40] =	vst v63  }
0x23: {  	_ =	swait.ge [sflag:s15], $0x320  }
0x24: {  	[sflag:s15] =	ssyncset.done $0x0  }
0x25: {  	s23 =	simm.s32 $0x186A0;
	[sflag:s15] =	ssyncadd.s32 $0xFFFFFCE0  }
0x26: {  	[tilespmem:s23], [sflag:$0x1] =	stream.indirect.gather [hbm4b:s13+s19], $0x10, s16, s19, $0xb8;
	[tilespmem:$0x1FA40] =	vst v63  }
.Ltmp2:
0x27: {  	_ = 	snop;
	(pc) =	sbr.rel .LBB2_2-.Ltmp2, $4  }
0x28: {  	s30 =	simm.s32 $0x1EDC0  }
0x29: {  	[tilespmem:s30], [sflag:$0x3] =	stream.linear.gather [hbm4b:s10+s3], $0x320, $0x38;
	[tilespmem:$0x1FA40] =	vst v63  }
0x2a: {  	s31 =	simm.s32 $0x1F400;
	s29 =	simm.s32 $0x0  }
0x2b: {  	[tilespmem:s31], [sflag:$0x3] =	stream.linear.gather [hbm4b:s22+s3], $0x320, $0x38;
	[tilespmem:$0x1FA40] =	vst v63  }
.LBB2_4:
0x2c: {  	p0 =	sgt.u32 s29, $0x7A  }
0x2d: {  	s0 =	sadd.s32 @!p0 $0x2, s29  }
0x2e: {  	_ =	swait.ge [sflag:s24], $0x3200;
	s18 =	smul.u32 @!p0 $0x320, s0  }
0x2f: {  	s1 =	sand.u32 @!p0 $0x1, s29;
	[sflag:s24] =	ssyncset.done $0x0;
	s21 =	simm.s32 @!p0 $0x0  }
0x30: {  	p1 =	seq.s32 @!p0 s1, $0x1;
	s1 =	simm.s32 @!p0 $0x1EDC0;
	s18 =	sadd.s32 @!p0 s4, s18  }
0x31: {  	[sflag:s24] =	ssyncadd.s32 $0xFFFFCE00;
	p1 =	por !p1, p0;
	s18 =	sshrl.u32 @!p0 s18, $0x3  }
0x32: {  	s23 =	smul.u32 @!p0 $0xAB, s0;
	s1 =	simm.s32 @p1 $0x1EAA0;
	s20 =	sadd.s32 @!p0 s5, s18  }
0x33: {  	[tilespmem:s1], [sflag:$0x3] =	stream.linear.gather @!p0 [hbm4b:s20+s21], $0x320, $0x38;
	[tilespmem:$0x1FA40] =	vst v63  }
0x34: {  	s1 =	sshrl.u32 @!p0 s23, $0x9  }
0x35: {  	s23 =	smul.u32 $0xAB, s29;
	s1 =	sand.u32 @!p0 $0x7F, s1  }
0x36: {  	s1 =	smul.u32 @!p0 $0x3, s1  }
0x37: {  	s20 =	sshrl.u32 s23, $0x9  }
0x38: {  	s20 =	sand.u32 $0x7F, s20;
	s0 =	ssub.s32 @!p0 s0, s1  }
0x39: {  	s1 =	smul.u32 $0x3, s20;
	s0 =	sand.u32 @!p0 $0xFF, s0  }
0x3a: {  	s0 =	smul.u32 @!p0 $0xC80, s0;
	_ =	sdelay $0x1  }
0x3b: {  	s18 =	sadd.s32 @!p0 s9, s18;
	s1 =	ssub.s32 s29, s1;
	s0 =	sshrl.u32 @!p0 s0, $0x2  }
0x3c: {  	s23 =	smul.u32 $0xC800, s31;
	s1 =	sand.u32 $0xFF, s1;
	s0 =	sadd.s32 @!p0 $0x1F0E0, s0  }
0x3d: {  	[tilespmem:s0], [sflag:$0x3] =	stream.linear.gather @!p0 [hbm4b:s18+s21], $0x320, $0x38;
	[tilespmem:$0x1FA40] =	vst v63  }
0x3e: {  	s1 =	smul.u32 $0xC80, s1;
	p0 =	slt.u32 s30, $0x7D  }
.Ltmp3:
0x3f: {  	_ = 	snop;
	(pc) =	sbr.rel @!p0 .LBB2_5-.Ltmp3, $4  }
0x40: {  	_ = 	snop  }
0x41: {  	s31 =	sshrl.u32 s23, $0x2;
	s1 =	sshrl.u32 s1, $0x2  }
0x42: {  	s29 =	smov.u32 s30;
	s0 =	sadd.s32 $0x186A0, s31;
	s1 =	sadd.s32 $0x1F0E0, s1  }
0x43: {  	[spmem:s2] =	stream.indirect.scatter.add.f32 [tilespmem:s0], [sflag:$0x2], $0x10, s1, s19, $0xb8;
	[tilespmem:$0x1FA40] =	vst v63  }
.LBB2_2:
0x44: {  	p0 =	seq.s32 s29, $0x0  }
0x45: {  	p1 =	seq.s32 @!p0 s29, $0x7C  }
0x46: {  	p1 =	por p0, !p1  }
.Ltmp4:
0x47: {  	_ = 	snop;
	(pc) =	sbr.rel @!p1 .LBB2_4-.Ltmp4, $4  }
0x48: {  	s30 =	simm.s32 @!p0 $0x2  }
0x49: {  	_ =	swait.ge @!p0 [sflag:s30], $0x3200  }
0x4a: {  	[sflag:s30] =	ssyncset.done @!p0 $0x0  }
0x4b: {  	s31 =	sand.u32 $0x1, s29;
	[sflag:s30] =	ssyncadd.s32 @!p0 $0xFFFFCE00;
	s30 =	simm.s32 @!p0 $0x7D  }
0x4c: {  	_ =	swait.ge [sflag:s26], $0x320;
	s0 =	sxor.u32 $0x1, s31  }
0x4d: {  	s30 =	sadd.s32 @!p0 $0x1, s29;
	[sflag:s26] =	ssyncset.done $0x0;
	s0 =	smul.u32 $0xC800, s0  }
.Ltmp5:
0x4e: {  	s30 =	simm.s32 @p0 $0x1;
	[sflag:s26] =	ssyncadd.s32 $0xFFFFFCE0;
	(pc) =	sbr.rel .LBB2_4-.Ltmp5, $4  }
0x4f: {  	s1 =	sand.u32 $0x1, s30;
	_ =	swait.ge [sflag:s26], $0x320;
	s0 =	sshrl.u32 s0, $0x2  }
0x50: {  	p0 =	seq.s32 s1, $0x1;
	s1 =	simm.s32 $0x1EDC0;
	[sflag:s26] =	ssyncset.done $0x0  }
0x51: {  	s0 =	sadd.s32 $0x186A0, s0;
	s1 =	simm.s32 @!p0 $0x1EAA0;
	[sflag:s26] =	ssyncadd.s32 $0xFFFFFCE0  }
0x52: {  	[tilespmem:s0], [sflag:$0x1] =	stream.indirect.gather [hbm4b:s13+s19], $0x10, s1, s19, $0xb8;
	[tilespmem:$0x1FA40] =	vst v63  }
.LBB2_6:
0x53: {  	_ =	sfence.sel $0x180000  }
0x54: {  	[bflag:$0x0] =	sbarrier.arrive $0xFFFF  }
0x55: {  	_ =	strace $0x9000004D  }
0x56: {  	s0 =	stileid.u32;
	[bflag:$0x2] =	sbarrier.arrive $0xFFFF  }
0x57: {  	p0 =	sne.s32 s0, $0x0;
	s0 =	rddreg [dreg:$0x2]  }
0x58: {  	s0 =	sadd.s32 @!p0 $0x100000, s0  }
0x59: {  	[sflag:s0] =	ssyncadd.tile.s32 @!p0 $0x1;
	_ =	shalt  }
.Lfunc_end2:
_tile_overlayer_lowered:
.L_overlay_start_2:
0x5a: {  	(tag) =	ssettag $0x2  }
0x5b: {  	s0 =	rddreg [dreg:$0x0];
	s2 =	stileid.u32  }
0x5c: {  	s1 =	rddreg [dreg:$0x1];
	p0 =	sne.s32 s2, $0x0  }
0x5d: {  	s3 =	rddreg [dreg:$0x2];
	[bflag:$0x3] =	sbarrier.arrive $0xFFFF;
	s2 =	simm.s32 @!p0 $0x1C04  }
0x5e: {  	[timem:s3], [sflag:s2] =	dma.local @!p0 [hbm:s0], s1  }
0x5f: {  	s0 =	simm.s32 @!p0 $0x4  }
0x60: {  	_ =	swait.ge @!p0 [sflag:s0], s1  }
0x61: {  	s1 =	ssub.s32 @!p0 $0x0, s1;
	[sflag:s0] =	ssyncset.done @!p0 $0x0  }
0x62: {  	[sflag:s0] =	ssyncadd.s32 @!p0 s1  }
0x63: {  	[bflag:$0x3] =	sbarrier.arrive $0xFFFF  }
0x64: {  	_ =	shalt  }

// kernel: kernel.14.cloned.1.call-start
scs
__scs_entry_jumppad:
0x0: {  	(pc) =	sbr.rel $0x88, $3  }
0x1: {  	(tag) =	ssettag $0x0;
	lr =	simm.s32 $0x1  }
0x2: {  	[smem:$0x3F92] =	sst lr;
	_ =	strace $0xD0000000  }
0x3: {  	_ = 	snop  }
0x4: {  	_ = 	snop  }
0x5: {  	_ = 	snop  }
0x6: {  	_ = 	snop  }
0x7: {  	_ = 	snop  }
__scs_overlays_trampoline_lowered:
0x8: {  	[smem:$0x3FA1] =	sst s0  }
0x9: {  	[smem:$0x3FA2] =	sst s1  }
0xa: {  	[smem:$0x3FA3] =	sst s2  }
0xb: {  	[smem:$0x3FA4] =	sst s3  }
0xc: {  	[smem:$0x3FA5] =	sst s4  }
0xd: {  	[smem:$0x3FA6] =	sst s5  }
0xe: {  	[smem:$0x3FA7] =	sst s6  }
0xf: {  	[smem:$0x3FA8] =	sst s7  }
0x10: {  	[smem:$0x3FA9] =	sst s8  }
0x11: {  	[smem:$0x3FAA] =	sst s9;
	s0 =	simm.s32 @!p0 $0x0  }
0x12: {  	s1 =	sld [smem:$0x3F90];
	s0 =	simm.s32 @p0 $0x1  }
0x13: {  	[smem:$0x3FAB] =	sst s0;
	s0 =	simm.s32 @!p1 $0x0  }
0x14: {  	s2 =	sld [smem:$0x3F8F];
	s0 =	simm.s32 @p1 $0x1  }
0x15: {  	[smem:$0x3FAC] =	sst s0;
	s0 =	simm.s32 @!p2 $0x0  }
0x16: {  	s3 =	sld [smem:$0x3FDB];
	s0 =	simm.s32 @p2 $0x1  }
0x17: {  	s4 =	simm.s32 $0x1BF5;
	[smem:$0x3FAE] =	sst s0  }
0x18: {  	s0 =	sld [smem:$0x3F91];
	_ =	swait.ge [sflag:s4], $0x0  }
0x19: {  	s7 =	sld [smem:$0x3F92]  }
0x1a: {  	s8 =	sadd.s32 $0xFFFFE003, lr  }
0x1b: {  	s9 =	sadd.s32 $0xFFFFFEF7, lr;
	s5 =	simm.s32 $0xFFFFFFFF;
	p2 =	slt.u32 s8, $0xFFFFF086  }
0x1c: {  	p1 =	slt.u32 s9, $0xF7A;
	s5 =	simm.s32 @!p2 $0x0  }
0x1d: {  	s5 =	simm.s32 @p1 $0x1;
	p0 =	seq.s32 s7, s2  }
0x1e: {  	s7 =	smul.u32 @!p0 $0xF7A, s2;
	p2 =	seq.s32 @!p0 s5, $0x0  }
0x1f: {  	s9 =	smul.u32 $0xF7A, s1;
	s8 =	simm.s32 @!p0 $0x1BF5;
	p2 =	por !p2, p0  }
0x20: {  	[sflag:s8] =	ssyncset.s32 @!p0 $0xFFFFF086;
	s6 =	sadd.s32 @!p0 s3, s7;
	s7 =	simm.s32 @!p0 $0x108  }
0x21: {  	s3 =	sadd.s32 s3, s9;
	s6 =	sadd.s32 @!p0 $0x88, s6;
	s7 =	simm.s32 @p2 $0x1082  }
0x22: {  	[simem:s7], [sflag:s8] =	dma.local @!p0 [hbm:s6], $0xF7A  }
0x23: {  	s9 =	sor.u32 $0xD0000000, s2;
	s6 =	simm.s32 $0x108;
	_ =	swait.ge @!p0 [sflag:s8], $0x0  }
0x24: {  	s3 =	sadd.s32 $0x88, s3;
	s6 =	simm.s32 @!p1 $0x1082;
	[sflag:s4] =	ssyncset.s32 $0xFFFFF086  }
0x25: {  	[simem:s6], [sflag:s4] =	dma.local [hbm:s3], $0xF7A  }
0x26: {  	[smem:$0x3F92] =	sst s1;
	(tag) =	ssettag s2;
	_ =	strace s9  }
0x27: {  	s1 =	sld [smem:$0x3FA2]  }
0x28: {  	s2 =	sld [smem:$0x3FA3]  }
0x29: {  	s4 =	sld [smem:$0x3FA5]  }
0x2a: {  	p0 =	seq.s32 s5, $0x0;
	s5 =	sld [smem:$0x3FA6]  }
0x2b: {  	s6 =	sld [smem:$0x3FA7]  }
0x2c: {  	s7 =	sld [smem:$0x3FA8]  }
0x2d: {  	s3 =	simm.s32 $0x108;
	s8 =	sld [smem:$0x3FA9]  }
0x2e: {  	s3 =	simm.s32 @!p0 $0x1082;
	s9 =	sld [smem:$0x3FAA]  }
0x2f: {  	lr =	sadd.s32 s0, s3;
	s0 =	sld [smem:$0x3FA1]  }
0x30: {  	s3 =	sld [smem:$0x3FA4]  }
0x31: {  	[smem:$0x3FAD] =	sst s10  }
0x32: {  	s10 =	sld [smem:$0x3FAB];
	_ =	sdelay $0x3  }
0x33: {  	p0 =	seq.s32 s10, $0x1;
	s10 =	sld [smem:$0x3FAD];
	_ =	sdelay $0x3  }
0x34: {  	[smem:$0x3FAD] =	sst s10  }
0x35: {  	s10 =	sld [smem:$0x3FAC];
	_ =	sdelay $0x3  }
0x36: {  	p1 =	seq.s32 s10, $0x1;
	s10 =	sld [smem:$0x3FAD];
	_ =	sdelay $0x3  }
0x37: {  	[smem:$0x3FAD] =	sst s10  }
0x38: {  	s10 =	sld [smem:$0x3FAE]  }
0x39: {  	_ = 	snop;
	(pc) =	sbr.ind lr, $3  }
0x3a: {  	_ = 	snop  }
0x3b: {  	_ = 	snop  }
0x3c: {  	p2 =	seq.s32 s10, $0x1;
	s10 =	sld [smem:$0x3FAD]  }
0x3d: {  	_ =	shalt  }
0x3e: {  	_ =	shalt  }
0x3f: {  	_ =	shalt  }
0x40: {  	_ =	shalt  }
0x41: {  	_ =	shalt  }
0x42: {  	_ =	shalt  }
0x43: {  	_ =	shalt  }
0x44: {  	_ =	shalt  }
0x45: {  	_ =	shalt  }
0x46: {  	_ =	shalt  }
0x47: {  	_ =	shalt  }
0x48: {  	_ =	shalt  }
0x49: {  	_ =	shalt  }
0x4a: {  	_ =	shalt  }
0x4b: {  	_ =	shalt  }
0x4c: {  	_ =	shalt  }
0x4d: {  	_ =	shalt  }
0x4e: {  	_ =	shalt  }
0x4f: {  	_ =	shalt  }
0x50: {  	_ =	shalt  }
0x51: {  	_ =	shalt  }
0x52: {  	_ =	shalt  }
0x53: {  	_ =	shalt  }
0x54: {  	_ =	shalt  }
0x55: {  	_ =	shalt  }
0x56: {  	_ =	shalt  }
0x57: {  	_ =	shalt  }
0x58: {  	_ =	shalt  }
0x59: {  	_ =	shalt  }
0x5a: {  	_ =	shalt  }
0x5b: {  	_ =	shalt  }
0x5c: {  	_ =	shalt  }
0x5d: {  	_ =	shalt  }
0x5e: {  	_ =	shalt  }
0x5f: {  	_ =	shalt  }
0x60: {  	_ =	shalt  }
0x61: {  	_ =	shalt  }
0x62: {  	_ =	shalt  }
0x63: {  	_ =	shalt  }
0x64: {  	_ =	shalt  }
0x65: {  	_ =	shalt  }
0x66: {  	_ =	shalt  }
0x67: {  	_ =	shalt  }
0x68: {  	_ =	shalt  }
0x69: {  	_ =	shalt  }
0x6a: {  	_ =	shalt  }
0x6b: {  	_ =	shalt  }
0x6c: {  	_ =	shalt  }
0x6d: {  	_ =	shalt  }
0x6e: {  	_ =	shalt  }
0x6f: {  	_ =	shalt  }
0x70: {  	_ =	shalt  }
0x71: {  	_ =	shalt  }
0x72: {  	_ =	shalt  }
0x73: {  	_ =	shalt  }
0x74: {  	_ =	shalt  }
0x75: {  	_ =	shalt  }
0x76: {  	_ =	shalt  }
0x77: {  	_ =	shalt  }
0x78: {  	_ =	shalt  }
0x79: {  	_ =	shalt  }
0x7a: {  	_ =	shalt  }
0x7b: {  	_ =	shalt  }
0x7c: {  	_ =	shalt  }
0x7d: {  	_ =	shalt  }
0x7e: {  	_ =	shalt  }
0x7f: {  	_ =	shalt  }
0x80: {  	_ =	shalt  }
0x81: {  	_ =	shalt  }
0x82: {  	_ =	shalt  }
0x83: {  	_ =	shalt  }
0x84: {  	_ =	shalt  }
0x85: {  	_ =	shalt  }
0x86: {  	_ =	shalt  }
0x87: {  	_ =	shalt  }
.Lfunc_end0:
.L_simem_size_0:
called_computation.3_lowered:
.L_overlay_start_0:
0x88: {  	s2 =	sld [smem:$0x3FD9]  }
0x89: {  	s3 =	sld [smem:$0x3FFE];
	_ =	sdelay $0x1  }
0x8a: {  	s1 =	srdreg.scid  }
0x8b: {  	s0 =	sand.u32 $0x1, s1  }
0x8c: {  	s16 =	sshll.u32 s0, $0xA;
	s2 =	sadd.s32 s3, s2  }
0x8d: {  	s2 =	sadd.s32 s2, s16  }
0x8e: {  	[smem:$0x3FB9] =	sst s2  }
0x8f: {  	_ = 	snop  }
0x90: {  	(tm) =	ssettm $0x1  }
0x91: {  	s17 =	sld [smem:$0x3FFB];
	_ =	sdelay $0x3  }
0x92: {  	_ =	strace s17  }
0x93: {  	s2 =	sld [smem:$0x3FFC];
	_ =	sdelay $0x3  }
0x94: {  	_ =	strace s2  }
0x95: {  	s2 =	sld [smem:$0x3FFD];
	_ =	sdelay $0x3  }
0x96: {  	_ =	strace s2  }
0x97: {  	_ =	strace $0x8FFFFFFF  }
0x98: {  	s18 =	sld [smem:$0x3FDB];
	_ =	sdelay $0x1  }
0x99: {  	s19 =	simm.s32 $_scs_section_size  }
0x9a: {  	s4 =	simm.s32 $_size__tile_overlayer_lowered;
	s5 =	simm.s32 $_tile_overlayer_lowered  }
0x9b: {  	s22 =	simm.s32 $0x1BFF;
	s21 =	sshll.u32 s5, $0x1;
	s2 =	sadd.s32 s19, s18  }
0x9c: {  	s6 =	simm.s32 $0x0;
	s20 =	sshll.u32 s4, $0x1;
	s4 =	sadd.s32 s21, s2  }
0x9d: {  	[timem:s6], [sflag:s22] =	dma.local [hbm:s4], s20  }
0x9e: {  	_ =	swait.ge [sflag:s22], s20  }
0x9f: {  	s3 =	ssub.s32 $0x0, s20;
	[sflag:s22] =	ssyncset.done $0x0  }
0xa0: {  	[sflag:s22] =	ssyncadd.s32 s3;
	_ =	sdelay $0x1  }
0xa1: {  	s23 =	simm.s32 $0x1B8B  }
0xa2: {  	_ =	swait.ge [sflag:s23], $0x1  }
0xa3: {  	[sflag:s23] =	ssyncset.done $0x0  }
0xa4: {  	s25 =	simm.s32 $0x1B8E;
	s24 =	sld [smem:$0x3FFE];
	[sflag:s23] =	ssyncadd.s32 $0xFFFFFFFF  }
0xa5: {  	s26 =	simm.s32 $execute0_lowered;
	[smem:$0x3FD2] =	sst s25  }
0xa6: {  	s4 =	sshll.u32 s26, $0x1;
	_ =	strace $0x8000004F;
	[dreg:$0x1] =	wrdreg $0xFFFFFFFF  }
0xa7: {  	s28 =	simm.s32 $_size_execute0_lowered;
	s2 =	sadd.s32 s2, s4;
	[dreg:$0x0] =	wrdreg $0x0  }
0xa8: {  	s4 =	sshll.u32 s28, $0x1;
	[dreg:$0x2] =	wrdreg s2  }
0xa9: {  	[dreg:$0x3] =	wrdreg s4  }
0xaa: {  	[dreg:$0x4] =	wrdreg $0xC0  }
0xab: {  	_ =	task [dreg:s6], $0x5FFFF  }
0xac: {  	[dreg:$0x1] =	wrdreg $0xFFFFFFFF  }
0xad: {  	[dreg:$0x0] =	wrdreg $0x60  }
0xae: {  	[dreg:$0x2] =	wrdreg s24  }
0xaf: {  	[dreg:$0x3] =	wrdreg $0x0  }
0xb0: {  	[dreg:$0x4] =	wrdreg $0x9  }
0xb1: {  	_ =	task.clear_ibuf [dreg:s6], $0x5FFFF;
	_ =	strace $0x9000004F  }
0xb2: {  	s29 =	simm.s32 $0x9;
	_ =	strace $0x80000051  }
0xb3: {  	_ =	swait.ge [sflag:s29], $0x1  }
0xb4: {  	[sflag:s29] =	ssyncadd.s32 $0xFFFFFFFF  }
0xb5: {  	_ =	strace $0x90000051  }
0xb6: {  	_ =	sfence  }
0xb7: {  	s30 =	sld [smem:$0x0];
	_ =	sdelay $0x2  }
0xb8: {  	s31 =	sshll.u32 s1, $0xD;
	s1 =	sshrl.u32 s1, $0x2  }
0xb9: {  	s3 =	sand.u32 $0x4000, s31;
	s1 =	sadd.s32 s1, s30  }
0xba: {  	s0 =	sor.u32 s3, s0;
	s1 =	sshll.u32 s1, $0x11  }
0xbb: {  	s0 =	sor.u32 s1, s0  }
0xbc: {  	s0 =	sadd.s32 $0x8F2B, s0  }
0xbd: {  	[sflag:s0] =	ssyncadd.remote.s32 $0x1  }
0xbe: {  	_ =	sfence.sel $0xFFFF  }
0xbf: {  	[dreg:$0x0] =	wrdreg $0xFFFFFFFF;
	(pc) =	sbr.abs _section_cstart, $3  }
0xc0: {  	[dreg:$0x1] =	wrdreg $0xFFFFFFFF  }
0xc1: {  	_ =	task.clear_ibuf [dreg:s6], $0x2FFFF;
	_ =	strace $0x9FFFFFFF  }
0xc2: {  	(tm) =	ssettm $0x7FFFFFFF  }
0xc3: {  	_ =	shalt  }
tec
execute0_lowered:
.L_overlay_start_1:
0x0: {  	(tag) =	ssettag $0x1  }
0x1: {  	s13 =	rddreg [dreg:$0x0]  }
0x2: {  	s2 =	rddreg [dreg:$0x1]  }
0x3: {  	s4 =	srdreg.scid;
	s0 =	stileid.u32  }
0x4: {  	s3 =	simm.s32 $0x0;
	s15 =	simm.s32 $0x37C00;
	s16 =	simm.s32 $0x1EAA0  }
0x5: {  	s19 =	simm.s32 $0x320;
	s24 =	simm.s32 $0x1;
	s25 =	simm.s32 $0x2  }
0x6: {  	s26 =	simm.s32 $0x3;
	s28 =	simm.s32 $0x0;
	s10 =	sand.u32 $0x1, s4  }
0x7: {  	s4 =	smul.u32 $0x186A0, s0;
	[smem:$0x7FF] =	sst s3;
	s5 =	sadd.s32 $0x19F4600, s13  }
0x8: {  	s31 =	sshll.u32 s0, $0x6;
	s6 =	smul.u32 $0x186A00, s10;
	s8 =	ssub.s32 $0x2, s10  }
0x9: {  	_ =	strace $0x80000050;
	p0 =	seq.s32 s10, $0x0;
	s9 =	sshrl.u32 s8, $0x1  }
0xa: {  	s14 =	sadd.s32 s4, s2;
	s17 =	sshrl.u32 s4, $0x3;
	s15 =	simm.s32 @!p0 $0x6E00  }
0xb: {  	s7 =	sadd.s32 s4, s6;
	s6 =	sadd.s32 $0x3C00, s13;
	s12 =	ssub.s32 s8, s9  }
.Ltmp0:
0xc: {  	s8 =	sadd.s32 s5, s17;
	s9 =	sadd.s32 $0x1A25340, s13;
	(pc) =	sbr.rel .LBB2_1-.Ltmp0, $4  }
0xd: {  	s22 =	sadd.s32 $0x64, s17;
	s14 =	sshrl.u32 s14, $0x3;
	s7 =	sshrl.u32 s7, $0x3  }
0xe: {  	s10 =	sadd.s32 s5, s22;
	s12 =	smax.u32 s12, $0x1;
	s17 =	sadd.s32 s17, s9  }
0xf: {  	s22 =	sadd.s32 s22, s9;
	s11 =	sadd.s32 s7, s13;
	s7 =	sor.u32 $0x1C04, s31  }
0x10: {  	s13 =	sadd.s32 s15, s13;
	s15 =	simm.s32 $0x4;
	s11 =	sadd.s32 $0x68A00, s11  }
.LBB2_5:
0x11: {  	_ =	swait.ge [sflag:s25], $0x3200  }
0x12: {  	s28 =	sadd.s32 $0x1, s28;
	[sflag:s25] =	ssyncset.done $0x0  }
0x13: {  	p0 =	sne.s32 s28, s12;
	[sflag:s25] =	ssyncadd.s32 $0xFFFFCE00  }
.Ltmp1:
0x14: {  	[bflag:$0x0] =	sbarrier.arrive $0xFFFF;
	(pc) =	sbr.rel @!p0 .LBB2_6-.Ltmp1, $4  }
0x15: {  	[hbm:s11], [sflag:s7] =	dma.local [spmem:s14], $0x30D4  }
0x16: {  	_ =	swait.ge [sflag:s15], $0x30D4  }
0x17: {  	[sflag:s15] =	ssyncset.done $0x0  }
0x18: {  	[sflag:s15] =	ssyncadd.s32 $0xFFFFCF2C  }
.LBB2_1:
0x19: {  	[spmem:s14], [sflag:s7] =	dma.local [hbm:s6], $0x30D4  }
0x1a: {  	_ =	swait.ge [sflag:s15], $0x30D4  }
0x1b: {  	[sflag:s15] =	ssyncset.done $0x0  }
0x1c: {  	[sflag:s15] =	ssyncadd.s32 $0xFFFFCF2C  }
0x1d: {  	[bflag:$0x0] =	sbarrier.arrive $0xFFFF  }
0x1e: {  	[tilespmem:s16], [sflag:$0x4] =	stream.linear.gather [hbm4b:s8+s3], $0x320, $0x38;
	[tilespmem:$0x1FA40] =	vst v63  }
0x1f: {  	_ =	swait.ge [sflag:s15], $0x320  }
0x20: {  	[sflag:s15] =	ssyncset.done $0x0  }
0x21: {  	s0 =	simm.s32 $0x1F0E0;
	[sflag:s15] =	ssyncadd.s32 $0xFFFFFCE0  }
0x22: {  	[tilespmem:s0], [sflag:$0x4] =	stream.linear.gather [hbm4b:s17+s3], $0x320, $0x38;
	[tilespmem:$0x1FA40] =	vst v63  }
0x23: {  	_ =	swait.ge [sflag:s15], $0x320  }
0x24: {  	[sflag:s15] =	ssyncset.done $0x0  }
0x25: {  	s23 =	simm.s32 $0x186A0;
	[sflag:s15] =	ssyncadd.s32 $0xFFFFFCE0  }
0x26: {  	[tilespmem:s23], [sflag:$0x1] =	stream.indirect.gather [hbm4b:s13+s19], $0x10, s16, s19, $0xb8;
	[tilespmem:$0x1FA40] =	vst v63  }
.Ltmp2:
0x27: {  	_ = 	snop;
	(pc) =	sbr.rel .LBB2_2-.Ltmp2, $4  }
0x28: {  	s30 =	simm.s32 $0x1EDC0  }
0x29: {  	[tilespmem:s30], [sflag:$0x3] =	stream.linear.gather [hbm4b:s10+s3], $0x320, $0x38;
	[tilespmem:$0x1FA40] =	vst v63  }
0x2a: {  	s31 =	simm.s32 $0x1F400;
	s29 =	simm.s32 $0x0  }
0x2b: {  	[tilespmem:s31], [sflag:$0x3] =	stream.linear.gather [hbm4b:s22+s3], $0x320, $0x38;
	[tilespmem:$0x1FA40] =	vst v63  }
.LBB2_4:
0x2c: {  	p0 =	sgt.u32 s29, $0x7A  }
0x2d: {  	s0 =	sadd.s32 @!p0 $0x2, s29  }
0x2e: {  	_ =	swait.ge [sflag:s24], $0x3200;
	s18 =	smul.u32 @!p0 $0x320, s0  }
0x2f: {  	s1 =	sand.u32 @!p0 $0x1, s29;
	[sflag:s24] =	ssyncset.done $0x0;
	s21 =	simm.s32 @!p0 $0x0  }
0x30: {  	p1 =	seq.s32 @!p0 s1, $0x1;
	s1 =	simm.s32 @!p0 $0x1EDC0;
	s18 =	sadd.s32 @!p0 s4, s18  }
0x31: {  	[sflag:s24] =	ssyncadd.s32 $0xFFFFCE00;
	p1 =	por !p1, p0;
	s18 =	sshrl.u32 @!p0 s18, $0x3  }
0x32: {  	s23 =	smul.u32 @!p0 $0xAB, s0;
	s1 =	simm.s32 @p1 $0x1EAA0;
	s20 =	sadd.s32 @!p0 s5, s18  }
0x33: {  	[tilespmem:s1], [sflag:$0x3] =	stream.linear.gather @!p0 [hbm4b:s20+s21], $0x320, $0x38;
	[tilespmem:$0x1FA40] =	vst v63  }
0x34: {  	s1 =	sshrl.u32 @!p0 s23, $0x9  }
0x35: {  	s23 =	smul.u32 $0xAB, s29;
	s1 =	sand.u32 @!p0 $0x7F, s1  }
0x36: {  	s1 =	smul.u32 @!p0 $0x3, s1  }
0x37: {  	s20 =	sshrl.u32 s23, $0x9  }
0x38: {  	s20 =	sand.u32 $0x7F, s20;
	s0 =	ssub.s32 @!p0 s0, s1  }
0x39: {  	s1 =	smul.u32 $0x3, s20;
	s0 =	sand.u32 @!p0 $0xFF, s0  }
0x3a: {  	s0 =	smul.u32 @!p0 $0xC80, s0;
	_ =	sdelay $0x1  }
0x3b: {  	s18 =	sadd.s32 @!p0 s9, s18;
	s1 =	ssub.s32 s29, s1;
	s0 =	sshrl.u32 @!p0 s0, $0x2  }
0x3c: {  	s23 =	smul.u32 $0xC800, s31;
	s1 =	sand.u32 $0xFF, s1;
	s0 =	sadd.s32 @!p0 $0x1F0E0, s0  }
0x3d: {  	[tilespmem:s0], [sflag:$0x3] =	stream.linear.gather @!p0 [hbm4b:s18+s21], $0x320, $0x38;
	[tilespmem:$0x1FA40] =	vst v63  }
0x3e: {  	s1 =	smul.u32 $0xC80, s1;
	p0 =	slt.u32 s30, $0x7D  }
.Ltmp3:
0x3f: {  	_ = 	snop;
	(pc) =	sbr.rel @!p0 .LBB2_5-.Ltmp3, $4  }
0x40: {  	_ = 	snop  }
0x41: {  	s31 =	sshrl.u32 s23, $0x2;
	s1 =	sshrl.u32 s1, $0x2  }
0x42: {  	s29 =	smov.u32 s30;
	s0 =	sadd.s32 $0x186A0, s31;
	s1 =	sadd.s32 $0x1F0E0, s1  }
0x43: {  	[spmem:s2] =	stream.indirect.scatter.add.f32 [tilespmem:s0], [sflag:$0x2], $0x10, s1, s19, $0xb8;
	[tilespmem:$0x1FA40] =	vst v63  }
.LBB2_2:
0x44: {  	p0 =	seq.s32 s29, $0x0  }
0x45: {  	p1 =	seq.s32 @!p0 s29, $0x7C  }
0x46: {  	p1 =	por p0, !p1  }
.Ltmp4:
0x47: {  	_ = 	snop;
	(pc) =	sbr.rel @!p1 .LBB2_4-.Ltmp4, $4  }
0x48: {  	s30 =	simm.s32 @!p0 $0x2  }
0x49: {  	_ =	swait.ge @!p0 [sflag:s30], $0x3200  }
0x4a: {  	[sflag:s30] =	ssyncset.done @!p0 $0x0  }
0x4b: {  	s31 =	sand.u32 $0x1, s29;
	[sflag:s30] =	ssyncadd.s32 @!p0 $0xFFFFCE00;
	s30 =	simm.s32 @!p0 $0x7D  }
0x4c: {  	_ =	swait.ge [sflag:s26], $0x320;
	s0 =	sxor.u32 $0x1, s31  }
0x4d: {  	s30 =	sadd.s32 @!p0 $0x1, s29;
	[sflag:s26] =	ssyncset.done $0x0;
	s0 =	smul.u32 $0xC800, s0  }
.Ltmp5:
0x4e: {  	s30 =	simm.s32 @p0 $0x1;
	[sflag:s26] =	ssyncadd.s32 $0xFFFFFCE0;
	(pc) =	sbr.rel .LBB2_4-.Ltmp5, $4  }
0x4f: {  	s1 =	sand.u32 $0x1, s30;
	_ =	swait.ge [sflag:s26], $0x320;
	s0 =	sshrl.u32 s0, $0x2  }
0x50: {  	p0 =	seq.s32 s1, $0x1;
	s1 =	simm.s32 $0x1EDC0;
	[sflag:s26] =	ssyncset.done $0x0  }
0x51: {  	s0 =	sadd.s32 $0x186A0, s0;
	s1 =	simm.s32 @!p0 $0x1EAA0;
	[sflag:s26] =	ssyncadd.s32 $0xFFFFFCE0  }
0x52: {  	[tilespmem:s0], [sflag:$0x1] =	stream.indirect.gather [hbm4b:s13+s19], $0x10, s1, s19, $0xb8;
	[tilespmem:$0x1FA40] =	vst v63  }
.LBB2_6:
0x53: {  	_ =	sfence.sel $0x180000  }
0x54: {  	[bflag:$0x0] =	sbarrier.arrive $0xFFFF  }
0x55: {  	_ =	strace $0x90000050  }
0x56: {  	s0 =	stileid.u32;
	[bflag:$0x2] =	sbarrier.arrive $0xFFFF  }
0x57: {  	p0 =	sne.s32 s0, $0x0;
	s0 =	rddreg [dreg:$0x2]  }
0x58: {  	s0 =	sadd.s32 @!p0 $0x100000, s0  }
0x59: {  	[sflag:s0] =	ssyncadd.tile.s32 @!p0 $0x1;
	_ =	shalt  }
.Lfunc_end2:
_tile_overlayer_lowered:
.L_overlay_start_2:
0x5a: {  	(tag) =	ssettag $0x2  }
0x5b: {  	s0 =	rddreg [dreg:$0x0];
	s2 =	stileid.u32  }
0x5c: {  	s1 =	rddreg [dreg:$0x1];
	p0 =	sne.s32 s2, $0x0  }
0x5d: {  	s3 =	rddreg [dreg:$0x2];
	[bflag:$0x3] =	sbarrier.arrive $0xFFFF;
	s2 =	simm.s32 @!p0 $0x1C04  }
0x5e: {  	[timem:s3], [sflag:s2] =	dma.local @!p0 [hbm:s0], s1  }
0x5f: {  	s0 =	simm.s32 @!p0 $0x4  }
0x60: {  	_ =	swait.ge @!p0 [sflag:s0], s1  }
0x61: {  	s1 =	ssub.s32 @!p0 $0x0, s1;
	[sflag:s0] =	ssyncset.done @!p0 $0x0  }
0x62: {  	[sflag:s0] =	ssyncadd.s32 @!p0 s1  }
0x63: {  	[bflag:$0x3] =	sbarrier.arrive $0xFFFF  }
0x64: {  	_ =	shalt  }

// kernel: kernel.8.cloned.1.call-start
scs
__scs_entry_jumppad:
0x0: {  	(pc) =	sbr.rel $0x88, $3  }
0x1: {  	(tag) =	ssettag $0x0;
	lr =	simm.s32 $0x1  }
0x2: {  	[smem:$0x3F92] =	sst lr;
	_ =	strace $0xD0000000  }
0x3: {  	_ = 	snop  }
0x4: {  	_ = 	snop  }
0x5: {  	_ = 	snop  }
0x6: {  	_ = 	snop  }
0x7: {  	_ = 	snop  }
__scs_overlays_trampoline_lowered:
0x8: {  	[smem:$0x3FA1] =	sst s0  }
0x9: {  	[smem:$0x3FA2] =	sst s1  }
0xa: {  	[smem:$0x3FA3] =	sst s2  }
0xb: {  	[smem:$0x3FA4] =	sst s3  }
0xc: {  	[smem:$0x3FA5] =	sst s4  }
0xd: {  	[smem:$0x3FA6] =	sst s5  }
0xe: {  	[smem:$0x3FA7] =	sst s6  }
0xf: {  	[smem:$0x3FA8] =	sst s7  }
0x10: {  	[smem:$0x3FA9] =	sst s8  }
0x11: {  	[smem:$0x3FAA] =	sst s9;
	s0 =	simm.s32 @!p0 $0x0  }
0x12: {  	s1 =	sld [smem:$0x3F90];
	s0 =	simm.s32 @p0 $0x1  }
0x13: {  	[smem:$0x3FAB] =	sst s0;
	s0 =	simm.s32 @!p1 $0x0  }
0x14: {  	s2 =	sld [smem:$0x3F8F];
	s0 =	simm.s32 @p1 $0x1  }
0x15: {  	[smem:$0x3FAC] =	sst s0;
	s0 =	simm.s32 @!p2 $0x0  }
0x16: {  	s3 =	sld [smem:$0x3FDB];
	s0 =	simm.s32 @p2 $0x1  }
0x17: {  	s4 =	simm.s32 $0x1BF5;
	[smem:$0x3FAE] =	sst s0  }
0x18: {  	s0 =	sld [smem:$0x3F91];
	_ =	swait.ge [sflag:s4], $0x0  }
0x19: {  	s7 =	sld [smem:$0x3F92]  }
0x1a: {  	s8 =	sadd.s32 $0xFFFFE003, lr  }
0x1b: {  	s9 =	sadd.s32 $0xFFFFFEF7, lr;
	s5 =	simm.s32 $0xFFFFFFFF;
	p2 =	slt.u32 s8, $0xFFFFF086  }
0x1c: {  	p1 =	slt.u32 s9, $0xF7A;
	s5 =	simm.s32 @!p2 $0x0  }
0x1d: {  	s5 =	simm.s32 @p1 $0x1;
	p0 =	seq.s32 s7, s2  }
0x1e: {  	s7 =	smul.u32 @!p0 $0xF7A, s2;
	p2 =	seq.s32 @!p0 s5, $0x0  }
0x1f: {  	s9 =	smul.u32 $0xF7A, s1;
	s8 =	simm.s32 @!p0 $0x1BF5;
	p2 =	por !p2, p0  }
0x20: {  	[sflag:s8] =	ssyncset.s32 @!p0 $0xFFFFF086;
	s6 =	sadd.s32 @!p0 s3, s7;
	s7 =	simm.s32 @!p0 $0x108  }
0x21: {  	s3 =	sadd.s32 s3, s9;
	s6 =	sadd.s32 @!p0 $0x88, s6;
	s7 =	simm.s32 @p2 $0x1082  }
0x22: {  	[simem:s7], [sflag:s8] =	dma.local @!p0 [hbm:s6], $0xF7A  }
0x23: {  	s9 =	sor.u32 $0xD0000000, s2;
	s6 =	simm.s32 $0x108;
	_ =	swait.ge @!p0 [sflag:s8], $0x0  }
0x24: {  	s3 =	sadd.s32 $0x88, s3;
	s6 =	simm.s32 @!p1 $0x1082;
	[sflag:s4] =	ssyncset.s32 $0xFFFFF086  }
0x25: {  	[simem:s6], [sflag:s4] =	dma.local [hbm:s3], $0xF7A  }
0x26: {  	[smem:$0x3F92] =	sst s1;
	(tag) =	ssettag s2;
	_ =	strace s9  }
0x27: {  	s1 =	sld [smem:$0x3FA2]  }
0x28: {  	s2 =	sld [smem:$0x3FA3]  }
0x29: {  	s4 =	sld [smem:$0x3FA5]  }
0x2a: {  	p0 =	seq.s32 s5, $0x0;
	s5 =	sld [smem:$0x3FA6]  }
0x2b: {  	s6 =	sld [smem:$0x3FA7]  }
0x2c: {  	s7 =	sld [smem:$0x3FA8]  }
0x2d: {  	s3 =	simm.s32 $0x108;
	s8 =	sld [smem:$0x3FA9]  }
0x2e: {  	s3 =	simm.s32 @!p0 $0x1082;
	s9 =	sld [smem:$0x3FAA]  }
0x2f: {  	lr =	sadd.s32 s0, s3;
	s0 =	sld [smem:$0x3FA1]  }
0x30: {  	s3 =	sld [smem:$0x3FA4]  }
0x31: {  	[smem:$0x3FAD] =	sst s10  }
0x32: {  	s10 =	sld [smem:$0x3FAB];
	_ =	sdelay $0x3  }
0x33: {  	p0 =	seq.s32 s10, $0x1;
	s10 =	sld [smem:$0x3FAD];
	_ =	sdelay $0x3  }
0x34: {  	[smem:$0x3FAD] =	sst s10  }
0x35: {  	s10 =	sld [smem:$0x3FAC];
	_ =	sdelay $0x3  }
0x36: {  	p1 =	seq.s32 s10, $0x1;
	s10 =	sld [smem:$0x3FAD];
	_ =	sdelay $0x3  }
0x37: {  	[smem:$0x3FAD] =	sst s10  }
0x38: {  	s10 =	sld [smem:$0x3FAE]  }
0x39: {  	_ = 	snop;
	(pc) =	sbr.ind lr, $3  }
0x3a: {  	_ = 	snop  }
0x3b: {  	_ = 	snop  }
0x3c: {  	p2 =	seq.s32 s10, $0x1;
	s10 =	sld [smem:$0x3FAD]  }
0x3d: {  	_ =	shalt  }
0x3e: {  	_ =	shalt  }
0x3f: {  	_ =	shalt  }
0x40: {  	_ =	shalt  }
0x41: {  	_ =	shalt  }
0x42: {  	_ =	shalt  }
0x43: {  	_ =	shalt  }
0x44: {  	_ =	shalt  }
0x45: {  	_ =	shalt  }
0x46: {  	_ =	shalt  }
0x47: {  	_ =	shalt  }
0x48: {  	_ =	shalt  }
0x49: {  	_ =	shalt  }
0x4a: {  	_ =	shalt  }
0x4b: {  	_ =	shalt  }
0x4c: {  	_ =	shalt  }
0x4d: {  	_ =	shalt  }
0x4e: {  	_ =	shalt  }
0x4f: {  	_ =	shalt  }
0x50: {  	_ =	shalt  }
0x51: {  	_ =	shalt  }
0x52: {  	_ =	shalt  }
0x53: {  	_ =	shalt  }
0x54: {  	_ =	shalt  }
0x55: {  	_ =	shalt  }
0x56: {  	_ =	shalt  }
0x57: {  	_ =	shalt  }
0x58: {  	_ =	shalt  }
0x59: {  	_ =	shalt  }
0x5a: {  	_ =	shalt  }
0x5b: {  	_ =	shalt  }
0x5c: {  	_ =	shalt  }
0x5d: {  	_ =	shalt  }
0x5e: {  	_ =	shalt  }
0x5f: {  	_ =	shalt  }
0x60: {  	_ =	shalt  }
0x61: {  	_ =	shalt  }
0x62: {  	_ =	shalt  }
0x63: {  	_ =	shalt  }
0x64: {  	_ =	shalt  }
0x65: {  	_ =	shalt  }
0x66: {  	_ =	shalt  }
0x67: {  	_ =	shalt  }
0x68: {  	_ =	shalt  }
0x69: {  	_ =	shalt  }
0x6a: {  	_ =	shalt  }
0x6b: {  	_ =	shalt  }
0x6c: {  	_ =	shalt  }
0x6d: {  	_ =	shalt  }
0x6e: {  	_ =	shalt  }
0x6f: {  	_ =	shalt  }
0x70: {  	_ =	shalt  }
0x71: {  	_ =	shalt  }
0x72: {  	_ =	shalt  }
0x73: {  	_ =	shalt  }
0x74: {  	_ =	shalt  }
0x75: {  	_ =	shalt  }
0x76: {  	_ =	shalt  }
0x77: {  	_ =	shalt  }
0x78: {  	_ =	shalt  }
0x79: {  	_ =	shalt  }
0x7a: {  	_ =	shalt  }
0x7b: {  	_ =	shalt  }
0x7c: {  	_ =	shalt  }
0x7d: {  	_ =	shalt  }
0x7e: {  	_ =	shalt  }
0x7f: {  	_ =	shalt  }
0x80: {  	_ =	shalt  }
0x81: {  	_ =	shalt  }
0x82: {  	_ =	shalt  }
0x83: {  	_ =	shalt  }
0x84: {  	_ =	shalt  }
0x85: {  	_ =	shalt  }
0x86: {  	_ =	shalt  }
0x87: {  	_ =	shalt  }
.Lfunc_end0:
.L_simem_size_0:
called_computation.1_lowered:
.L_overlay_start_0:
0x88: {  	s2 =	sld [smem:$0x3FD9]  }
0x89: {  	s3 =	sld [smem:$0x3FFE];
	_ =	sdelay $0x1  }
0x8a: {  	s1 =	srdreg.scid  }
0x8b: {  	s0 =	sand.u32 $0x1, s1  }
0x8c: {  	s16 =	sshll.u32 s0, $0xA;
	s2 =	sadd.s32 s3, s2  }
0x8d: {  	s2 =	sadd.s32 s2, s16  }
0x8e: {  	[smem:$0x3FB9] =	sst s2  }
0x8f: {  	_ = 	snop  }
0x90: {  	(tm) =	ssettm $0x1  }
0x91: {  	s17 =	sld [smem:$0x3FFB];
	_ =	sdelay $0x3  }
0x92: {  	_ =	strace s17  }
0x93: {  	s2 =	sld [smem:$0x3FFC];
	_ =	sdelay $0x3  }
0x94: {  	_ =	strace s2  }
0x95: {  	s2 =	sld [smem:$0x3FFD];
	_ =	sdelay $0x3  }
0x96: {  	_ =	strace s2  }
0x97: {  	_ =	strace $0x8FFFFFFF  }
0x98: {  	s18 =	sld [smem:$0x3FDB];
	_ =	sdelay $0x1  }
0x99: {  	s19 =	simm.s32 $_scs_section_size  }
0x9a: {  	s4 =	simm.s32 $_size__tile_overlayer_lowered;
	s5 =	simm.s32 $_tile_overlayer_lowered  }
0x9b: {  	s22 =	simm.s32 $0x1BFF;
	s21 =	sshll.u32 s5, $0x1;
	s2 =	sadd.s32 s19, s18  }
0x9c: {  	s6 =	simm.s32 $0x0;
	s20 =	sshll.u32 s4, $0x1;
	s4 =	sadd.s32 s21, s2  }
0x9d: {  	[timem:s6], [sflag:s22] =	dma.local [hbm:s4], s20  }
0x9e: {  	_ =	swait.ge [sflag:s22], s20  }
0x9f: {  	s3 =	ssub.s32 $0x0, s20;
	[sflag:s22] =	ssyncset.done $0x0  }
0xa0: {  	[sflag:s22] =	ssyncadd.s32 s3;
	_ =	sdelay $0x1  }
0xa1: {  	s23 =	simm.s32 $0x1B8B  }
0xa2: {  	_ =	swait.ge [sflag:s23], $0x1  }
0xa3: {  	[sflag:s23] =	ssyncset.done $0x0  }
0xa4: {  	s25 =	simm.s32 $0x1B8E;
	s24 =	sld [smem:$0x3FFE];
	[sflag:s23] =	ssyncadd.s32 $0xFFFFFFFF  }
0xa5: {  	s26 =	simm.s32 $execute0_lowered;
	[smem:$0x3FD2] =	sst s25  }
0xa6: {  	s4 =	sshll.u32 s26, $0x1;
	_ =	strace $0x80000049;
	[dreg:$0x1] =	wrdreg $0xFFFFFFFF  }
0xa7: {  	s28 =	simm.s32 $_size_execute0_lowered;
	s2 =	sadd.s32 s2, s4;
	[dreg:$0x0] =	wrdreg $0x0  }
0xa8: {  	s4 =	sshll.u32 s28, $0x1;
	[dreg:$0x2] =	wrdreg s2  }
0xa9: {  	[dreg:$0x3] =	wrdreg s4  }
0xaa: {  	[dreg:$0x4] =	wrdreg $0xC0  }
0xab: {  	_ =	task [dreg:s6], $0x5FFFF  }
0xac: {  	[dreg:$0x1] =	wrdreg $0xFFFFFFFF  }
0xad: {  	[dreg:$0x0] =	wrdreg $0x60  }
0xae: {  	[dreg:$0x2] =	wrdreg s24  }
0xaf: {  	[dreg:$0x3] =	wrdreg $0x0  }
0xb0: {  	[dreg:$0x4] =	wrdreg $0x9  }
0xb1: {  	_ =	task.clear_ibuf [dreg:s6], $0x5FFFF;
	_ =	strace $0x90000049  }
0xb2: {  	s29 =	simm.s32 $0x9;
	_ =	strace $0x8000004B  }
0xb3: {  	_ =	swait.ge [sflag:s29], $0x1  }
0xb4: {  	[sflag:s29] =	ssyncadd.s32 $0xFFFFFFFF  }
0xb5: {  	_ =	strace $0x9000004B  }
0xb6: {  	_ =	sfence  }
0xb7: {  	s30 =	sld [smem:$0x0];
	_ =	sdelay $0x2  }
0xb8: {  	s31 =	sshll.u32 s1, $0xD;
	s1 =	sshrl.u32 s1, $0x2  }
0xb9: {  	s3 =	sand.u32 $0x4000, s31;
	s1 =	sadd.s32 s1, s30  }
0xba: {  	s0 =	sor.u32 s3, s0;
	s1 =	sshll.u32 s1, $0x11  }
0xbb: {  	s0 =	sor.u32 s1, s0  }
0xbc: {  	s0 =	sadd.s32 $0x8F2B, s0  }
0xbd: {  	[sflag:s0] =	ssyncadd.remote.s32 $0x1  }
0xbe: {  	_ =	sfence.sel $0xFFFF  }
0xbf: {  	[dreg:$0x0] =	wrdreg $0xFFFFFFFF;
	(pc) =	sbr.abs _section_cstart, $3  }
0xc0: {  	[dreg:$0x1] =	wrdreg $0xFFFFFFFF  }
0xc1: {  	_ =	task.clear_ibuf [dreg:s6], $0x2FFFF;
	_ =	strace $0x9FFFFFFF  }
0xc2: {  	(tm) =	ssettm $0x7FFFFFFF  }
0xc3: {  	_ =	shalt  }
tec
execute0_lowered:
.L_overlay_start_1:
0x0: {  	(tag) =	ssettag $0x1  }
0x1: {  	s7 =	rddreg [dreg:$0x0];
	s0 =	srdreg.scid  }
0x2: {  	s2 =	rddreg [dreg:$0x1];
	s1 =	stileid.u32  }
0x3: {  	s3 =	simm.s32 $0x0;
	s14 =	simm.s32 $0x101D0;
	s16 =	simm.s32 $0x128E0  }
0x4: {  	s17 =	simm.s32 $0xC350;
	s18 =	simm.s32 $0x1;
	s19 =	simm.s32 $0x3E8  }
0x5: {  	s20 =	simm.s32 $0x2;
	s5 =	sand.u32 $0x1, s0;
	s0 =	rddreg [dreg:$0x2]  }
0x6: {  	s21 =	simm.s32 $0x0;
	s6 =	smul.u32 $0xC350, s1;
	[smem:$0x7FF] =	sst s3  }
0x7: {  	s31 =	sshll.u32 s1, $0x6;
	s4 =	sshll.u32 s5, $0x4;
	s8 =	smul.u32 $0xC3500, s5  }
0x8: {  	_ =	strace $0x8000004A;
	s10 =	ssub.s32 $0x2, s5;
	s5 =	sadd.s32 $0x18A600, s7  }
0x9: {  	s4 =	sor.u32 s1, s4;
	s30 =	sshrl.u32 s10, $0x1;
	s12 =	sadd.s32 s6, s2  }
0xa: {  	s4 =	smul.u32 $0xC350, s4;
	s8 =	sadd.s32 s6, s8;
	s10 =	ssub.s32 s10, s30  }
.Ltmp0:
0xb: {  	s6 =	sor.u32 $0x1C04, s31;
	s8 =	sshrl.u32 s8, $0x3;
	(pc) =	sbr.rel .LBB2_1-.Ltmp0, $4  }
0xc: {  	s10 =	smax.u32 s10, $0x1;
	s9 =	sadd.s32 s4, s7;
	s13 =	sshrl.u32 s4, $0x3  }
0xd: {  	s11 =	sadd.s32 s8, s7;
	s7 =	sadd.s32 $0x1A25340, s7;
	s15 =	sadd.s32 $0x4E2, s13  }
0xe: {  	s8 =	sadd.s32 $0x3C00, s9;
	s9 =	sadd.s32 $0x18C000, s11;
	s11 =	sshrl.u32 s12, $0x3  }
0xf: {  	s12 =	simm.s32 $0x4;
	s13 =	sadd.s32 s13, s7;
	s15 =	sadd.s32 s15, s7  }
.LBB2_10:
0x10: {  	_ =	swait.ge [sflag:s20], $0x1F40  }
0x11: {  	s21 =	sadd.s32 $0x1, s21;
	[sflag:s20] =	ssyncset.done $0x0  }
0x12: {  	p0 =	sne.s32 s21, s10;
	[sflag:s20] =	ssyncadd.s32 $0xFFFFE0C0  }
.Ltmp1:
0x13: {  	[bflag:$0x0] =	sbarrier.arrive $0xFFFF;
	(pc) =	sbr.rel @!p0 .LBB2_11-.Ltmp1, $4  }
0x14: {  	[hbm:s9], [sflag:s6] =	dma.local [spmem:s11], $0x186A  }
0x15: {  	_ =	swait.ge [sflag:s12], $0x186A  }
0x16: {  	[sflag:s12] =	ssyncset.done $0x0  }
0x17: {  	[sflag:s12] =	ssyncadd.s32 $0xFFFFE796  }
.LBB2_1:
0x18: {  	[spmem:s11], [sflag:s6] =	dma.local [hbm:s5], $0x186A  }
0x19: {  	_ =	swait.ge [sflag:s12], $0x186A  }
0x1a: {  	[sflag:s12] =	ssyncset.done $0x0  }
0x1b: {  	[sflag:s12] =	ssyncadd.s32 $0xFFFFE796  }
0x1c: {  	[bflag:$0x0] =	sbarrier.arrive $0xFFFF  }
0x1d: {  	[tilespmem:s14], [sflag:$0x4] =	stream.linear.gather [hbm4b:s13+s3], $0x2710, $0x38;
	[tilespmem:$0x14FF0] =	vst v63  }
0x1e: {  	_ =	swait.ge [sflag:s12], $0x2710  }
.Ltmp2:
0x1f: {  	[sflag:s12] =	ssyncset.done $0x0;
	(pc) =	sbr.rel .LBB2_2-.Ltmp2, $4  }
0x20: {  	[sflag:s12] =	ssyncadd.s32 $0xFFFFD8F0  }
0x21: {  	[tilespmem:s16], [sflag:$0x3] =	stream.linear.gather [hbm4b:s15+s3], $0x2710, $0x38;
	[tilespmem:$0x14FF0] =	vst v63  }
0x22: {  	s25 =	simm.s32 $0x0  }
0x23: {  	[tilespmem:s17], [sflag:$0x1] =	stream.linear.gather [hbm4b:s8+s3], $0x1F40, $0x38;
	[tilespmem:$0x14FF0] =	vst v63  }
.LBB2_3:
0x24: {  	s26 =	simm.s32 $0x1  }
.LBB2_8:
0x25: {  	s25 =	sxor.u32 $0x1, s23  }
0x26: {  	s25 =	smul.u32 $0x7D00, s25  }
0x27: {  	s28 =	smul.u32 $0x3E8, s26  }
0x28: {  	s25 =	sshrl.u32 s25, $0x2  }
0x29: {  	s28 =	sadd.s32 s28, s8;
	s25 =	sadd.s32 $0xC350, s25  }
0x2a: {  	[tilespmem:s25], [sflag:$0x1] =	stream.linear.gather [hbm4b:s28+s3], $0x1F40, $0x38;
	[tilespmem:$0x14FF0] =	vst v63  }
.LBB2_9:
0x2b: {  	s24 =	sand.u32 $0xFF, s24;
	s22 =	sand.u32 $0x1, s22  }
0x2c: {  	s23 =	smul.u32 $0x7D00, s23;
	p0 =	seq.s32 s22, $0x1;
	s22 =	simm.s32 $0x2710  }
0x2d: {  	s24 =	smul.u32 $0xFA0, s24;
	s22 =	simm.s32 @!p0 $0x0;
	p0 =	slt.u32 s26, $0x32  }
.Ltmp3:
0x2e: {  	_ = 	snop;
	(pc) =	sbr.rel @!p0 .LBB2_10-.Ltmp3, $4  }
0x2f: {  	_ =	swait.ge [sflag:s18], $0x1F40;
	s25 =	smov.u32 s26;
	s24 =	sshrl.u32 s24, $0x2  }
0x30: {  	[sflag:s18] =	ssyncset.done $0x0;
	s23 =	sshrl.u32 s23, $0x2;
	s22 =	sadd.s32 s24, s22  }
0x31: {  	[sflag:s18] =	ssyncadd.s32 $0xFFFFE0C0;
	s23 =	sadd.s32 $0xC350, s23;
	s22 =	sadd.s32 $0x101D0, s22  }
0x32: {  	[spmem:s2] =	stream.indirect.scatter.add.f32 [tilespmem:s23], [sflag:$0x2], $0x8, s22, s19, $0xb8;
	[tilespmem:$0x14FF0] =	vst v63  }
.LBB2_2:
0x33: {  	s22 =	smul.u32 $0xCD, s25  }
0x34: {  	p0 =	seq.s32 s25, $0x0  }
.Ltmp4:
0x35: {  	s22 =	sshrl.u32 s22, $0xB;
	(pc) =	sbr.rel @p0 .LBB2_3-.Ltmp4, $3  }
0x36: {  	s22 =	sand.u32 $0x1F, s22  }
0x37: {  	s24 =	smul.u32 $0xA, s22;
	_ =	sdelay $0x1  }
0x38: {  	s23 =	sand.u32 $0x1, s25;
	s24 =	ssub.s32 s25, s24  }
0x39: {  	p0 =	slt.u32 s25, $0xA  }
0x3a: {  	s26 =	sand.u32 @!p0 $0xFF, s24  }
0x3b: {  	p1 =	sne.s32 @!p0 s26, $0x0  }
0x3c: {  	p0 =	por p0, p1  }
0x3d: {  	p1 =	sgt.u32 @!p0 s25, $0x27  }
0x3e: {  	_ =	swait.ge [sflag:s20], $0x1F40;
	p1 =	por p0, p1  }
.Ltmp5:
0x3f: {  	[sflag:s20] =	ssyncset.done $0x0;
	(pc) =	sbr.rel @p1 .LBB2_6-.Ltmp5, $4  }
0x40: {  	[sflag:s20] =	ssyncadd.s32 $0xFFFFE0C0;
	s26 =	simm.s32 @!p0 $0x3  }
0x41: {  	_ =	swait.ge @!p0 [sflag:s26], $0x2710  }
0x42: {  	[sflag:s26] =	ssyncset.done @!p0 $0x0  }
0x43: {  	[sflag:s26] =	ssyncadd.s32 @!p0 $0xFFFFD8F0  }
0x44: {  	s26 =	sadd.s32 $0x1, s22  }
0x45: {  	s28 =	smul.u32 $0x2710, s26;
	_ =	sdelay $0x1  }
.Ltmp6:
0x46: {  	s26 =	sand.u32 $0x1, s26;
	s28 =	sadd.s32 s4, s28;
	(pc) =	sbr.rel .LBB2_8-.Ltmp6, $4  }
0x47: {  	p0 =	seq.s32 s26, $0x1;
	s26 =	simm.s32 $0x128E0;
	s28 =	sshrl.u32 s28, $0x3  }
0x48: {  	s26 =	simm.s32 @!p0 $0x101D0;
	s28 =	sadd.s32 s7, s28  }
0x49: {  	[tilespmem:s26], [sflag:$0x3] =	stream.linear.gather [hbm4b:s28+s3], $0x2710, $0x38;
	[tilespmem:$0x14FF0] =	vst v63  }
0x4a: {  	s26 =	sadd.s32 $0x1, s25  }
.LBB2_6:
0x4b: {  	p0 =	seq.s32 s25, $0x31  }
.Ltmp7:
0x4c: {  	_ = 	snop;
	(pc) =	sbr.rel @p0 .LBB2_9-.Ltmp7, $2  }
0x4d: {  	_ =	sdelay $0x2  }
0x4e: {  	s26 =	simm.s32 $0x32  }
.Ltmp8:
0x4f: {  	(pc) =	sbr.rel .LBB2_8-.Ltmp8, $2  }
0x50: {  	_ =	sdelay $0x2  }
0x51: {  	s26 =	sadd.s32 $0x1, s25  }
.LBB2_11:
0x52: {  	_ =	sfence.sel $0x180000  }
0x53: {  	[bflag:$0x0] =	sbarrier.arrive $0xFFFF  }
0x54: {  	p0 =	sne.s32 s1, $0x0;
	_ =	strace $0x9000004A  }
0x55: {  	s0 =	sadd.s32 @!p0 $0x100000, s0;
	[bflag:$0x2] =	sbarrier.arrive $0xFFFF  }
0x56: {  	[sflag:s0] =	ssyncadd.tile.s32 @!p0 $0x1;
	_ =	shalt  }
.Lfunc_end2:
_tile_overlayer_lowered:
.L_overlay_start_2:
0x57: {  	(tag) =	ssettag $0x2  }
0x58: {  	s0 =	rddreg [dreg:$0x0];
	s2 =	stileid.u32  }
0x59: {  	s1 =	rddreg [dreg:$0x1];
	p0 =	sne.s32 s2, $0x0  }
0x5a: {  	s3 =	rddreg [dreg:$0x2];
	[bflag:$0x3] =	sbarrier.arrive $0xFFFF;
	s2 =	simm.s32 @!p0 $0x1C04  }
0x5b: {  	[timem:s3], [sflag:s2] =	dma.local @!p0 [hbm:s0], s1  }
0x5c: {  	s0 =	simm.s32 @!p0 $0x4  }
0x5d: {  	_ =	swait.ge @!p0 [sflag:s0], s1  }
0x5e: {  	s1 =	ssub.s32 @!p0 $0x0, s1;
	[sflag:s0] =	ssyncset.done @!p0 $0x0  }
0x5f: {  	[sflag:s0] =	ssyncadd.s32 @!p0 s1  }
0x60: {  	[bflag:$0x3] =	sbarrier.arrive $0xFFFF  }
0x61: {  	_ =	shalt  }

// kernel: sparse-core-data-format-call.cloned.1.call-start
scs
called_computation_lowered:
.L_overlay_start_0:
0x0: {  	s1 =	sld [smem:$0x3FD9]  }
0x1: {  	s2 =	sld [smem:$0x3FFE];
	_ =	sdelay $0x1  }
0x2: {  	s3 =	srdreg.scid  }
0x3: {  	s0 =	sand.u32 $0x1, s3  }
0x4: {  	s17 =	sshll.u32 s0, $0xA;
	s1 =	sadd.s32 s2, s1  }
0x5: {  	s1 =	sadd.s32 s1, s17  }
0x6: {  	[smem:$0x3FB9] =	sst s1  }
0x7: {  	_ = 	snop  }
0x8: {  	(tm) =	ssettm $0x1  }
0x9: {  	s18 =	sld [smem:$0x3FFB];
	_ =	sdelay $0x3  }
0xa: {  	_ =	strace s18  }
0xb: {  	s1 =	sld [smem:$0x3FFC];
	_ =	sdelay $0x3  }
0xc: {  	_ =	strace s1  }
0xd: {  	s1 =	sld [smem:$0x3FFD];
	_ =	sdelay $0x3  }
0xe: {  	_ =	strace s1  }
0xf: {  	_ =	strace $0x8FFFFFFF  }
0x10: {  	s19 =	sld [smem:$0x3FDB];
	_ =	sdelay $0x1  }
0x11: {  	s20 =	simm.s32 $_scs_section_size  }
0x12: {  	s4 =	simm.s32 $_size__tile_overlayer_lowered;
	s5 =	simm.s32 $_tile_overlayer_lowered  }
0x13: {  	s23 =	simm.s32 $0x1BFF;
	s22 =	sshll.u32 s5, $0x1;
	s1 =	sadd.s32 s20, s19  }
0x14: {  	s6 =	simm.s32 $0x0;
	s21 =	sshll.u32 s4, $0x1;
	s4 =	sadd.s32 s22, s1  }
0x15: {  	[timem:s6], [sflag:s23] =	dma.local [hbm:s4], s21  }
0x16: {  	_ =	swait.ge [sflag:s23], s21  }
0x17: {  	s2 =	ssub.s32 $0x0, s21;
	[sflag:s23] =	ssyncset.done $0x0  }
0x18: {  	[sflag:s23] =	ssyncadd.s32 s2;
	_ =	sdelay $0x1  }
0x19: {  	s24 =	simm.s32 $0x1B8B  }
0x1a: {  	_ =	swait.ge [sflag:s24], $0x1  }
0x1b: {  	[sflag:s24] =	ssyncset.done $0x0  }
0x1c: {  	s26 =	simm.s32 $0x1B8E;
	s25 =	sld [smem:$0x3FFE];
	[sflag:s24] =	ssyncadd.s32 $0xFFFFFFFF  }
0x1d: {  	s27 =	simm.s32 $execute0_lowered;
	[smem:$0x3FD2] =	sst s26  }
0x1e: {  	s4 =	sshll.u32 s27, $0x1;
	_ =	strace $0x80000046;
	[dreg:$0x1] =	wrdreg $0xFFFFFFFF  }
0x1f: {  	s28 =	simm.s32 $_size_execute0_lowered;
	s1 =	sadd.s32 s1, s4;
	[dreg:$0x0] =	wrdreg $0x0  }
0x20: {  	s4 =	sshll.u32 s28, $0x1;
	[dreg:$0x2] =	wrdreg s1  }
0x21: {  	[dreg:$0x3] =	wrdreg s4  }
0x22: {  	[dreg:$0x4] =	wrdreg $0xC0  }
0x23: {  	_ =	task [dreg:s6], $0x5FFFF  }
0x24: {  	[dreg:$0x1] =	wrdreg $0xFFFFFFFF  }
0x25: {  	[dreg:$0x0] =	wrdreg $0x60  }
0x26: {  	[dreg:$0x2] =	wrdreg s25  }
0x27: {  	[dreg:$0x3] =	wrdreg $0x9  }
0x28: {  	_ =	task.clear_ibuf [dreg:s6], $0x4FFFF;
	_ =	strace $0x90000046  }
0x29: {  	s29 =	simm.s32 $0x9;
	_ =	strace $0x80000048  }
0x2a: {  	_ =	swait.ge [sflag:s29], $0x1  }
0x2b: {  	[sflag:s29] =	ssyncadd.s32 $0xFFFFFFFF  }
0x2c: {  	_ =	strace $0x90000048  }
0x2d: {  	_ =	sfence  }
0x2e: {  	s30 =	sld [smem:$0x0];
	_ =	sdelay $0x2  }
0x2f: {  	s31 =	sshll.u32 s3, $0xD;
	s3 =	sshrl.u32 s3, $0x2  }
0x30: {  	s2 =	sand.u32 $0x4000, s31;
	s1 =	sadd.s32 s3, s30  }
0x31: {  	s0 =	sor.u32 s2, s0;
	s1 =	sshll.u32 s1, $0x11  }
0x32: {  	s0 =	sor.u32 s1, s0  }
0x33: {  	s0 =	sadd.s32 $0x8F2B, s0  }
0x34: {  	[sflag:s0] =	ssyncadd.remote.s32 $0x1  }
0x35: {  	_ =	sfence.sel $0xFFFF  }
0x36: {  	[dreg:$0x0] =	wrdreg $0xFFFFFFFF;
	(pc) =	sbr.abs _section_cstart, $3  }
0x37: {  	[dreg:$0x1] =	wrdreg $0xFFFFFFFF  }
0x38: {  	_ =	task.clear_ibuf [dreg:s6], $0x2FFFF;
	_ =	strace $0x9FFFFFFF  }
0x39: {  	(tm) =	ssettm $0x7FFFFFFF  }
tec
execute0_lowered:
.L_overlay_start_1:
0x0: {  	(tag) =	ssettag $0x1  }
0x1: {  	s0 =	srdreg.scid  }
0x2: {  	s6 =	rddreg [dreg:$0x0];
	s7 =	simm.s32 $0x1;
	s1 =	sshll.u32 s0, $0x4  }
0x3: {  	s8 =	simm.s32 $0x2;
	s0 =	stileid.u32;
	s1 =	sand.u32 $0x10, s1  }
0x4: {  	s13 =	simm.s32 $0x0;
	s12 =	simm.s32 $0x0;
	s1 =	sor.u32 s0, s1  }
0x5: {  	s10 =	simm.s32 $0x0;
	s3 =	sadd.s32 $0x3C00, s6;
	s2 =	sshll.u32 s1, $0x9  }
0x6: {  	s11 =	simm.s32 $0x0;
	s6 =	sadd.s32 $0x18A600, s6;
	s5 =	ssub.s32 $0x186A00, s2  }
.Ltmp0:
0x7: {  	s1 =	rddreg [dreg:$0x1];
	s4 =	sand.u32 $0x3E00, s5;
	(pc) =	sbr.rel .LBB1_1-.Ltmp0, $4  }
0x8: {  	_ =	strace $0x80000047;
	s9 =	smov.u32 s2;
	p0 =	sne.s32 s4, $0x0  }
0x9: {  	s5 =	sshrl.u32 s5, $0xE;
	s4 =	simm.s32 $0x1;
	s7 =	simm.s32 @!p0 $0x0  }
0xa: {  	[sflag:s4] =	ssyncpa.u1 $0x0;
	p0 =	por $0x0, $0x0;
	s5 =	sadd.s32 s7, s5  }
0xb: {  	[sflag:s8] =	ssyncpa.u1 $0x0;
	s8 =	simm.s32 $0x80;
	s7 =	sadd.s32 $0x1, s5  }
.LBB1_4:
0xc: {  	[tilespmem:s17+$0xE10 ss:$0x9] =	vst.msk $0xffff, v3;
	v31 =	vld [tilespmem:s18+$0x450]  }
0xd: {  	[tilespmem:s17+$0xEA0 ss:$0x9] =	vst.msk $0xffff, v1;
	v32 =	vld [tilespmem:s18+$0x460];
	s23 =	sadd.s32 $0x80, s18  }
0xe: {  	[tilespmem:s17+$0xF30 ss:$0x9] =	vst.msk $0xffff, v0;
	v35 =	vld [tilespmem:s23+$0xFFFFF7F0]  }
0xf: {  	[tilespmem:s17+$0xFC0 ss:$0x9] =	vst.msk $0xffff, v2;
	v36 =	vld [tilespmem:s23+$0xFFFFF800]  }
0x10: {  	[tilespmem:s17+$0x1050 ss:$0x9] =	vst.msk $0xffff, v4;
	v37 =	vld [tilespmem:s23+$0xFFFFF810]  }
0x11: {  	s24 =	sshra.s32 s19, $0x2;
	v38 =	vld [tilespmem:s23+$0xFFFFF820];
	[tilespmem:s17+$0x10E0 ss:$0x9] =	vst.msk $0xffff, v31  }
0x12: {  	s15 =	sadd.s32 s24, s15;
	v39 =	vld [tilespmem:s23+$0xFFFFF830];
	[tilespmem:s17+$0x1170 ss:$0x9] =	vst.msk $0xffff, v32  }
0x13: {  	v40 =	vld [tilespmem:s23+$0xFFFFF840];
	[tilespmem:s15+$0x0 ss:$0x9] =	vst.msk $0xffff, v35  }
0x14: {  	v41 =	vld [tilespmem:s23+$0xFFFFF850];
	[tilespmem:s15+$0x90 ss:$0x9] =	vst.msk $0xffff, v36  }
0x15: {  	v42 =	vld [tilespmem:s23+$0xFFFFF860];
	[tilespmem:s15+$0x120 ss:$0x9] =	vst.msk $0xffff, v37  }
0x16: {  	v43 =	vld [tilespmem:s23+$0xFFFFFC00];
	[tilespmem:s15+$0x1B0 ss:$0x9] =	vst.msk $0xffff, v38  }
0x17: {  	v44 =	vld [tilespmem:s23+$0xFFFFFC10];
	[tilespmem:s15+$0x240 ss:$0x9] =	vst.msk $0xffff, v39  }
0x18: {  	v45 =	vld [tilespmem:s23+$0xFFFFFC20];
	[tilespmem:s15+$0x2D0 ss:$0x9] =	vst.msk $0xffff, v40  }
0x19: {  	v46 =	vld [tilespmem:s23+$0xFFFFFC30];
	[tilespmem:s15+$0x360 ss:$0x9] =	vst.msk $0xffff, v41  }
0x1a: {  	v47 =	vld [tilespmem:s23+$0xFFFFFC40];
	[tilespmem:s15+$0x3F0 ss:$0x9] =	vst.msk $0xffff, v42  }
0x1b: {  	v48 =	vld [tilespmem:s23+$0xFFFFFC50];
	[tilespmem:s15+$0x510 ss:$0x9] =	vst.msk $0xffff, v43  }
0x1c: {  	v49 =	vld [tilespmem:s23+$0xFFFFFC60];
	[tilespmem:s15+$0x5A0 ss:$0x9] =	vst.msk $0xffff, v44  }
0x1d: {  	v50 =	vld [tilespmem:s23+$0x0];
	[tilespmem:s15+$0x630 ss:$0x9] =	vst.msk $0xffff, v45  }
0x1e: {  	v51 =	vld [tilespmem:s23+$0x10];
	[tilespmem:s15+$0x6C0 ss:$0x9] =	vst.msk $0xffff, v46  }
0x1f: {  	v52 =	vld [tilespmem:s23+$0x20];
	[tilespmem:s15+$0x750 ss:$0x9] =	vst.msk $0xffff, v47  }
0x20: {  	v53 =	vld [tilespmem:s23+$0x30];
	[tilespmem:s15+$0x7E0 ss:$0x9] =	vst.msk $0xffff, v48  }
0x21: {  	v54 =	vld [tilespmem:s23+$0x40];
	[tilespmem:s15+$0x870 ss:$0x9] =	vst.msk $0xffff, v49  }
0x22: {  	v55 =	vld [tilespmem:s23+$0x50];
	[tilespmem:s15+$0x990 ss:$0x9] =	vst.msk $0xffff, v50  }
0x23: {  	v56 =	vld [tilespmem:s23+$0x60];
	[tilespmem:s15+$0xA20 ss:$0x9] =	vst.msk $0xffff, v51  }
0x24: {  	v57 =	vld [tilespmem:s23+$0x400];
	[tilespmem:s15+$0xAB0 ss:$0x9] =	vst.msk $0xffff, v52  }
0x25: {  	v58 =	vld [tilespmem:s23+$0x410];
	[tilespmem:s15+$0xB40 ss:$0x9] =	vst.msk $0xffff, v53  }
0x26: {  	s13 =	sshll.u32 s13, $0x7;
	s25 =	sshll.u32 s12, $0x3;
	v59 =	vld [tilespmem:s23+$0x420];
	[tilespmem:s15+$0xBD0 ss:$0x9] =	vst.msk $0xffff, v54  }
0x27: {  	s26 =	sand.u32 $0xFFFFFC00, s13;
	v60 =	vld [tilespmem:s23+$0x430];
	s17 =	sand.u32 $0xFFFFFC00, s25;
	[tilespmem:s15+$0xC60 ss:$0x9] =	vst.msk $0xffff, v55  }
0x28: {  	s13 =	sand.u32 $0x380, s13;
	v61 =	vld [tilespmem:s23+$0x440];
	s17 =	sadd.s32 s17, s26;
	[tilespmem:s15+$0xCF0 ss:$0x9] =	vst.msk $0xffff, v56  }
0x29: {  	s20 =	sand.u32 $0x180, s20;
	s16 =	sadd.s32 s22, s16;
	v62 =	vld [tilespmem:s23+$0x450];
	[tilespmem:s15+$0xE10 ss:$0x9] =	vst.msk $0xffff, v57;
	s13 =	sor.u32 s13, s17  }
0x2a: {  	s16 =	sadd.s32 s20, s16;
	v63 =	vld [tilespmem:s23+$0x460];
	[tilespmem:s15+$0xEA0 ss:$0x9] =	vst.msk $0xffff, v58;
	s13 =	sshrl.u32 s13, $0x7  }
0x2b: {  	v5 =	vld [tilespmem:s16+$0xC00];
	[tilespmem:s15+$0xF30 ss:$0x9] =	vst.msk $0xffff, v59;
	s27 =	smulhi.u32 $0x14F8B59, s13  }
0x2c: {  	v33 =	vld [tilespmem:s16+$0x400];
	[tilespmem:s15+$0xFC0 ss:$0x9] =	vst.msk $0xffff, v60  }
0x2d: {  	v34 =	vld [tilespmem:s16+$0x800];
	[tilespmem:s15+$0x1050 ss:$0x9] =	vst.msk $0xffff, v61;
	s28 =	sshrl.u32 s27, $0xD  }
0x2e: {  	[tilespmem:s15+$0x10E0 ss:$0x9] =	vst.msk $0xffff, v62;
	s16 =	smul.u32 $0x186A00, s28  }
0x2f: {  	s29 =	sshrl.u32 s12, $0x3;
	[tilespmem:s15+$0x1170 ss:$0x9] =	vst.msk $0xffff, v63  }
0x30: {  	s31 =	sand.u32 $0x7, s12;
	s30 =	sand.u32 $0xF, s29;
	[tilespmem:s15+$0xD80 ss:$0x9] =	vst.msk $0xffff, v5;
	s13 =	ssub.s32 s13, s16  }
0x31: {  	s12 =	sshll.u32 s31, $0x12;
	[tilespmem:s15+$0x480 ss:$0x9] =	vst.msk $0xffff, v33;
	s16 =	sadd.s32 s6, s30;
	s13 =	sshll.u32 s13, $0x4  }
0x32: {  	s12 =	sor.u32 $0x8, s12;
	[tilespmem:s15+$0x900 ss:$0x9] =	vst.msk $0xffff, v34;
	s13 =	sadd.s32 s13, s16  }
0x33: {  	[hbm4b:s13+s12] =	stream.strided.scatter [tilespmem:s14], [sflag:$0x2], $0x1000, s8, s12, $0x0;
	[tilespmem:$0x4400] =	vst v63  }
.LBB1_5:
0x34: {  	s14 =	sadd.s32 $0x4000, s9  }
0x35: {  	s12 =	sadd.s32 $0x8, s10;
	s16 =	smov.u32 s10;
	p2 =	sgt.s32 s14, $0x1869FF  }
0x36: {  	s16 =	smov.u32 @p2 s12  }
0x37: {  	s14 =	smov.u32 @p2 s2;
	p2 =	sgt.s32 s16, $0x7  }
0x38: {  	s16 =	simm.s32 @p2 $0x0;
	p2 =	sne.s32 s11, s7  }
.Ltmp1:
0x39: {  	p1 =	slt.u32 s11, $0x2;
	(pc) =	sbr.rel @!p2 .LBB1_6-.Ltmp1, $4  }
0x3a: {  	s15 =	simm.s32 @!p1 $0x2  }
0x3b: {  	s13 =	smov.u32 s9;
	p0 =	por !p0, !p0;
	_ =	swait.ge @!p1 [sflag:s15], $0x1000  }
0x3c: {  	s12 =	smov.u32 s10;
	[sflag:s15] =	ssyncset.done @!p1 $0x0;
	s9 =	smov.u32 s14  }
0x3d: {  	s11 =	sadd.s32 $0x1, s11;
	[sflag:s15] =	ssyncadd.s32 @!p1 $0xFFFFF000;
	s10 =	smov.u32 s16  }
.LBB1_1:
0x3e: {  	p1 =	sge.u32 s11, s5  }
0x3f: {  	s14 =	sshrl.u32 @!p1 s10, $0x3  }
0x40: {  	s15 =	sshll.u32 @!p1 s9, $0x3;
	s14 =	smul.u32 @!p1 $0xC35000, s14  }
0x41: {  	s16 =	sshll.u32 @!p1 s10, $0x7;
	s15 =	sand.u32 @!p1 $0xFFFFFC00, s15  }
0x42: {  	s14 =	sadd.s32 @!p1 s14, s15;
	s15 =	sand.u32 @!p1 $0x380, s16  }
0x43: {  	s14 =	sor.u32 @!p1 s15, s14  }
0x44: {  	s15 =	sshrl.u32 @!p1 s14, $0x9  }
0x45: {  	s15 =	smulhi.u32 @!p1 $0xA7C5AD, s15;
	_ =	sdelay $0x1  }
0x46: {  	s15 =	sshrl.u32 @!p1 s15, $0x3  }
0x47: {  	s16 =	sand.u32 @!p1 $0x7F, s9;
	s17 =	smul.u32 @!p1 $0x186A00, s15  }
0x48: {  	s14 =	sor.u32 @!p1 s16, s14  }
0x49: {  	s15 =	sand.u32 @!p1 $0x7, s15;
	s14 =	ssub.s32 @!p1 s14, s17  }
0x4a: {  	s16 =	sxor.u32 @!p1 $0xFFFFFFFF, s11;
	s15 =	smul.u32 @!p1 $0x30D40, s15;
	s17 =	sshrl.u32 @!p1 s14, $0x3  }
0x4b: {  	s31 =	sadd.s32 $0xFFFFFFFF, s11;
	s16 =	sshll.u32 @!p1 s16, $0xC;
	s17 =	sadd.s32 @!p1 s3, s17  }
0x4c: {  	s16 =	sand.u32 @!p1 $0x1000, s16;
	s14 =	sand.u32 @!p1 $0x7, s14;
	s15 =	sadd.s32 @!p1 s15, s17  }
0x4d: {  	[tilespmem:s16], [sflag:$0x1] =	stream.linear.gather @!p1 [hbm4b:s15+s14], $0x1000, $0x38;
	[tilespmem:$0x4400] =	vst v63  }
0x4e: {  	p1 =	sge.u32 s31, s5  }
.Ltmp2:
0x4f: {  	_ = 	snop;
	(pc) =	sbr.rel @p1 .LBB1_5-.Ltmp2, $1  }
0x50: {  	_ =	sdelay $0x3  }
0x51: {  	s14 =	simm.s32 $0x1;
	s19 =	sand.u32 $0x1, s11;
	s15 =	simm.s32 $0x0  }
0x52: {  	_ =	swait.ge [sflag:s4], $0x1000;
	s16 =	sshll.u32 s19, $0xC;
	s17 =	sand.u32 $0x200, s15  }
0x53: {  	[sflag:s4] =	ssyncset.done $0x0;
	s15 =	sand.u32 $0x180, s15;
	s17 =	sadd.s32 s17, s16  }
0x54: {  	s14 =	simm.s32 @!p0 $0x0;
	[sflag:s4] =	ssyncadd.s32 $0xFFFFF000;
	s15 =	sadd.s32 s15, s17  }
0x55: {  	s30 =	smul.u32 $0x4800, s14;
	v0 =	vld [tilespmem:s15+$0xC00]  }
0x56: {  	s14 =	sshll.u32 s14, $0xC;
	v1 =	vld [tilespmem:s15+$0x400]  }
0x57: {  	s18 =	sor.u32 $0x810, s14;
	s17 =	sshrl.u32 s30, $0x2;
	v2 =	vld [tilespmem:s15+$0x800]  }
0x58: {  	v3 =	vld [tilespmem:s18+$0xFFFFF7F0];
	s15 =	sor.u32 $0x2000, s17  }
0x59: {  	v4 =	vld [tilespmem:s18+$0xFFFFF800];
	s17 =	sadd.s32 $0x0, s15  }
0x5a: {  	v5 =	vld [tilespmem:s18+$0xFFFFF810];
	[tilespmem:s17+$0xD80 ss:$0x9] =	vst.msk $0xffff, v0  }
0x5b: {  	v6 =	vld [tilespmem:s18+$0x60];
	[tilespmem:s17+$0x480 ss:$0x9] =	vst.msk $0xffff, v1  }
0x5c: {  	v0 =	vld [tilespmem:s18+$0xFFFFF820];
	[tilespmem:s17+$0x900 ss:$0x9] =	vst.msk $0xffff, v2  }
0x5d: {  	[tilespmem:s17+$0x0 ss:$0x9] =	vst.msk $0xffff, v3;
	v2 =	vld [tilespmem:s18+$0xFFFFF840]  }
0x5e: {  	v1 =	vld [tilespmem:s18+$0xFFFFF830];
	[tilespmem:s17+$0x90 ss:$0x9] =	vst.msk $0xffff, v4  }
0x5f: {  	v3 =	vld [tilespmem:s18+$0xFFFFF850];
	[tilespmem:s17+$0x120 ss:$0x9] =	vst.msk $0xffff, v5  }
0x60: {  	v4 =	vld [tilespmem:s18+$0xFFFFF860];
	[tilespmem:s17+$0xCF0 ss:$0x9] =	vst.msk $0xffff, v6  }
0x61: {  	[tilespmem:s17+$0x1B0 ss:$0x9] =	vst.msk $0xffff, v0;
	v0 =	vld [tilespmem:s18+$0xFFFFFC00]  }
0x62: {  	[tilespmem:s17+$0x2D0 ss:$0x9] =	vst.msk $0xffff, v2;
	v2 =	vld [tilespmem:s18+$0xFFFFFC20]  }
0x63: {  	v5 =	vld [tilespmem:s18+$0x40];
	[tilespmem:s17+$0x240 ss:$0x9] =	vst.msk $0xffff, v1  }
0x64: {  	[tilespmem:s17+$0x360 ss:$0x9] =	vst.msk $0xffff, v3;
	v3 =	vld [tilespmem:s18+$0xFFFFFC30]  }
0x65: {  	v1 =	vld [tilespmem:s18+$0xFFFFFC10];
	[tilespmem:s17+$0x3F0 ss:$0x9] =	vst.msk $0xffff, v4  }
0x66: {  	[tilespmem:s17+$0x510 ss:$0x9] =	vst.msk $0xffff, v0;
	v0 =	vld [tilespmem:s18+$0xFFFFFC50]  }
0x67: {  	[tilespmem:s17+$0x630 ss:$0x9] =	vst.msk $0xffff, v2;
	v2 =	vld [tilespmem:s18+$0x0]  }
0x68: {  	v4 =	vld [tilespmem:s18+$0xFFFFFC40];
	[tilespmem:s17+$0xBD0 ss:$0x9] =	vst.msk $0xffff, v5  }
0x69: {  	[tilespmem:s17+$0x6C0 ss:$0x9] =	vst.msk $0xffff, v3;
	v3 =	vld [tilespmem:s18+$0x10]  }
0x6a: {  	[tilespmem:s17+$0x5A0 ss:$0x9] =	vst.msk $0xffff, v1;
	v1 =	vld [tilespmem:s18+$0xFFFFFC60]  }
0x6b: {  	[tilespmem:s17+$0x7E0 ss:$0x9] =	vst.msk $0xffff, v0;
	v0 =	vld [tilespmem:s18+$0x30]  }
0x6c: {  	[tilespmem:s17+$0x990 ss:$0x9] =	vst.msk $0xffff, v2;
	v2 =	vld [tilespmem:s18+$0x50]  }
0x6d: {  	[tilespmem:s17+$0x750 ss:$0x9] =	vst.msk $0xffff, v4;
	v4 =	vld [tilespmem:s18+$0x20]  }
0x6e: {  	[tilespmem:s17+$0xA20 ss:$0x9] =	vst.msk $0xffff, v3;
	v3 =	vld [tilespmem:s18+$0x400]  }
0x6f: {  	s31 =	smul.u32 $0x4800, s19;
	[tilespmem:s17+$0x870 ss:$0x9] =	vst.msk $0xffff, v1;
	v1 =	vld [tilespmem:s18+$0x410]  }
0x70: {  	[tilespmem:s17+$0xB40 ss:$0x9] =	vst.msk $0xffff, v0;
	v0 =	vld [tilespmem:s18+$0x420]  }
0x71: {  	s20 =	simm.s32 $0x80;
	s21 =	simm.s32 $0x8;
	s14 =	sshrl.u32 s31, $0x2;
	[tilespmem:s17+$0xC60 ss:$0x9] =	vst.msk $0xffff, v2;
	v2 =	vld [tilespmem:s18+$0x430]  }
0x72: {  	s19 =	simm.s32 $0x4;
	s22 =	sand.u32 $0x200, s20;
	s14 =	sor.u32 $0x2000, s14;
	[tilespmem:s17+$0xAB0 ss:$0x9] =	vst.msk $0xffff, v4;
	v4 =	vld [tilespmem:s18+$0x440]  }
.LBB1_3:
0x73: {  	p1 =	sne.s32 s21, $0x1C;
	s23 =	sand.u32 $0x180, s20;
	s22 =	sadd.s32 s22, s16;
	[tilespmem:s17+$0xE10 ss:$0x9] =	vst.msk $0xffff, v3;
	v3 =	vld [tilespmem:s18+$0x450]  }
0x74: {  	s22 =	sadd.s32 s23, s22;
	[tilespmem:s17+$0xEA0 ss:$0x9] =	vst.msk $0xffff, v1;
	v1 =	vld [tilespmem:s18+$0x460]  }
0x75: {  	v5 =	vld [tilespmem:s22+$0xC00];
	[tilespmem:s17+$0xF30 ss:$0x9] =	vst.msk $0xffff, v0  }
0x76: {  	v0 =	vld [tilespmem:s22+$0x400];
	[tilespmem:s17+$0xFC0 ss:$0x9] =	vst.msk $0xffff, v2  }
0x77: {  	s18 =	sadd.s32 $0x80, s18;
	v2 =	vld [tilespmem:s22+$0x800];
	[tilespmem:s17+$0x1050 ss:$0x9] =	vst.msk $0xffff, v4  }
0x78: {  	s22 =	sshra.s32 s19, $0x2;
	s19 =	smov.u32 s21;
	v4 =	vld [tilespmem:s18+$0xFFFFF7F0];
	[tilespmem:s17+$0x10E0 ss:$0x9] =	vst.msk $0xffff, v3  }
0x79: {  	v3 =	vld [tilespmem:s18+$0xFFFFF800];
	[tilespmem:s17+$0x1170 ss:$0x9] =	vst.msk $0xffff, v1;
	s17 =	sadd.s32 s22, s15  }
0x7a: {  	v1 =	vld [tilespmem:s18+$0xFFFFF810];
	[tilespmem:s17+$0xD80 ss:$0x9] =	vst.msk $0xffff, v5  }
0x7b: {  	v5 =	vld [tilespmem:s18+$0xFFFFF820];
	[tilespmem:s17+$0x480 ss:$0x9] =	vst.msk $0xffff, v0  }
0x7c: {  	v0 =	vld [tilespmem:s18+$0xFFFFF830];
	[tilespmem:s17+$0x900 ss:$0x9] =	vst.msk $0xffff, v2  }
0x7d: {  	[tilespmem:s17+$0x0 ss:$0x9] =	vst.msk $0xffff, v4;
	v2 =	vld [tilespmem:s18+$0xFFFFF840]  }
0x7e: {  	[tilespmem:s17+$0x90 ss:$0x9] =	vst.msk $0xffff, v3;
	v3 =	vld [tilespmem:s18+$0xFFFFF850]  }
0x7f: {  	[tilespmem:s17+$0x120 ss:$0x9] =	vst.msk $0xffff, v1;
	v1 =	vld [tilespmem:s18+$0xFFFFF860]  }
0x80: {  	[tilespmem:s17+$0x1B0 ss:$0x9] =	vst.msk $0xffff, v5;
	v4 =	vld [tilespmem:s18+$0xFFFFFC00]  }
0x81: {  	[tilespmem:s17+$0x240 ss:$0x9] =	vst.msk $0xffff, v0;
	v0 =	vld [tilespmem:s18+$0xFFFFFC10]  }
0x82: {  	[tilespmem:s17+$0x2D0 ss:$0x9] =	vst.msk $0xffff, v2;
	v2 =	vld [tilespmem:s18+$0xFFFFFC20]  }
0x83: {  	[tilespmem:s17+$0x360 ss:$0x9] =	vst.msk $0xffff, v3;
	v3 =	vld [tilespmem:s18+$0xFFFFFC30]  }
0x84: {  	[tilespmem:s17+$0x3F0 ss:$0x9] =	vst.msk $0xffff, v1;
	v1 =	vld [tilespmem:s18+$0xFFFFFC40]  }
0x85: {  	[tilespmem:s17+$0x510 ss:$0x9] =	vst.msk $0xffff, v4;
	v4 =	vld [tilespmem:s18+$0xFFFFFC50]  }
0x86: {  	[tilespmem:s17+$0x5A0 ss:$0x9] =	vst.msk $0xffff, v0;
	v0 =	vld [tilespmem:s18+$0xFFFFFC60]  }
0x87: {  	[tilespmem:s17+$0x630 ss:$0x9] =	vst.msk $0xffff, v2;
	v2 =	vld [tilespmem:s18+$0x0]  }
0x88: {  	[tilespmem:s17+$0x6C0 ss:$0x9] =	vst.msk $0xffff, v3;
	v3 =	vld [tilespmem:s18+$0x10]  }
0x89: {  	[tilespmem:s17+$0x750 ss:$0x9] =	vst.msk $0xffff, v1;
	v1 =	vld [tilespmem:s18+$0x20]  }
0x8a: {  	[tilespmem:s17+$0x7E0 ss:$0x9] =	vst.msk $0xffff, v4;
	v4 =	vld [tilespmem:s18+$0x30]  }
0x8b: {  	[tilespmem:s17+$0x870 ss:$0x9] =	vst.msk $0xffff, v0;
	v0 =	vld [tilespmem:s18+$0x40]  }
0x8c: {  	[tilespmem:s17+$0x990 ss:$0x9] =	vst.msk $0xffff, v2;
	v2 =	vld [tilespmem:s18+$0x50]  }
0x8d: {  	[tilespmem:s17+$0xA20 ss:$0x9] =	vst.msk $0xffff, v3;
	v5 =	vld [tilespmem:s18+$0x60]  }
.Ltmp3:
0x8e: {  	[tilespmem:s17+$0xAB0 ss:$0x9] =	vst.msk $0xffff, v1;
	v3 =	vld [tilespmem:s18+$0x400];
	(pc) =	sbr.rel @p1 .LBB1_3-.Ltmp3, $4  }
0x8f: {  	[tilespmem:s17+$0xB40 ss:$0x9] =	vst.msk $0xffff, v4;
	v1 =	vld [tilespmem:s18+$0x410]  }
0x90: {  	[tilespmem:s17+$0xBD0 ss:$0x9] =	vst.msk $0xffff, v0;
	v0 =	vld [tilespmem:s18+$0x420]  }
0x91: {  	s20 =	sadd.s32 $0x80, s20;
	[tilespmem:s17+$0xC60 ss:$0x9] =	vst.msk $0xffff, v2;
	v2 =	vld [tilespmem:s18+$0x430]  }
0x92: {  	s21 =	sadd.s32 $0x4, s21;
	s22 =	sand.u32 $0x200, s20;
	[tilespmem:s17+$0xCF0 ss:$0x9] =	vst.msk $0xffff, v5;
	v4 =	vld [tilespmem:s18+$0x440]  }
.Ltmp4:
0x93: {  	_ = 	snop;
	(pc) =	sbr.rel .LBB1_4-.Ltmp4, $1  }
0x94: {  	_ =	sdelay $0x3  }
.LBB1_6:
0x95: {  	_ =	sfence.sel $0x180000  }
0x96: {  	s2 =	simm.s32 $0x1;
	[bflag:$0x0] =	sbarrier.arrive $0xFFFF  }
0x97: {  	s31 =	simm.s32 $0x2;
	[sflag:s2] =	ssyncpa.u1 $0x1  }
0x98: {  	[sflag:s31] =	ssyncpa.u1 $0x1  }
0x99: {  	p0 =	sne.s32 s0, $0x0;
	_ =	strace $0x90000047  }
0x9a: {  	s0 =	sadd.s32 @!p0 $0x100000, s1;
	[bflag:$0x2] =	sbarrier.arrive $0xFFFF  }
0x9b: {  	[sflag:s0] =	ssyncadd.tile.s32 @!p0 $0x1;
	_ =	shalt  }
.Lfunc_end1:
_tile_overlayer_lowered:
.L_overlay_start_2:
0x9c: {  	(tag) =	ssettag $0x2  }
0x9d: {  	s0 =	rddreg [dreg:$0x0];
	s2 =	stileid.u32  }
0x9e: {  	s1 =	rddreg [dreg:$0x1];
	p0 =	sne.s32 s2, $0x0  }
0x9f: {  	s3 =	rddreg [dreg:$0x2];
	[bflag:$0x3] =	sbarrier.arrive $0xFFFF;
	s2 =	simm.s32 @!p0 $0x1C01  }
0xa0: {  	[timem:s3], [sflag:s2] =	dma.local @!p0 [hbm:s0], s1  }
0xa1: {  	s0 =	simm.s32 @!p0 $0x1  }
0xa2: {  	_ =	swait.ge @!p0 [sflag:s0], s1  }
0xa3: {  	s1 =	ssub.s32 @!p0 $0x0, s1;
	[sflag:s0] =	ssyncset.done @!p0 $0x0  }
0xa4: {  	[sflag:s0] =	ssyncadd.s32 @!p0 s1  }
0xa5: {  	[bflag:$0x3] =	sbarrier.arrive $0xFFFF  }
0xa6: {  	_ =	shalt  }

</sc_bundles>
